<compile_context>
chip_gen: v7x
topology: tpu7x:2x2x1
jax: 0.10.2.dev20260603
libtpu: 0.0.44.dev20260713+nightly
codegen_flags: <defaults>
</compile_context>

<pallas_src>
import functools

import jax
import jax.numpy as jnp
from jax import lax
from jax.experimental import pallas as pl
from jax.experimental.pallas import tpu as pltpu
from jax.experimental.pallas import tpu_sc as plsc

N = 10000
E = 320000
D = 128

NC = 2
NS = 16
L = 16

EW = E // NS
C = 80
KCH = EW // C
RT = N // NS
ZB = 25


def _sc_aggregate(node_b, edge_embs, eix_flat):
    mesh = plsc.VectorSubcoreMesh(
        core_axis_name="c", subcore_axis_name="s",
        num_cores=NC, num_subcores=NS)

    out_type = [
        jax.ShapeDtypeStruct((NC, N, D), jnp.float32),
        jax.ShapeDtypeStruct((NC, NS, N), jnp.float32),
    ]
    scratch = [
        pltpu.VMEM((2, C), jnp.int32),
        pltpu.VMEM((2, C), jnp.int32),
        pltpu.VMEM((2, C, D // 2), jnp.int32),
        pltpu.VMEM((2, C, D), jnp.float32),
        pltpu.VMEM((ZB, D), jnp.float32),
        pltpu.VMEM((N,), jnp.float32),
        pltpu.VMEM_SHARED((N, D), jnp.float32),
        pltpu.SemaphoreType.DMA((2,)),
        pltpu.SemaphoreType.DMA((2,)),
        pltpu.SemaphoreType.DMA((2,)),
        pltpu.SemaphoreType.DMA((2,)),
        pltpu.SemaphoreType.DMA((2,)),
    ]

    @functools.partial(
        pl.kernel, out_type=out_type, mesh=mesh, scratch_types=scratch,
        compiler_params=pltpu.CompilerParams(use_tc_tiling_on_sc=False,
                                             needs_layout_passes=False))
    def body(node_hbm, edge_hbm, eix_hbm,
             out_hbm, outd_hbm,
             gidx, sidx, gat, ech, zbuf, deg, acc,
             gsem, igsem, issem, sasem, esem):
        c = lax.axis_index("c")
        s = lax.axis_index("s")
        eoff = s * EW
        gbase = c * E + eoff
        sbase = (1 - c) * E + eoff

        zvec = jnp.zeros((L,), jnp.float32)
        onev = zvec + 1.0

        def zrow(r, _):
            for cb in range(D // L):
                zbuf[r, pl.ds(cb * L, L)] = zvec
            return _
        lax.fori_loop(0, ZB, zrow, 0)

        def zdeg(i, _):
            deg[pl.ds(i * L, L)] = zvec
            return _
        lax.fori_loop(0, N // L, zdeg, 0)

        if True:
            with jax.named_scope("zero_acc"):
                for k in range(RT // ZB):
                    pltpu.sync_copy(zbuf, acc.at[pl.ds(s * RT + k * ZB, ZB)])
                plsc.subcore_barrier()

            def issue_gidx(k, p):
                pltpu.async_copy(eix_hbm.at[pl.ds(gbase + k * C, C)],
                                 gidx.at[p], igsem.at[p])

            def issue_sidx(k, p):
                pltpu.async_copy(eix_hbm.at[pl.ds(sbase + k * C, C)],
                                 sidx.at[p], issem.at[p])

            def issue_gather(p):
                pltpu.async_copy(node_hbm.at[gidx.at[p]], gat.at[p],
                                 gsem.at[p])

            def issue_edge(k, p):
                pltpu.async_copy(edge_hbm.at[pl.ds(eoff + k * C, C)],
                                 ech.at[p], esem.at[p])

            def wait(src, dst, sem):
                pltpu.make_async_copy(src, dst, sem).wait()

            def subtract(p):
                @plsc.parallel_loop(0, C, 1, unroll=4)
                def _(r):
                    for cb in range(D // (2 * L)):
                        sl = pl.ds(cb * L, L)
                        sh = pl.ds(D // 2 + cb * L, L)
                        w = gat[p, r, sl]
                        lo = plsc.bitcast(w << 16, jnp.float32)
                        hi = plsc.bitcast(w & jnp.int32(-65536), jnp.float32)
                        ech[p, r, sl] = lo - ech[p, r, sl]
                        ech[p, r, sh] = hi - ech[p, r, sh]

            def issue_scatter(p):
                pltpu.async_copy(ech.at[p], acc.at[sidx.at[p]], sasem.at[p],
                                 add=True)
                for v in range(C // L):
                    idxv = sidx[p, pl.ds(v * L, L)]
                    plsc.addupdate_scatter(deg, [idxv], onev)

            def wait_scatter(p):
                wait(ech.at[p], acc.at[sidx.at[p]], sasem.at[p])

            pltpu.sync_copy(eix_hbm.at[pl.ds(gbase, C)], gidx.at[0])
            pltpu.sync_copy(eix_hbm.at[pl.ds(sbase, C)], sidx.at[0])
            issue_gather(0)
            issue_edge(0, 0)
            issue_gidx(1, 1)
            issue_sidx(1, 1)
            wait(node_hbm.at[gidx.at[0]], gat.at[0], gsem.at[0])
            wait(eix_hbm.at[pl.ds(gbase, C)], gidx.at[1], igsem.at[1])
            issue_gather(1)
            issue_gidx(2, 0)
            issue_edge(1, 1)
            wait(edge_hbm.at[pl.ds(eoff, C)], ech.at[0], esem.at[0])
            subtract(0)
            issue_scatter(0)

            def step(k, p, guard_i):
                q = 1 - p
                wait(node_hbm.at[gidx.at[p]], gat.at[p], gsem.at[p])
                wait(eix_hbm.at[pl.ds(gbase, C)], gidx.at[q], igsem.at[q])
                issue_gather(q)

                def prefetch_i():
                    issue_gidx(k + 2, p)
                if guard_i is None:
                    prefetch_i()
                else:
                    pl.when(guard_i)(prefetch_i)

                wait_scatter(q)
                issue_edge(k + 1, q)
                issue_sidx(k + 1, q)

                wait(edge_hbm.at[pl.ds(eoff, C)], ech.at[p], esem.at[p])
                subtract(p)

                wait(eix_hbm.at[pl.ds(sbase, C)], sidx.at[p], issem.at[p])
                issue_scatter(p)

            def pair(t, _):
                k1 = 2 * t + 1
                step(k1, 1, None)
                step(k1 + 1, 0, t < (KCH - 4) // 2)
                return _
            with jax.named_scope("main_loop"):
                lax.fori_loop(0, (KCH - 2) // 2, pair, 0)

            wait(node_hbm.at[gidx.at[1]], gat.at[1], gsem.at[1])
            wait_scatter(0)
            wait(edge_hbm.at[pl.ds(eoff, C)], ech.at[1], esem.at[1])
            subtract(1)
            wait(eix_hbm.at[pl.ds(sbase, C)], sidx.at[1], issem.at[1])
            issue_scatter(1)
            wait_scatter(1)
            plsc.subcore_barrier()

            with jax.named_scope("copyout"):
                r0 = s * RT
                pltpu.sync_copy(acc.at[pl.ds(r0, RT)],
                                out_hbm.at[c, pl.ds(r0, RT)])
                pltpu.sync_copy(deg, outd_hbm.at[c, s])

    return body(node_b, edge_embs, eix_flat)


def _tc_combine(accs, degs, node_embs,
                W_O_w, W_I_w, W_S_w, bias_sum, gamma, beta):
    def body(acc_ref, deg_ref, nd_ref, wo_ref, wi_ref, ws_ref,
             bs_ref, g_ref, b_ref, out_ref):
        deg_in = jnp.maximum(jnp.sum(deg_ref[0], axis=0), 1.0).reshape(N, 1)
        deg_out = jnp.maximum(jnp.sum(deg_ref[1], axis=0), 1.0).reshape(N, 1)
        ho = acc_ref[0] / deg_in
        hi = acc_ref[1] / deg_out
        h = (jnp.dot(ho, wo_ref[...].T, preferred_element_type=jnp.float32)
             + jnp.dot(hi, wi_ref[...].T, preferred_element_type=jnp.float32)
             + jnp.dot(nd_ref[...], ws_ref[...].T,
                       preferred_element_type=jnp.float32)
             + bs_ref[...]) / 3.0
        m = jnp.mean(h, axis=0, keepdims=True)
        hc = h - m
        v = jnp.mean(hc * hc, axis=0, keepdims=True)
        out_ref[...] = hc * lax.rsqrt(v + 1e-5) * g_ref[...] + b_ref[...]

    return pl.pallas_call(
        body,
        out_shape=jax.ShapeDtypeStruct((N, D), jnp.float32),
    )(accs, degs, node_embs, W_O_w, W_I_w, W_S_w, bias_sum, gamma, beta)


def kernel(node_embs, edge_embs, edge_index, W_O_w, W_O_b, W_I_w, W_I_b,
           W_S_w, W_S_b, gamma, beta):
    nb16 = node_embs.astype(jnp.bfloat16)
    node_b = jax.lax.bitcast_convert_type(
        jnp.stack([nb16[:, :D // 2], nb16[:, D // 2:]], axis=-1), jnp.int32)
    accs, degs = _sc_aggregate(node_b, edge_embs,
                               edge_index.reshape(2 * E))
    bias_sum = (W_O_b + W_I_b + W_S_b).reshape(1, D)
    return _tc_combine(accs, degs, node_embs,
                       W_O_w, W_I_w, W_S_w, bias_sum,
                       gamma.reshape(1, D), beta.reshape(1, D))

# --- scband reference (transcript-rebuilt; emitter-appended) ---
"""Pipeline reference for scband-comp-gcnlayer-944892805204 (READ-ONLY COPY).

The authoritative reference and input builder live on the scoring server;
editing this copy changes nothing except your own understanding.
"""

import jax, jax.numpy as jnp
import numpy as np

N = 10000
E = 320000
D = 128


def setup_inputs(seed: int = 0) -> dict:
    key = jax.random.key(seed)
    ks = jax.random.split(key, 12)
    inp = {
        "node_embs": jax.random.normal(ks[0], (N, D), dtype=jnp.float32),
        "edge_embs": jax.random.normal(ks[1], (E, D), dtype=jnp.float32),
        "edge_index": jax.random.randint(ks[2], (2, E), 0, N, dtype=jnp.int32),
        "W_O_w": jax.random.normal(ks[3], (D, D), dtype=jnp.float32) / np.sqrt(D),
        "W_O_b": jnp.zeros((D,), dtype=jnp.float32),
        "W_I_w": jax.random.normal(ks[4], (D, D), dtype=jnp.float32) / np.sqrt(D),
        "W_I_b": jnp.zeros((D,), dtype=jnp.float32),
        "W_S_w": jax.random.normal(ks[5], (D, D), dtype=jnp.float32) / np.sqrt(D),
        "W_S_b": jnp.zeros((D,), dtype=jnp.float32),
        "gamma": jnp.ones((D,), dtype=jnp.float32),
        "beta": jnp.zeros((D,), dtype=jnp.float32),
    }
    return inp


def reference(node_embs, edge_embs, edge_index, W_O_w, W_O_b, W_I_w, W_I_b, W_S_w, W_S_b, gamma, beta):
    # CompGCN layer, comp_opt='TransE' (message = h_u - h_e), mean aggregation.
    # Dropout is identity (eval); BatchNorm1d uses batch statistics (training-mode math).
    src = edge_index[0]
    dst = edge_index[1]

    # forward graph: messages u -> v, ho[v] = mean_{(u,v) in E} (h_u - e_{uv})
    m_o = node_embs[src] - edge_embs  # gather on src (SparseCore gather)
    deg_in = jax.ops.segment_sum(jnp.ones((E,), jnp.float32), dst, num_segments=N)
    deg_in = jnp.maximum(deg_in, 1.0)
    ho = jax.ops.segment_sum(m_o, dst, num_segments=N) / deg_in[:, None]

    # reverse graph: hi[u] = mean_{(u,v) in E} (h_v - e_{uv})
    m_i = node_embs[dst] - edge_embs
    deg_out = jax.ops.segment_sum(jnp.ones((E,), jnp.float32), src, num_segments=N)
    deg_out = jnp.maximum(deg_out, 1.0)
    hi = jax.ops.segment_sum(m_i, src, num_segments=N) / deg_out[:, None]

    h = (ho @ W_O_w.T + W_O_b) / 3.0 \
        + (hi @ W_I_w.T + W_I_b) / 3.0 \
        + (node_embs @ W_S_w.T + W_S_b) / 3.0

    mean = jnp.mean(h, axis=0)
    var = jnp.var(h, axis=0)
    h = (h - mean) / jnp.sqrt(var + 1e-5) * gamma + beta
    return h

if __name__ == "__main__":
    import jax
    _d = setup_inputs()
    print(jax.jit(kernel)(*tuple(_d.values())))

</pallas_src>

<mosaic_0001>
#map = affine_map<(d0, d1) -> (0, 0)>
#map1 = affine_map<(d0, d1) -> (0)>
#map2 = affine_map<(d0, d1) -> (0, 0, 0)>
module attributes {stable_mosaic.version = 14 : i64} {
  func.func @body(%arg0: i32, %arg1: i32, %arg2: memref<10000x64xi32, #tpu.memory_space<hbm>>, %arg3: memref<320000x128xf32, #tpu.memory_space<hbm>>, %arg4: memref<640000xi32, #tpu.memory_space<hbm>>, %arg5: memref<2x10000x128xf32, #tpu.memory_space<hbm>>, %arg6: memref<2x16x10000xf32, #tpu.memory_space<hbm>>, %arg7: memref<2x80xi32, #tpu.memory_space<vmem>>, %arg8: memref<2x80xi32, #tpu.memory_space<vmem>>, %arg9: memref<2x80x64xi32, #tpu.memory_space<vmem>>, %arg10: memref<2x80x128xf32, #tpu.memory_space<vmem>>, %arg11: memref<25x128xf32, #tpu.memory_space<vmem>>, %arg12: memref<10000xf32, #tpu.memory_space<vmem>>, %arg13: memref<10000x128xf32, #tpu.memory_space<vmem_shared>>, %arg14: memref<2x!tpu.dma_semaphore, #tpu.memory_space<semaphore_mem>>, %arg15: memref<2x!tpu.dma_semaphore, #tpu.memory_space<semaphore_mem>>, %arg16: memref<2x!tpu.dma_semaphore, #tpu.memory_space<semaphore_mem>>, %arg17: memref<2x!tpu.dma_semaphore, #tpu.memory_space<semaphore_mem>>, %arg18: memref<2x!tpu.dma_semaphore, #tpu.memory_space<semaphore_mem>>) attributes {dimension_semantics = [#tpu.dimension_semantics<core_parallel>, #tpu.dimension_semantics<subcore_parallel>], iteration_bounds = array<i64: 2, 16>, scalar_prefetch = 0 : i64, scratch_operands = 12 : i64, tpu.core_type = #tpu.core_type<sc_vector_subcore>, window_params = [{transform_indices = #map}, {transform_indices = #map}, {transform_indices = #map1}, {transform_indices = #map2}, {transform_indices = #map2}]} {
    %mul3A = arith.constant 20000 : i32
    %mul3A_0 = arith.muli %arg1, %mul3A : i32
    %mul3A_1 = arith.constant 320000 : i32
    %mul3A_2 = arith.muli %arg0, %mul3A_1 : i32
    %add3A = arith.addi %mul3A_2, %mul3A_0 : i32
    %sub3A = arith.constant 1 : i32
    %sub3A_3 = arith.subi %sub3A, %arg0 : i32
    %mul3A_4 = arith.constant 320000 : i32
    %mul3A_5 = arith.muli %sub3A_3, %mul3A_4 : i32
    %add3A_6 = arith.addi %mul3A_5, %mul3A_0 : i32
    %broadcast_in_dim3A = arith.constant 0.000000e+00 : f32
    %broadcast_in_dim3A_7 = vector.broadcast %broadcast_in_dim3A : f32 to vector<16xf32>
    %add3A_8 = arith.constant 1.000000e+00 : f32
    %add3A_9 = vector.broadcast %add3A_8 : f32 to vector<16xf32>
    %add3A_10 = arith.addf %broadcast_in_dim3A_7, %add3A_9 : vector<16xf32>
    %scan3A = arith.constant 0 : i32
    %scan3A_11 = arith.constant 0 : i32
    %scan3A_12 = arith.constant 25 : i32
    %scan3A_13 = arith.addi %scan3A_11, %scan3A_12 : i32
    %scan3A_14 = arith.constant 1 : i32
    scf.for %scan3A_428 = %scan3A_11 to %scan3A_13 step %scan3A_14  : i32 {
      %swap3A = arith.index_cast %scan3A_428 : i32 to index
      %swap3A_429 = arith.constant 0 : index
      %swap3A_430 = tpu.vector_load %arg11[%swap3A, %swap3A_429] {strides = array<i32>} : memref<25x128xf32, #tpu.memory_space<vmem>>, vector<16xf32>,
      tpu.vector_store %arg11[%swap3A, %swap3A_429], %broadcast_in_dim3A_7 {strides = array<i32>} : memref<25x128xf32, #tpu.memory_space<vmem>>, vector<16xf32>,
      %swap3A_431 = arith.index_cast %scan3A_428 : i32 to index
      %swap3A_432 = arith.constant 16 : index
      %swap3A_433 = tpu.vector_load %arg11[%swap3A_431, %swap3A_432] {strides = array<i32>} : memref<25x128xf32, #tpu.memory_space<vmem>>, vector<16xf32>,
      tpu.vector_store %arg11[%swap3A_431, %swap3A_432], %broadcast_in_dim3A_7 {strides = array<i32>} : memref<25x128xf32, #tpu.memory_space<vmem>>, vector<16xf32>,
      %swap3A_434 = arith.index_cast %scan3A_428 : i32 to index
      %swap3A_435 = arith.constant 32 : index
      %swap3A_436 = tpu.vector_load %arg11[%swap3A_434, %swap3A_435] {strides = array<i32>} : memref<25x128xf32, #tpu.memory_space<vmem>>, vector<16xf32>,
      tpu.vector_store %arg11[%swap3A_434, %swap3A_435], %broadcast_in_dim3A_7 {strides = array<i32>} : memref<25x128xf32, #tpu.memory_space<vmem>>, vector<16xf32>,
      %swap3A_437 = arith.index_cast %scan3A_428 : i32 to index
      %swap3A_438 = arith.constant 48 : index
      %swap3A_439 = tpu.vector_load %arg11[%swap3A_437, %swap3A_438] {strides = array<i32>} : memref<25x128xf32, #tpu.memory_space<vmem>>, vector<16xf32>,
      tpu.vector_store %arg11[%swap3A_437, %swap3A_438], %broadcast_in_dim3A_7 {strides = array<i32>} : memref<25x128xf32, #tpu.memory_space<vmem>>, vector<16xf32>,
      %swap3A_440 = arith.index_cast %scan3A_428 : i32 to index
      %swap3A_441 = arith.constant 64 : index
      %swap3A_442 = tpu.vector_load %arg11[%swap3A_440, %swap3A_441] {strides = array<i32>} : memref<25x128xf32, #tpu.memory_space<vmem>>, vector<16xf32>,
      tpu.vector_store %arg11[%swap3A_440, %swap3A_441], %broadcast_in_dim3A_7 {strides = array<i32>} : memref<25x128xf32, #tpu.memory_space<vmem>>, vector<16xf32>,
      %swap3A_443 = arith.index_cast %scan3A_428 : i32 to index
      %swap3A_444 = arith.constant 80 : index
      %swap3A_445 = tpu.vector_load %arg11[%swap3A_443, %swap3A_444] {strides = array<i32>} : memref<25x128xf32, #tpu.memory_space<vmem>>, vector<16xf32>,
      tpu.vector_store %arg11[%swap3A_443, %swap3A_444], %broadcast_in_dim3A_7 {strides = array<i32>} : memref<25x128xf32, #tpu.memory_space<vmem>>, vector<16xf32>,
      %swap3A_446 = arith.index_cast %scan3A_428 : i32 to index
      %swap3A_447 = arith.constant 96 : index
      %swap3A_448 = tpu.vector_load %arg11[%swap3A_446, %swap3A_447] {strides = array<i32>} : memref<25x128xf32, #tpu.memory_space<vmem>>, vector<16xf32>,
      tpu.vector_store %arg11[%swap3A_446, %swap3A_447], %broadcast_in_dim3A_7 {strides = array<i32>} : memref<25x128xf32, #tpu.memory_space<vmem>>, vector<16xf32>,
      %swap3A_449 = arith.index_cast %scan3A_428 : i32 to index
      %swap3A_450 = arith.constant 112 : index
      %swap3A_451 = tpu.vector_load %arg11[%swap3A_449, %swap3A_450] {strides = array<i32>} : memref<25x128xf32, #tpu.memory_space<vmem>>, vector<16xf32>,
      tpu.vector_store %arg11[%swap3A_449, %swap3A_450], %broadcast_in_dim3A_7 {strides = array<i32>} : memref<25x128xf32, #tpu.memory_space<vmem>>, vector<16xf32>,
    }
    %scan3A_15 = arith.constant 25 : i32
    %scan3A_16 = arith.constant 0 : i32
    %scan3A_17 = arith.constant 0 : i32
    %scan3A_18 = arith.constant 625 : i32
    %scan3A_19 = arith.addi %scan3A_17, %scan3A_18 : i32
    %scan3A_20 = arith.constant 1 : i32
    scf.for %scan3A_428 = %scan3A_17 to %scan3A_19 step %scan3A_20  : i32 {
      %mul3A_429 = arith.constant 16 : i32
      %mul3A_430 = arith.muli %scan3A_428, %mul3A_429 : i32
      %swap3A = arith.index_cast %mul3A_430 : i32 to index
      %swap3A_431 = tpu.vector_load %arg12[%swap3A] {strides = array<i32>} : memref<10000xf32, #tpu.memory_space<vmem>>, vector<16xf32>,
      tpu.vector_store %arg12[%swap3A], %broadcast_in_dim3A_7 {strides = array<i32>} : memref<10000xf32, #tpu.memory_space<vmem>>, vector<16xf32>,
    }
    %scan3A_21 = arith.constant 625 : i32
    "tpu.trace_start"() <{level = 10 : i32, message = "zero_acc"}> : () -> ()
    %mul3A_22 = arith.constant 625 : i32
    %mul3A_23 = arith.muli %arg1, %mul3A_22 : i32
    %add3A_24 = arith.constant 0 : i32
    %add3A_25 = arith.addi %mul3A_23, %add3A_24 : i32
    "tpu.region"() ({
      %run_scoped3A_428 = tpu.sem_alloc : memref<!tpu.dma_semaphore, #tpu.memory_space<semaphore_mem>>
      %dma_start3A_429 = arith.constant 0 : i32
      %dma_start3A_430 = tpu.memref_slice %arg13[%add3A_25, %dma_start3A_429] : memref<10000x128xf32, #tpu.memory_space<vmem_shared>> -> memref<25x128xf32, #tpu.memory_space<vmem_shared>>
      %dma_start3A_431 = arith.constant 0 : i32
      %dma_start3A_432 = tpu.memref_slice %arg13[%add3A_25, %dma_start3A_431] : memref<10000x128xf32, #tpu.memory_space<vmem_shared>> -> memref<25x128xf32, #tpu.memory_space<vmem_shared>>
      tpu.enqueue_dma source(%arg11 : memref<25x128xf32, #tpu.memory_space<vmem>>) target(%dma_start3A_432 : memref<25x128xf32, #tpu.memory_space<vmem_shared>>) target_semaphore(%run_scoped3A_428 : memref<!tpu.dma_semaphore, #tpu.memory_space<semaphore_mem>>)
      %dma_wait3A_433 = arith.constant 0 : i32
      %dma_wait3A_434 = tpu.memref_slice %arg13[%add3A_25, %dma_wait3A_433] : memref<10000x128xf32, #tpu.memory_space<vmem_shared>> -> memref<25x128xf32, #tpu.memory_space<vmem_shared>>
      %dma_wait3A_435 = arith.constant 0 : i32
      %dma_wait3A_436 = tpu.memref_slice %arg13[%add3A_25, %dma_wait3A_435] : memref<10000x128xf32, #tpu.memory_space<vmem_shared>> -> memref<25x128xf32, #tpu.memory_space<vmem_shared>>
      tpu.wait_dma2 semaphore(%run_scoped3A_428 : memref<!tpu.dma_semaphore, #tpu.memory_space<semaphore_mem>>) src(%arg11 : memref<25x128xf32, #tpu.memory_space<vmem>>) dst(%dma_wait3A_436 : memref<25x128xf32, #tpu.memory_space<vmem_shared>>)
      tpu.yield
    }) : () -> ()
    %mul3A_26 = arith.constant 625 : i32
    %mul3A_27 = arith.muli %arg1, %mul3A_26 : i32
    %add3A_28 = arith.constant 25 : i32
    %add3A_29 = arith.addi %mul3A_27, %add3A_28 : i32
    "tpu.region"() ({
      %run_scoped3A_428 = tpu.sem_alloc : memref<!tpu.dma_semaphore, #tpu.memory_space<semaphore_mem>>
      %dma_start3A_429 = arith.constant 0 : i32
      %dma_start3A_430 = tpu.memref_slice %arg13[%add3A_29, %dma_start3A_429] : memref<10000x128xf32, #tpu.memory_space<vmem_shared>> -> memref<25x128xf32, #tpu.memory_space<vmem_shared>>
      %dma_start3A_431 = arith.constant 0 : i32
      %dma_start3A_432 = tpu.memref_slice %arg13[%add3A_29, %dma_start3A_431] : memref<10000x128xf32, #tpu.memory_space<vmem_shared>> -> memref<25x128xf32, #tpu.memory_space<vmem_shared>>
      tpu.enqueue_dma source(%arg11 : memref<25x128xf32, #tpu.memory_space<vmem>>) target(%dma_start3A_432 : memref<25x128xf32, #tpu.memory_space<vmem_shared>>) target_semaphore(%run_scoped3A_428 : memref<!tpu.dma_semaphore, #tpu.memory_space<semaphore_mem>>)
      %dma_wait3A_433 = arith.constant 0 : i32
      %dma_wait3A_434 = tpu.memref_slice %arg13[%add3A_29, %dma_wait3A_433] : memref<10000x128xf32, #tpu.memory_space<vmem_shared>> -> memref<25x128xf32, #tpu.memory_space<vmem_shared>>
      %dma_wait3A_435 = arith.constant 0 : i32
      %dma_wait3A_436 = tpu.memref_slice %arg13[%add3A_29, %dma_wait3A_435] : memref<10000x128xf32, #tpu.memory_space<vmem_shared>> -> memref<25x128xf32, #tpu.memory_space<vmem_shared>>
      tpu.wait_dma2 semaphore(%run_scoped3A_428 : memref<!tpu.dma_semaphore, #tpu.memory_space<semaphore_mem>>) src(%arg11 : memref<25x128xf32, #tpu.memory_space<vmem>>) dst(%dma_wait3A_436 : memref<25x128xf32, #tpu.memory_space<vmem_shared>>)
      tpu.yield
    }) : () -> ()
    %mul3A_30 = arith.constant 625 : i32
    %mul3A_31 = arith.muli %arg1, %mul3A_30 : i32
    %add3A_32 = arith.constant 50 : i32
    %add3A_33 = arith.addi %mul3A_31, %add3A_32 : i32
    "tpu.region"() ({
      %run_scoped3A_428 = tpu.sem_alloc : memref<!tpu.dma_semaphore, #tpu.memory_space<semaphore_mem>>
      %dma_start3A_429 = arith.constant 0 : i32
      %dma_start3A_430 = tpu.memref_slice %arg13[%add3A_33, %dma_start3A_429] : memref<10000x128xf32, #tpu.memory_space<vmem_shared>> -> memref<25x128xf32, #tpu.memory_space<vmem_shared>>
      %dma_start3A_431 = arith.constant 0 : i32
      %dma_start3A_432 = tpu.memref_slice %arg13[%add3A_33, %dma_start3A_431] : memref<10000x128xf32, #tpu.memory_space<vmem_shared>> -> memref<25x128xf32, #tpu.memory_space<vmem_shared>>
      tpu.enqueue_dma source(%arg11 : memref<25x128xf32, #tpu.memory_space<vmem>>) target(%dma_start3A_432 : memref<25x128xf32, #tpu.memory_space<vmem_shared>>) target_semaphore(%run_scoped3A_428 : memref<!tpu.dma_semaphore, #tpu.memory_space<semaphore_mem>>)
      %dma_wait3A_433 = arith.constant 0 : i32
      %dma_wait3A_434 = tpu.memref_slice %arg13[%add3A_33, %dma_wait3A_433] : memref<10000x128xf32, #tpu.memory_space<vmem_shared>> -> memref<25x128xf32, #tpu.memory_space<vmem_shared>>
      %dma_wait3A_435 = arith.constant 0 : i32
      %dma_wait3A_436 = tpu.memref_slice %arg13[%add3A_33, %dma_wait3A_435] : memref<10000x128xf32, #tpu.memory_space<vmem_shared>> -> memref<25x128xf32, #tpu.memory_space<vmem_shared>>
      tpu.wait_dma2 semaphore(%run_scoped3A_428 : memref<!tpu.dma_semaphore, #tpu.memory_space<semaphore_mem>>) src(%arg11 : memref<25x128xf32, #tpu.memory_space<vmem>>) dst(%dma_wait3A_436 : memref<25x128xf32, #tpu.memory_space<vmem_shared>>)
      tpu.yield
    }) : () -> ()
    %mul3A_34 = arith.constant 625 : i32
    %mul3A_35 = arith.muli %arg1, %mul3A_34 : i32
    %add3A_36 = arith.constant 75 : i32
    %add3A_37 = arith.addi %mul3A_35, %add3A_36 : i32
    "tpu.region"() ({
      %run_scoped3A_428 = tpu.sem_alloc : memref<!tpu.dma_semaphore, #tpu.memory_space<semaphore_mem>>
      %dma_start3A_429 = arith.constant 0 : i32
      %dma_start3A_430 = tpu.memref_slice %arg13[%add3A_37, %dma_start3A_429] : memref<10000x128xf32, #tpu.memory_space<vmem_shared>> -> memref<25x128xf32, #tpu.memory_space<vmem_shared>>
      %dma_start3A_431 = arith.constant 0 : i32
      %dma_start3A_432 = tpu.memref_slice %arg13[%add3A_37, %dma_start3A_431] : memref<10000x128xf32, #tpu.memory_space<vmem_shared>> -> memref<25x128xf32, #tpu.memory_space<vmem_shared>>
      tpu.enqueue_dma source(%arg11 : memref<25x128xf32, #tpu.memory_space<vmem>>) target(%dma_start3A_432 : memref<25x128xf32, #tpu.memory_space<vmem_shared>>) target_semaphore(%run_scoped3A_428 : memref<!tpu.dma_semaphore, #tpu.memory_space<semaphore_mem>>)
      %dma_wait3A_433 = arith.constant 0 : i32
      %dma_wait3A_434 = tpu.memref_slice %arg13[%add3A_37, %dma_wait3A_433] : memref<10000x128xf32, #tpu.memory_space<vmem_shared>> -> memref<25x128xf32, #tpu.memory_space<vmem_shared>>
      %dma_wait3A_435 = arith.constant 0 : i32
      %dma_wait3A_436 = tpu.memref_slice %arg13[%add3A_37, %dma_wait3A_435] : memref<10000x128xf32, #tpu.memory_space<vmem_shared>> -> memref<25x128xf32, #tpu.memory_space<vmem_shared>>
      tpu.wait_dma2 semaphore(%run_scoped3A_428 : memref<!tpu.dma_semaphore, #tpu.memory_space<semaphore_mem>>) src(%arg11 : memref<25x128xf32, #tpu.memory_space<vmem>>) dst(%dma_wait3A_436 : memref<25x128xf32, #tpu.memory_space<vmem_shared>>)
      tpu.yield
    }) : () -> ()
    %mul3A_38 = arith.constant 625 : i32
    %mul3A_39 = arith.muli %arg1, %mul3A_38 : i32
    %add3A_40 = arith.constant 100 : i32
    %add3A_41 = arith.addi %mul3A_39, %add3A_40 : i32
    "tpu.region"() ({
      %run_scoped3A_428 = tpu.sem_alloc : memref<!tpu.dma_semaphore, #tpu.memory_space<semaphore_mem>>
      %dma_start3A_429 = arith.constant 0 : i32
      %dma_start3A_430 = tpu.memref_slice %arg13[%add3A_41, %dma_start3A_429] : memref<10000x128xf32, #tpu.memory_space<vmem_shared>> -> memref<25x128xf32, #tpu.memory_space<vmem_shared>>
      %dma_start3A_431 = arith.constant 0 : i32
      %dma_start3A_432 = tpu.memref_slice %arg13[%add3A_41, %dma_start3A_431] : memref<10000x128xf32, #tpu.memory_space<vmem_shared>> -> memref<25x128xf32, #tpu.memory_space<vmem_shared>>
      tpu.enqueue_dma source(%arg11 : memref<25x128xf32, #tpu.memory_space<vmem>>) target(%dma_start3A_432 : memref<25x128xf32, #tpu.memory_space<vmem_shared>>) target_semaphore(%run_scoped3A_428 : memref<!tpu.dma_semaphore, #tpu.memory_space<semaphore_mem>>)
      %dma_wait3A_433 = arith.constant 0 : i32
      %dma_wait3A_434 = tpu.memref_slice %arg13[%add3A_41, %dma_wait3A_433] : memref<10000x128xf32, #tpu.memory_space<vmem_shared>> -> memref<25x128xf32, #tpu.memory_space<vmem_shared>>
      %dma_wait3A_435 = arith.constant 0 : i32
      %dma_wait3A_436 = tpu.memref_slice %arg13[%add3A_41, %dma_wait3A_435] : memref<10000x128xf32, #tpu.memory_space<vmem_shared>> -> memref<25x128xf32, #tpu.memory_space<vmem_shared>>
      tpu.wait_dma2 semaphore(%run_scoped3A_428 : memref<!tpu.dma_semaphore, #tpu.memory_space<semaphore_mem>>) src(%arg11 : memref<25x128xf32, #tpu.memory_space<vmem>>) dst(%dma_wait3A_436 : memref<25x128xf32, #tpu.memory_space<vmem_shared>>)
      tpu.yield
    }) : () -> ()
    %mul3A_42 = arith.constant 625 : i32
    %mul3A_43 = arith.muli %arg1, %mul3A_42 : i32
    %add3A_44 = arith.constant 125 : i32
    %add3A_45 = arith.addi %mul3A_43, %add3A_44 : i32
    "tpu.region"() ({
      %run_scoped3A_428 = tpu.sem_alloc : memref<!tpu.dma_semaphore, #tpu.memory_space<semaphore_mem>>
      %dma_start3A_429 = arith.constant 0 : i32
      %dma_start3A_430 = tpu.memref_slice %arg13[%add3A_45, %dma_start3A_429] : memref<10000x128xf32, #tpu.memory_space<vmem_shared>> -> memref<25x128xf32, #tpu.memory_space<vmem_shared>>
      %dma_start3A_431 = arith.constant 0 : i32
      %dma_start3A_432 = tpu.memref_slice %arg13[%add3A_45, %dma_start3A_431] : memref<10000x128xf32, #tpu.memory_space<vmem_shared>> -> memref<25x128xf32, #tpu.memory_space<vmem_shared>>
      tpu.enqueue_dma source(%arg11 : memref<25x128xf32, #tpu.memory_space<vmem>>) target(%dma_start3A_432 : memref<25x128xf32, #tpu.memory_space<vmem_shared>>) target_semaphore(%run_scoped3A_428 : memref<!tpu.dma_semaphore, #tpu.memory_space<semaphore_mem>>)
      %dma_wait3A_433 = arith.constant 0 : i32
      %dma_wait3A_434 = tpu.memref_slice %arg13[%add3A_45, %dma_wait3A_433] : memref<10000x128xf32, #tpu.memory_space<vmem_shared>> -> memref<25x128xf32, #tpu.memory_space<vmem_shared>>
      %dma_wait3A_435 = arith.constant 0 : i32
      %dma_wait3A_436 = tpu.memref_slice %arg13[%add3A_45, %dma_wait3A_435] : memref<10000x128xf32, #tpu.memory_space<vmem_shared>> -> memref<25x128xf32, #tpu.memory_space<vmem_shared>>
      tpu.wait_dma2 semaphore(%run_scoped3A_428 : memref<!tpu.dma_semaphore, #tpu.memory_space<semaphore_mem>>) src(%arg11 : memref<25x128xf32, #tpu.memory_space<vmem>>) dst(%dma_wait3A_436 : memref<25x128xf32, #tpu.memory_space<vmem_shared>>)
      tpu.yield
    }) : () -> ()
    %mul3A_46 = arith.constant 625 : i32
    %mul3A_47 = arith.muli %arg1, %mul3A_46 : i32
    %add3A_48 = arith.constant 150 : i32
    %add3A_49 = arith.addi %mul3A_47, %add3A_48 : i32
    "tpu.region"() ({
      %run_scoped3A_428 = tpu.sem_alloc : memref<!tpu.dma_semaphore, #tpu.memory_space<semaphore_mem>>
      %dma_start3A_429 = arith.constant 0 : i32
      %dma_start3A_430 = tpu.memref_slice %arg13[%add3A_49, %dma_start3A_429] : memref<10000x128xf32, #tpu.memory_space<vmem_shared>> -> memref<25x128xf32, #tpu.memory_space<vmem_shared>>
      %dma_start3A_431 = arith.constant 0 : i32
      %dma_start3A_432 = tpu.memref_slice %arg13[%add3A_49, %dma_start3A_431] : memref<10000x128xf32, #tpu.memory_space<vmem_shared>> -> memref<25x128xf32, #tpu.memory_space<vmem_shared>>
      tpu.enqueue_dma source(%arg11 : memref<25x128xf32, #tpu.memory_space<vmem>>) target(%dma_start3A_432 : memref<25x128xf32, #tpu.memory_space<vmem_shared>>) target_semaphore(%run_scoped3A_428 : memref<!tpu.dma_semaphore, #tpu.memory_space<semaphore_mem>>)
      %dma_wait3A_433 = arith.constant 0 : i32
      %dma_wait3A_434 = tpu.memref_slice %arg13[%add3A_49, %dma_wait3A_433] : memref<10000x128xf32, #tpu.memory_space<vmem_shared>> -> memref<25x128xf32, #tpu.memory_space<vmem_shared>>
      %dma_wait3A_435 = arith.constant 0 : i32
      %dma_wait3A_436 = tpu.memref_slice %arg13[%add3A_49, %dma_wait3A_435] : memref<10000x128xf32, #tpu.memory_space<vmem_shared>> -> memref<25x128xf32, #tpu.memory_space<vmem_shared>>
      tpu.wait_dma2 semaphore(%run_scoped3A_428 : memref<!tpu.dma_semaphore, #tpu.memory_space<semaphore_mem>>) src(%arg11 : memref<25x128xf32, #tpu.memory_space<vmem>>) dst(%dma_wait3A_436 : memref<25x128xf32, #tpu.memory_space<vmem_shared>>)
      tpu.yield
    }) : () -> ()
    %mul3A_50 = arith.constant 625 : i32
    %mul3A_51 = arith.muli %arg1, %mul3A_50 : i32
    %add3A_52 = arith.constant 175 : i32
    %add3A_53 = arith.addi %mul3A_51, %add3A_52 : i32
    "tpu.region"() ({
      %run_scoped3A_428 = tpu.sem_alloc : memref<!tpu.dma_semaphore, #tpu.memory_space<semaphore_mem>>
      %dma_start3A_429 = arith.constant 0 : i32
      %dma_start3A_430 = tpu.memref_slice %arg13[%add3A_53, %dma_start3A_429] : memref<10000x128xf32, #tpu.memory_space<vmem_shared>> -> memref<25x128xf32, #tpu.memory_space<vmem_shared>>
      %dma_start3A_431 = arith.constant 0 : i32
      %dma_start3A_432 = tpu.memref_slice %arg13[%add3A_53, %dma_start3A_431] : memref<10000x128xf32, #tpu.memory_space<vmem_shared>> -> memref<25x128xf32, #tpu.memory_space<vmem_shared>>
      tpu.enqueue_dma source(%arg11 : memref<25x128xf32, #tpu.memory_space<vmem>>) target(%dma_start3A_432 : memref<25x128xf32, #tpu.memory_space<vmem_shared>>) target_semaphore(%run_scoped3A_428 : memref<!tpu.dma_semaphore, #tpu.memory_space<semaphore_mem>>)
      %dma_wait3A_433 = arith.constant 0 : i32
      %dma_wait3A_434 = tpu.memref_slice %arg13[%add3A_53, %dma_wait3A_433] : memref<10000x128xf32, #tpu.memory_space<vmem_shared>> -> memref<25x128xf32, #tpu.memory_space<vmem_shared>>
      %dma_wait3A_435 = arith.constant 0 : i32
      %dma_wait3A_436 = tpu.memref_slice %arg13[%add3A_53, %dma_wait3A_435] : memref<10000x128xf32, #tpu.memory_space<vmem_shared>> -> memref<25x128xf32, #tpu.memory_space<vmem_shared>>
      tpu.wait_dma2 semaphore(%run_scoped3A_428 : memref<!tpu.dma_semaphore, #tpu.memory_space<semaphore_mem>>) src(%arg11 : memref<25x128xf32, #tpu.memory_space<vmem>>) dst(%dma_wait3A_436 : memref<25x128xf32, #tpu.memory_space<vmem_shared>>)
      tpu.yield
    }) : () -> ()
    %mul3A_54 = arith.constant 625 : i32
    %mul3A_55 = arith.muli %arg1, %mul3A_54 : i32
    %add3A_56 = arith.constant 200 : i32
    %add3A_57 = arith.addi %mul3A_55, %add3A_56 : i32
    "tpu.region"() ({
      %run_scoped3A_428 = tpu.sem_alloc : memref<!tpu.dma_semaphore, #tpu.memory_space<semaphore_mem>>
      %dma_start3A_429 = arith.constant 0 : i32
      %dma_start3A_430 = tpu.memref_slice %arg13[%add3A_57, %dma_start3A_429] : memref<10000x128xf32, #tpu.memory_space<vmem_shared>> -> memref<25x128xf32, #tpu.memory_space<vmem_shared>>
      %dma_start3A_431 = arith.constant 0 : i32
      %dma_start3A_432 = tpu.memref_slice %arg13[%add3A_57, %dma_start3A_431] : memref<10000x128xf32, #tpu.memory_space<vmem_shared>> -> memref<25x128xf32, #tpu.memory_space<vmem_shared>>
      tpu.enqueue_dma source(%arg11 : memref<25x128xf32, #tpu.memory_space<vmem>>) target(%dma_start3A_432 : memref<25x128xf32, #tpu.memory_space<vmem_shared>>) target_semaphore(%run_scoped3A_428 : memref<!tpu.dma_semaphore, #tpu.memory_space<semaphore_mem>>)
      %dma_wait3A_433 = arith.constant 0 : i32
      %dma_wait3A_434 = tpu.memref_slice %arg13[%add3A_57, %dma_wait3A_433] : memref<10000x128xf32, #tpu.memory_space<vmem_shared>> -> memref<25x128xf32, #tpu.memory_space<vmem_shared>>
      %dma_wait3A_435 = arith.constant 0 : i32
      %dma_wait3A_436 = tpu.memref_slice %arg13[%add3A_57, %dma_wait3A_435] : memref<10000x128xf32, #tpu.memory_space<vmem_shared>> -> memref<25x128xf32, #tpu.memory_space<vmem_shared>>
      tpu.wait_dma2 semaphore(%run_scoped3A_428 : memref<!tpu.dma_semaphore, #tpu.memory_space<semaphore_mem>>) src(%arg11 : memref<25x128xf32, #tpu.memory_space<vmem>>) dst(%dma_wait3A_436 : memref<25x128xf32, #tpu.memory_space<vmem_shared>>)
      tpu.yield
    }) : () -> ()
    %mul3A_58 = arith.constant 625 : i32
    %mul3A_59 = arith.muli %arg1, %mul3A_58 : i32
    %add3A_60 = arith.constant 225 : i32
    %add3A_61 = arith.addi %mul3A_59, %add3A_60 : i32
    "tpu.region"() ({
      %run_scoped3A_428 = tpu.sem_alloc : memref<!tpu.dma_semaphore, #tpu.memory_space<semaphore_mem>>
      %dma_start3A_429 = arith.constant 0 : i32
      %dma_start3A_430 = tpu.memref_slice %arg13[%add3A_61, %dma_start3A_429] : memref<10000x128xf32, #tpu.memory_space<vmem_shared>> -> memref<25x128xf32, #tpu.memory_space<vmem_shared>>
      %dma_start3A_431 = arith.constant 0 : i32
      %dma_start3A_432 = tpu.memref_slice %arg13[%add3A_61, %dma_start3A_431] : memref<10000x128xf32, #tpu.memory_space<vmem_shared>> -> memref<25x128xf32, #tpu.memory_space<vmem_shared>>
      tpu.enqueue_dma source(%arg11 : memref<25x128xf32, #tpu.memory_space<vmem>>) target(%dma_start3A_432 : memref<25x128xf32, #tpu.memory_space<vmem_shared>>) target_semaphore(%run_scoped3A_428 : memref<!tpu.dma_semaphore, #tpu.memory_space<semaphore_mem>>)
      %dma_wait3A_433 = arith.constant 0 : i32
      %dma_wait3A_434 = tpu.memref_slice %arg13[%add3A_61, %dma_wait3A_433] : memref<10000x128xf32, #tpu.memory_space<vmem_shared>> -> memref<25x128xf32, #tpu.memory_space<vmem_shared>>
      %dma_wait3A_435 = arith.constant 0 : i32
      %dma_wait3A_436 = tpu.memref_slice %arg13[%add3A_61, %dma_wait3A_435] : memref<10000x128xf32, #tpu.memory_space<vmem_shared>> -> memref<25x128xf32, #tpu.memory_space<vmem_shared>>
      tpu.wait_dma2 semaphore(%run_scoped3A_428 : memref<!tpu.dma_semaphore, #tpu.memory_space<semaphore_mem>>) src(%arg11 : memref<25x128xf32, #tpu.memory_space<vmem>>) dst(%dma_wait3A_436 : memref<25x128xf32, #tpu.memory_space<vmem_shared>>)
      tpu.yield
    }) : () -> ()
    %mul3A_62 = arith.constant 625 : i32
    %mul3A_63 = arith.muli %arg1, %mul3A_62 : i32
    %add3A_64 = arith.constant 250 : i32
    %add3A_65 = arith.addi %mul3A_63, %add3A_64 : i32
    "tpu.region"() ({
      %run_scoped3A_428 = tpu.sem_alloc : memref<!tpu.dma_semaphore, #tpu.memory_space<semaphore_mem>>
      %dma_start3A_429 = arith.constant 0 : i32
      %dma_start3A_430 = tpu.memref_slice %arg13[%add3A_65, %dma_start3A_429] : memref<10000x128xf32, #tpu.memory_space<vmem_shared>> -> memref<25x128xf32, #tpu.memory_space<vmem_shared>>
      %dma_start3A_431 = arith.constant 0 : i32
      %dma_start3A_432 = tpu.memref_slice %arg13[%add3A_65, %dma_start3A_431] : memref<10000x128xf32, #tpu.memory_space<vmem_shared>> -> memref<25x128xf32, #tpu.memory_space<vmem_shared>>
      tpu.enqueue_dma source(%arg11 : memref<25x128xf32, #tpu.memory_space<vmem>>) target(%dma_start3A_432 : memref<25x128xf32, #tpu.memory_space<vmem_shared>>) target_semaphore(%run_scoped3A_428 : memref<!tpu.dma_semaphore, #tpu.memory_space<semaphore_mem>>)
      %dma_wait3A_433 = arith.constant 0 : i32
      %dma_wait3A_434 = tpu.memref_slice %arg13[%add3A_65, %dma_wait3A_433] : memref<10000x128xf32, #tpu.memory_space<vmem_shared>> -> memref<25x128xf32, #tpu.memory_space<vmem_shared>>
      %dma_wait3A_435 = arith.constant 0 : i32
      %dma_wait3A_436 = tpu.memref_slice %arg13[%add3A_65, %dma_wait3A_435] : memref<10000x128xf32, #tpu.memory_space<vmem_shared>> -> memref<25x128xf32, #tpu.memory_space<vmem_shared>>
      tpu.wait_dma2 semaphore(%run_scoped3A_428 : memref<!tpu.dma_semaphore, #tpu.memory_space<semaphore_mem>>) src(%arg11 : memref<25x128xf32, #tpu.memory_space<vmem>>) dst(%dma_wait3A_436 : memref<25x128xf32, #tpu.memory_space<vmem_shared>>)
      tpu.yield
    }) : () -> ()
    %mul3A_66 = arith.constant 625 : i32
    %mul3A_67 = arith.muli %arg1, %mul3A_66 : i32
    %add3A_68 = arith.constant 275 : i32
    %add3A_69 = arith.addi %mul3A_67, %add3A_68 : i32
    "tpu.region"() ({
      %run_scoped3A_428 = tpu.sem_alloc : memref<!tpu.dma_semaphore, #tpu.memory_space<semaphore_mem>>
      %dma_start3A_429 = arith.constant 0 : i32
      %dma_start3A_430 = tpu.memref_slice %arg13[%add3A_69, %dma_start3A_429] : memref<10000x128xf32, #tpu.memory_space<vmem_shared>> -> memref<25x128xf32, #tpu.memory_space<vmem_shared>>
      %dma_start3A_431 = arith.constant 0 : i32
      %dma_start3A_432 = tpu.memref_slice %arg13[%add3A_69, %dma_start3A_431] : memref<10000x128xf32, #tpu.memory_space<vmem_shared>> -> memref<25x128xf32, #tpu.memory_space<vmem_shared>>
      tpu.enqueue_dma source(%arg11 : memref<25x128xf32, #tpu.memory_space<vmem>>) target(%dma_start3A_432 : memref<25x128xf32, #tpu.memory_space<vmem_shared>>) target_semaphore(%run_scoped3A_428 : memref<!tpu.dma_semaphore, #tpu.memory_space<semaphore_mem>>)
      %dma_wait3A_433 = arith.constant 0 : i32
      %dma_wait3A_434 = tpu.memref_slice %arg13[%add3A_69, %dma_wait3A_433] : memref<10000x128xf32, #tpu.memory_space<vmem_shared>> -> memref<25x128xf32, #tpu.memory_space<vmem_shared>>
      %dma_wait3A_435 = arith.constant 0 : i32
      %dma_wait3A_436 = tpu.memref_slice %arg13[%add3A_69, %dma_wait3A_435] : memref<10000x128xf32, #tpu.memory_space<vmem_shared>> -> memref<25x128xf32, #tpu.memory_space<vmem_shared>>
      tpu.wait_dma2 semaphore(%run_scoped3A_428 : memref<!tpu.dma_semaphore, #tpu.memory_space<semaphore_mem>>) src(%arg11 : memref<25x128xf32, #tpu.memory_space<vmem>>) dst(%dma_wait3A_436 : memref<25x128xf32, #tpu.memory_space<vmem_shared>>)
      tpu.yield
    }) : () -> ()
    %mul3A_70 = arith.constant 625 : i32
    %mul3A_71 = arith.muli %arg1, %mul3A_70 : i32
    %add3A_72 = arith.constant 300 : i32
    %add3A_73 = arith.addi %mul3A_71, %add3A_72 : i32
    "tpu.region"() ({
      %run_scoped3A_428 = tpu.sem_alloc : memref<!tpu.dma_semaphore, #tpu.memory_space<semaphore_mem>>
      %dma_start3A_429 = arith.constant 0 : i32
      %dma_start3A_430 = tpu.memref_slice %arg13[%add3A_73, %dma_start3A_429] : memref<10000x128xf32, #tpu.memory_space<vmem_shared>> -> memref<25x128xf32, #tpu.memory_space<vmem_shared>>
      %dma_start3A_431 = arith.constant 0 : i32
      %dma_start3A_432 = tpu.memref_slice %arg13[%add3A_73, %dma_start3A_431] : memref<10000x128xf32, #tpu.memory_space<vmem_shared>> -> memref<25x128xf32, #tpu.memory_space<vmem_shared>>
      tpu.enqueue_dma source(%arg11 : memref<25x128xf32, #tpu.memory_space<vmem>>) target(%dma_start3A_432 : memref<25x128xf32, #tpu.memory_space<vmem_shared>>) target_semaphore(%run_scoped3A_428 : memref<!tpu.dma_semaphore, #tpu.memory_space<semaphore_mem>>)
      %dma_wait3A_433 = arith.constant 0 : i32
      %dma_wait3A_434 = tpu.memref_slice %arg13[%add3A_73, %dma_wait3A_433] : memref<10000x128xf32, #tpu.memory_space<vmem_shared>> -> memref<25x128xf32, #tpu.memory_space<vmem_shared>>
      %dma_wait3A_435 = arith.constant 0 : i32
      %dma_wait3A_436 = tpu.memref_slice %arg13[%add3A_73, %dma_wait3A_435] : memref<10000x128xf32, #tpu.memory_space<vmem_shared>> -> memref<25x128xf32, #tpu.memory_space<vmem_shared>>
      tpu.wait_dma2 semaphore(%run_scoped3A_428 : memref<!tpu.dma_semaphore, #tpu.memory_space<semaphore_mem>>) src(%arg11 : memref<25x128xf32, #tpu.memory_space<vmem>>) dst(%dma_wait3A_436 : memref<25x128xf32, #tpu.memory_space<vmem_shared>>)
      tpu.yield
    }) : () -> ()
    %mul3A_74 = arith.constant 625 : i32
    %mul3A_75 = arith.muli %arg1, %mul3A_74 : i32
    %add3A_76 = arith.constant 325 : i32
    %add3A_77 = arith.addi %mul3A_75, %add3A_76 : i32
    "tpu.region"() ({
      %run_scoped3A_428 = tpu.sem_alloc : memref<!tpu.dma_semaphore, #tpu.memory_space<semaphore_mem>>
      %dma_start3A_429 = arith.constant 0 : i32
      %dma_start3A_430 = tpu.memref_slice %arg13[%add3A_77, %dma_start3A_429] : memref<10000x128xf32, #tpu.memory_space<vmem_shared>> -> memref<25x128xf32, #tpu.memory_space<vmem_shared>>
      %dma_start3A_431 = arith.constant 0 : i32
      %dma_start3A_432 = tpu.memref_slice %arg13[%add3A_77, %dma_start3A_431] : memref<10000x128xf32, #tpu.memory_space<vmem_shared>> -> memref<25x128xf32, #tpu.memory_space<vmem_shared>>
      tpu.enqueue_dma source(%arg11 : memref<25x128xf32, #tpu.memory_space<vmem>>) target(%dma_start3A_432 : memref<25x128xf32, #tpu.memory_space<vmem_shared>>) target_semaphore(%run_scoped3A_428 : memref<!tpu.dma_semaphore, #tpu.memory_space<semaphore_mem>>)
      %dma_wait3A_433 = arith.constant 0 : i32
      %dma_wait3A_434 = tpu.memref_slice %arg13[%add3A_77, %dma_wait3A_433] : memref<10000x128xf32, #tpu.memory_space<vmem_shared>> -> memref<25x128xf32, #tpu.memory_space<vmem_shared>>
      %dma_wait3A_435 = arith.constant 0 : i32
      %dma_wait3A_436 = tpu.memref_slice %arg13[%add3A_77, %dma_wait3A_435] : memref<10000x128xf32, #tpu.memory_space<vmem_shared>> -> memref<25x128xf32, #tpu.memory_space<vmem_shared>>
      tpu.wait_dma2 semaphore(%run_scoped3A_428 : memref<!tpu.dma_semaphore, #tpu.memory_space<semaphore_mem>>) src(%arg11 : memref<25x128xf32, #tpu.memory_space<vmem>>) dst(%dma_wait3A_436 : memref<25x128xf32, #tpu.memory_space<vmem_shared>>)
      tpu.yield
    }) : () -> ()
    %mul3A_78 = arith.constant 625 : i32
    %mul3A_79 = arith.muli %arg1, %mul3A_78 : i32
    %add3A_80 = arith.constant 350 : i32
    %add3A_81 = arith.addi %mul3A_79, %add3A_80 : i32
    "tpu.region"() ({
      %run_scoped3A_428 = tpu.sem_alloc : memref<!tpu.dma_semaphore, #tpu.memory_space<semaphore_mem>>
      %dma_start3A_429 = arith.constant 0 : i32
      %dma_start3A_430 = tpu.memref_slice %arg13[%add3A_81, %dma_start3A_429] : memref<10000x128xf32, #tpu.memory_space<vmem_shared>> -> memref<25x128xf32, #tpu.memory_space<vmem_shared>>
      %dma_start3A_431 = arith.constant 0 : i32
      %dma_start3A_432 = tpu.memref_slice %arg13[%add3A_81, %dma_start3A_431] : memref<10000x128xf32, #tpu.memory_space<vmem_shared>> -> memref<25x128xf32, #tpu.memory_space<vmem_shared>>
      tpu.enqueue_dma source(%arg11 : memref<25x128xf32, #tpu.memory_space<vmem>>) target(%dma_start3A_432 : memref<25x128xf32, #tpu.memory_space<vmem_shared>>) target_semaphore(%run_scoped3A_428 : memref<!tpu.dma_semaphore, #tpu.memory_space<semaphore_mem>>)
      %dma_wait3A_433 = arith.constant 0 : i32
      %dma_wait3A_434 = tpu.memref_slice %arg13[%add3A_81, %dma_wait3A_433] : memref<10000x128xf32, #tpu.memory_space<vmem_shared>> -> memref<25x128xf32, #tpu.memory_space<vmem_shared>>
      %dma_wait3A_435 = arith.constant 0 : i32
      %dma_wait3A_436 = tpu.memref_slice %arg13[%add3A_81, %dma_wait3A_435] : memref<10000x128xf32, #tpu.memory_space<vmem_shared>> -> memref<25x128xf32, #tpu.memory_space<vmem_shared>>
      tpu.wait_dma2 semaphore(%run_scoped3A_428 : memref<!tpu.dma_semaphore, #tpu.memory_space<semaphore_mem>>) src(%arg11 : memref<25x128xf32, #tpu.memory_space<vmem>>) dst(%dma_wait3A_436 : memref<25x128xf32, #tpu.memory_space<vmem_shared>>)
      tpu.yield
    }) : () -> ()
    %mul3A_82 = arith.constant 625 : i32
    %mul3A_83 = arith.muli %arg1, %mul3A_82 : i32
    %add3A_84 = arith.constant 375 : i32
    %add3A_85 = arith.addi %mul3A_83, %add3A_84 : i32
    "tpu.region"() ({
      %run_scoped3A_428 = tpu.sem_alloc : memref<!tpu.dma_semaphore, #tpu.memory_space<semaphore_mem>>
      %dma_start3A_429 = arith.constant 0 : i32
      %dma_start3A_430 = tpu.memref_slice %arg13[%add3A_85, %dma_start3A_429] : memref<10000x128xf32, #tpu.memory_space<vmem_shared>> -> memref<25x128xf32, #tpu.memory_space<vmem_shared>>
      %dma_start3A_431 = arith.constant 0 : i32
      %dma_start3A_432 = tpu.memref_slice %arg13[%add3A_85, %dma_start3A_431] : memref<10000x128xf32, #tpu.memory_space<vmem_shared>> -> memref<25x128xf32, #tpu.memory_space<vmem_shared>>
      tpu.enqueue_dma source(%arg11 : memref<25x128xf32, #tpu.memory_space<vmem>>) target(%dma_start3A_432 : memref<25x128xf32, #tpu.memory_space<vmem_shared>>) target_semaphore(%run_scoped3A_428 : memref<!tpu.dma_semaphore, #tpu.memory_space<semaphore_mem>>)
      %dma_wait3A_433 = arith.constant 0 : i32
      %dma_wait3A_434 = tpu.memref_slice %arg13[%add3A_85, %dma_wait3A_433] : memref<10000x128xf32, #tpu.memory_space<vmem_shared>> -> memref<25x128xf32, #tpu.memory_space<vmem_shared>>
      %dma_wait3A_435 = arith.constant 0 : i32
      %dma_wait3A_436 = tpu.memref_slice %arg13[%add3A_85, %dma_wait3A_435] : memref<10000x128xf32, #tpu.memory_space<vmem_shared>> -> memref<25x128xf32, #tpu.memory_space<vmem_shared>>
      tpu.wait_dma2 semaphore(%run_scoped3A_428 : memref<!tpu.dma_semaphore, #tpu.memory_space<semaphore_mem>>) src(%arg11 : memref<25x128xf32, #tpu.memory_space<vmem>>) dst(%dma_wait3A_436 : memref<25x128xf32, #tpu.memory_space<vmem_shared>>)
      tpu.yield
    }) : () -> ()
    %mul3A_86 = arith.constant 625 : i32
    %mul3A_87 = arith.muli %arg1, %mul3A_86 : i32
    %add3A_88 = arith.constant 400 : i32
    %add3A_89 = arith.addi %mul3A_87, %add3A_88 : i32
    "tpu.region"() ({
      %run_scoped3A_428 = tpu.sem_alloc : memref<!tpu.dma_semaphore, #tpu.memory_space<semaphore_mem>>
      %dma_start3A_429 = arith.constant 0 : i32
      %dma_start3A_430 = tpu.memref_slice %arg13[%add3A_89, %dma_start3A_429] : memref<10000x128xf32, #tpu.memory_space<vmem_shared>> -> memref<25x128xf32, #tpu.memory_space<vmem_shared>>
      %dma_start3A_431 = arith.constant 0 : i32
      %dma_start3A_432 = tpu.memref_slice %arg13[%add3A_89, %dma_start3A_431] : memref<10000x128xf32, #tpu.memory_space<vmem_shared>> -> memref<25x128xf32, #tpu.memory_space<vmem_shared>>
      tpu.enqueue_dma source(%arg11 : memref<25x128xf32, #tpu.memory_space<vmem>>) target(%dma_start3A_432 : memref<25x128xf32, #tpu.memory_space<vmem_shared>>) target_semaphore(%run_scoped3A_428 : memref<!tpu.dma_semaphore, #tpu.memory_space<semaphore_mem>>)
      %dma_wait3A_433 = arith.constant 0 : i32
      %dma_wait3A_434 = tpu.memref_slice %arg13[%add3A_89, %dma_wait3A_433] : memref<10000x128xf32, #tpu.memory_space<vmem_shared>> -> memref<25x128xf32, #tpu.memory_space<vmem_shared>>
      %dma_wait3A_435 = arith.constant 0 : i32
      %dma_wait3A_436 = tpu.memref_slice %arg13[%add3A_89, %dma_wait3A_435] : memref<10000x128xf32, #tpu.memory_space<vmem_shared>> -> memref<25x128xf32, #tpu.memory_space<vmem_shared>>
      tpu.wait_dma2 semaphore(%run_scoped3A_428 : memref<!tpu.dma_semaphore, #tpu.memory_space<semaphore_mem>>) src(%arg11 : memref<25x128xf32, #tpu.memory_space<vmem>>) dst(%dma_wait3A_436 : memref<25x128xf32, #tpu.memory_space<vmem_shared>>)
      tpu.yield
    }) : () -> ()
    %mul3A_90 = arith.constant 625 : i32
    %mul3A_91 = arith.muli %arg1, %mul3A_90 : i32
    %add3A_92 = arith.constant 425 : i32
    %add3A_93 = arith.addi %mul3A_91, %add3A_92 : i32
    "tpu.region"() ({
      %run_scoped3A_428 = tpu.sem_alloc : memref<!tpu.dma_semaphore, #tpu.memory_space<semaphore_mem>>
      %dma_start3A_429 = arith.constant 0 : i32
      %dma_start3A_430 = tpu.memref_slice %arg13[%add3A_93, %dma_start3A_429] : memref<10000x128xf32, #tpu.memory_space<vmem_shared>> -> memref<25x128xf32, #tpu.memory_space<vmem_shared>>
      %dma_start3A_431 = arith.constant 0 : i32
      %dma_start3A_432 = tpu.memref_slice %arg13[%add3A_93, %dma_start3A_431] : memref<10000x128xf32, #tpu.memory_space<vmem_shared>> -> memref<25x128xf32, #tpu.memory_space<vmem_shared>>
      tpu.enqueue_dma source(%arg11 : memref<25x128xf32, #tpu.memory_space<vmem>>) target(%dma_start3A_432 : memref<25x128xf32, #tpu.memory_space<vmem_shared>>) target_semaphore(%run_scoped3A_428 : memref<!tpu.dma_semaphore, #tpu.memory_space<semaphore_mem>>)
      %dma_wait3A_433 = arith.constant 0 : i32
      %dma_wait3A_434 = tpu.memref_slice %arg13[%add3A_93, %dma_wait3A_433] : memref<10000x128xf32, #tpu.memory_space<vmem_shared>> -> memref<25x128xf32, #tpu.memory_space<vmem_shared>>
      %dma_wait3A_435 = arith.constant 0 : i32
      %dma_wait3A_436 = tpu.memref_slice %arg13[%add3A_93, %dma_wait3A_435] : memref<10000x128xf32, #tpu.memory_space<vmem_shared>> -> memref<25x128xf32, #tpu.memory_space<vmem_shared>>
      tpu.wait_dma2 semaphore(%run_scoped3A_428 : memref<!tpu.dma_semaphore, #tpu.memory_space<semaphore_mem>>) src(%arg11 : memref<25x128xf32, #tpu.memory_space<vmem>>) dst(%dma_wait3A_436 : memref<25x128xf32, #tpu.memory_space<vmem_shared>>)
      tpu.yield
    }) : () -> ()
    %mul3A_94 = arith.constant 625 : i32
    %mul3A_95 = arith.muli %arg1, %mul3A_94 : i32
    %add3A_96 = arith.constant 450 : i32
    %add3A_97 = arith.addi %mul3A_95, %add3A_96 : i32
    "tpu.region"() ({
      %run_scoped3A_428 = tpu.sem_alloc : memref<!tpu.dma_semaphore, #tpu.memory_space<semaphore_mem>>
      %dma_start3A_429 = arith.constant 0 : i32
      %dma_start3A_430 = tpu.memref_slice %arg13[%add3A_97, %dma_start3A_429] : memref<10000x128xf32, #tpu.memory_space<vmem_shared>> -> memref<25x128xf32, #tpu.memory_space<vmem_shared>>
      %dma_start3A_431 = arith.constant 0 : i32
      %dma_start3A_432 = tpu.memref_slice %arg13[%add3A_97, %dma_start3A_431] : memref<10000x128xf32, #tpu.memory_space<vmem_shared>> -> memref<25x128xf32, #tpu.memory_space<vmem_shared>>
      tpu.enqueue_dma source(%arg11 : memref<25x128xf32, #tpu.memory_space<vmem>>) target(%dma_start3A_432 : memref<25x128xf32, #tpu.memory_space<vmem_shared>>) target_semaphore(%run_scoped3A_428 : memref<!tpu.dma_semaphore, #tpu.memory_space<semaphore_mem>>)
      %dma_wait3A_433 = arith.constant 0 : i32
      %dma_wait3A_434 = tpu.memref_slice %arg13[%add3A_97, %dma_wait3A_433] : memref<10000x128xf32, #tpu.memory_space<vmem_shared>> -> memref<25x128xf32, #tpu.memory_space<vmem_shared>>
      %dma_wait3A_435 = arith.constant 0 : i32
      %dma_wait3A_436 = tpu.memref_slice %arg13[%add3A_97, %dma_wait3A_435] : memref<10000x128xf32, #tpu.memory_space<vmem_shared>> -> memref<25x128xf32, #tpu.memory_space<vmem_shared>>
      tpu.wait_dma2 semaphore(%run_scoped3A_428 : memref<!tpu.dma_semaphore, #tpu.memory_space<semaphore_mem>>) src(%arg11 : memref<25x128xf32, #tpu.memory_space<vmem>>) dst(%dma_wait3A_436 : memref<25x128xf32, #tpu.memory_space<vmem_shared>>)
      tpu.yield
    }) : () -> ()
    %mul3A_98 = arith.constant 625 : i32
    %mul3A_99 = arith.muli %arg1, %mul3A_98 : i32
    %add3A_100 = arith.constant 475 : i32
    %add3A_101 = arith.addi %mul3A_99, %add3A_100 : i32
    "tpu.region"() ({
      %run_scoped3A_428 = tpu.sem_alloc : memref<!tpu.dma_semaphore, #tpu.memory_space<semaphore_mem>>
      %dma_start3A_429 = arith.constant 0 : i32
      %dma_start3A_430 = tpu.memref_slice %arg13[%add3A_101, %dma_start3A_429] : memref<10000x128xf32, #tpu.memory_space<vmem_shared>> -> memref<25x128xf32, #tpu.memory_space<vmem_shared>>
      %dma_start3A_431 = arith.constant 0 : i32
      %dma_start3A_432 = tpu.memref_slice %arg13[%add3A_101, %dma_start3A_431] : memref<10000x128xf32, #tpu.memory_space<vmem_shared>> -> memref<25x128xf32, #tpu.memory_space<vmem_shared>>
      tpu.enqueue_dma source(%arg11 : memref<25x128xf32, #tpu.memory_space<vmem>>) target(%dma_start3A_432 : memref<25x128xf32, #tpu.memory_space<vmem_shared>>) target_semaphore(%run_scoped3A_428 : memref<!tpu.dma_semaphore, #tpu.memory_space<semaphore_mem>>)
      %dma_wait3A_433 = arith.constant 0 : i32
      %dma_wait3A_434 = tpu.memref_slice %arg13[%add3A_101, %dma_wait3A_433] : memref<10000x128xf32, #tpu.memory_space<vmem_shared>> -> memref<25x128xf32, #tpu.memory_space<vmem_shared>>
      %dma_wait3A_435 = arith.constant 0 : i32
      %dma_wait3A_436 = tpu.memref_slice %arg13[%add3A_101, %dma_wait3A_435] : memref<10000x128xf32, #tpu.memory_space<vmem_shared>> -> memref<25x128xf32, #tpu.memory_space<vmem_shared>>
      tpu.wait_dma2 semaphore(%run_scoped3A_428 : memref<!tpu.dma_semaphore, #tpu.memory_space<semaphore_mem>>) src(%arg11 : memref<25x128xf32, #tpu.memory_space<vmem>>) dst(%dma_wait3A_436 : memref<25x128xf32, #tpu.memory_space<vmem_shared>>)
      tpu.yield
    }) : () -> ()
    %mul3A_102 = arith.constant 625 : i32
    %mul3A_103 = arith.muli %arg1, %mul3A_102 : i32
    %add3A_104 = arith.constant 500 : i32
    %add3A_105 = arith.addi %mul3A_103, %add3A_104 : i32
    "tpu.region"() ({
      %run_scoped3A_428 = tpu.sem_alloc : memref<!tpu.dma_semaphore, #tpu.memory_space<semaphore_mem>>
      %dma_start3A_429 = arith.constant 0 : i32
      %dma_start3A_430 = tpu.memref_slice %arg13[%add3A_105, %dma_start3A_429] : memref<10000x128xf32, #tpu.memory_space<vmem_shared>> -> memref<25x128xf32, #tpu.memory_space<vmem_shared>>
      %dma_start3A_431 = arith.constant 0 : i32
      %dma_start3A_432 = tpu.memref_slice %arg13[%add3A_105, %dma_start3A_431] : memref<10000x128xf32, #tpu.memory_space<vmem_shared>> -> memref<25x128xf32, #tpu.memory_space<vmem_shared>>
      tpu.enqueue_dma source(%arg11 : memref<25x128xf32, #tpu.memory_space<vmem>>) target(%dma_start3A_432 : memref<25x128xf32, #tpu.memory_space<vmem_shared>>) target_semaphore(%run_scoped3A_428 : memref<!tpu.dma_semaphore, #tpu.memory_space<semaphore_mem>>)
      %dma_wait3A_433 = arith.constant 0 : i32
      %dma_wait3A_434 = tpu.memref_slice %arg13[%add3A_105, %dma_wait3A_433] : memref<10000x128xf32, #tpu.memory_space<vmem_shared>> -> memref<25x128xf32, #tpu.memory_space<vmem_shared>>
      %dma_wait3A_435 = arith.constant 0 : i32
      %dma_wait3A_436 = tpu.memref_slice %arg13[%add3A_105, %dma_wait3A_435] : memref<10000x128xf32, #tpu.memory_space<vmem_shared>> -> memref<25x128xf32, #tpu.memory_space<vmem_shared>>
      tpu.wait_dma2 semaphore(%run_scoped3A_428 : memref<!tpu.dma_semaphore, #tpu.memory_space<semaphore_mem>>) src(%arg11 : memref<25x128xf32, #tpu.memory_space<vmem>>) dst(%dma_wait3A_436 : memref<25x128xf32, #tpu.memory_space<vmem_shared>>)
      tpu.yield
    }) : () -> ()
    %mul3A_106 = arith.constant 625 : i32
    %mul3A_107 = arith.muli %arg1, %mul3A_106 : i32
    %add3A_108 = arith.constant 525 : i32
    %add3A_109 = arith.addi %mul3A_107, %add3A_108 : i32
    "tpu.region"() ({
      %run_scoped3A_428 = tpu.sem_alloc : memref<!tpu.dma_semaphore, #tpu.memory_space<semaphore_mem>>
      %dma_start3A_429 = arith.constant 0 : i32
      %dma_start3A_430 = tpu.memref_slice %arg13[%add3A_109, %dma_start3A_429] : memref<10000x128xf32, #tpu.memory_space<vmem_shared>> -> memref<25x128xf32, #tpu.memory_space<vmem_shared>>
      %dma_start3A_431 = arith.constant 0 : i32
      %dma_start3A_432 = tpu.memref_slice %arg13[%add3A_109, %dma_start3A_431] : memref<10000x128xf32, #tpu.memory_space<vmem_shared>> -> memref<25x128xf32, #tpu.memory_space<vmem_shared>>
      tpu.enqueue_dma source(%arg11 : memref<25x128xf32, #tpu.memory_space<vmem>>) target(%dma_start3A_432 : memref<25x128xf32, #tpu.memory_space<vmem_shared>>) target_semaphore(%run_scoped3A_428 : memref<!tpu.dma_semaphore, #tpu.memory_space<semaphore_mem>>)
      %dma_wait3A_433 = arith.constant 0 : i32
      %dma_wait3A_434 = tpu.memref_slice %arg13[%add3A_109, %dma_wait3A_433] : memref<10000x128xf32, #tpu.memory_space<vmem_shared>> -> memref<25x128xf32, #tpu.memory_space<vmem_shared>>
      %dma_wait3A_435 = arith.constant 0 : i32
      %dma_wait3A_436 = tpu.memref_slice %arg13[%add3A_109, %dma_wait3A_435] : memref<10000x128xf32, #tpu.memory_space<vmem_shared>> -> memref<25x128xf32, #tpu.memory_space<vmem_shared>>
      tpu.wait_dma2 semaphore(%run_scoped3A_428 : memref<!tpu.dma_semaphore, #tpu.memory_space<semaphore_mem>>) src(%arg11 : memref<25x128xf32, #tpu.memory_space<vmem>>) dst(%dma_wait3A_436 : memref<25x128xf32, #tpu.memory_space<vmem_shared>>)
      tpu.yield
    }) : () -> ()
    %mul3A_110 = arith.constant 625 : i32
    %mul3A_111 = arith.muli %arg1, %mul3A_110 : i32
    %add3A_112 = arith.constant 550 : i32
    %add3A_113 = arith.addi %mul3A_111, %add3A_112 : i32
    "tpu.region"() ({
      %run_scoped3A_428 = tpu.sem_alloc : memref<!tpu.dma_semaphore, #tpu.memory_space<semaphore_mem>>
      %dma_start3A_429 = arith.constant 0 : i32
      %dma_start3A_430 = tpu.memref_slice %arg13[%add3A_113, %dma_start3A_429] : memref<10000x128xf32, #tpu.memory_space<vmem_shared>> -> memref<25x128xf32, #tpu.memory_space<vmem_shared>>
      %dma_start3A_431 = arith.constant 0 : i32
      %dma_start3A_432 = tpu.memref_slice %arg13[%add3A_113, %dma_start3A_431] : memref<10000x128xf32, #tpu.memory_space<vmem_shared>> -> memref<25x128xf32, #tpu.memory_space<vmem_shared>>
      tpu.enqueue_dma source(%arg11 : memref<25x128xf32, #tpu.memory_space<vmem>>) target(%dma_start3A_432 : memref<25x128xf32, #tpu.memory_space<vmem_shared>>) target_semaphore(%run_scoped3A_428 : memref<!tpu.dma_semaphore, #tpu.memory_space<semaphore_mem>>)
      %dma_wait3A_433 = arith.constant 0 : i32
      %dma_wait3A_434 = tpu.memref_slice %arg13[%add3A_113, %dma_wait3A_433] : memref<10000x128xf32, #tpu.memory_space<vmem_shared>> -> memref<25x128xf32, #tpu.memory_space<vmem_shared>>
      %dma_wait3A_435 = arith.constant 0 : i32
      %dma_wait3A_436 = tpu.memref_slice %arg13[%add3A_113, %dma_wait3A_435] : memref<10000x128xf32, #tpu.memory_space<vmem_shared>> -> memref<25x128xf32, #tpu.memory_space<vmem_shared>>
      tpu.wait_dma2 semaphore(%run_scoped3A_428 : memref<!tpu.dma_semaphore, #tpu.memory_space<semaphore_mem>>) src(%arg11 : memref<25x128xf32, #tpu.memory_space<vmem>>) dst(%dma_wait3A_436 : memref<25x128xf32, #tpu.memory_space<vmem_shared>>)
      tpu.yield
    }) : () -> ()
    %mul3A_114 = arith.constant 625 : i32
    %mul3A_115 = arith.muli %arg1, %mul3A_114 : i32
    %add3A_116 = arith.constant 575 : i32
    %add3A_117 = arith.addi %mul3A_115, %add3A_116 : i32
    "tpu.region"() ({
      %run_scoped3A_428 = tpu.sem_alloc : memref<!tpu.dma_semaphore, #tpu.memory_space<semaphore_mem>>
      %dma_start3A_429 = arith.constant 0 : i32
      %dma_start3A_430 = tpu.memref_slice %arg13[%add3A_117, %dma_start3A_429] : memref<10000x128xf32, #tpu.memory_space<vmem_shared>> -> memref<25x128xf32, #tpu.memory_space<vmem_shared>>
      %dma_start3A_431 = arith.constant 0 : i32
      %dma_start3A_432 = tpu.memref_slice %arg13[%add3A_117, %dma_start3A_431] : memref<10000x128xf32, #tpu.memory_space<vmem_shared>> -> memref<25x128xf32, #tpu.memory_space<vmem_shared>>
      tpu.enqueue_dma source(%arg11 : memref<25x128xf32, #tpu.memory_space<vmem>>) target(%dma_start3A_432 : memref<25x128xf32, #tpu.memory_space<vmem_shared>>) target_semaphore(%run_scoped3A_428 : memref<!tpu.dma_semaphore, #tpu.memory_space<semaphore_mem>>)
      %dma_wait3A_433 = arith.constant 0 : i32
      %dma_wait3A_434 = tpu.memref_slice %arg13[%add3A_117, %dma_wait3A_433] : memref<10000x128xf32, #tpu.memory_space<vmem_shared>> -> memref<25x128xf32, #tpu.memory_space<vmem_shared>>
      %dma_wait3A_435 = arith.constant 0 : i32
      %dma_wait3A_436 = tpu.memref_slice %arg13[%add3A_117, %dma_wait3A_435] : memref<10000x128xf32, #tpu.memory_space<vmem_shared>> -> memref<25x128xf32, #tpu.memory_space<vmem_shared>>
      tpu.wait_dma2 semaphore(%run_scoped3A_428 : memref<!tpu.dma_semaphore, #tpu.memory_space<semaphore_mem>>) src(%arg11 : memref<25x128xf32, #tpu.memory_space<vmem>>) dst(%dma_wait3A_436 : memref<25x128xf32, #tpu.memory_space<vmem_shared>>)
      tpu.yield
    }) : () -> ()
    %mul3A_118 = arith.constant 625 : i32
    %mul3A_119 = arith.muli %arg1, %mul3A_118 : i32
    %add3A_120 = arith.constant 600 : i32
    %add3A_121 = arith.addi %mul3A_119, %add3A_120 : i32
    "tpu.region"() ({
      %run_scoped3A_428 = tpu.sem_alloc : memref<!tpu.dma_semaphore, #tpu.memory_space<semaphore_mem>>
      %dma_start3A_429 = arith.constant 0 : i32
      %dma_start3A_430 = tpu.memref_slice %arg13[%add3A_121, %dma_start3A_429] : memref<10000x128xf32, #tpu.memory_space<vmem_shared>> -> memref<25x128xf32, #tpu.memory_space<vmem_shared>>
      %dma_start3A_431 = arith.constant 0 : i32
      %dma_start3A_432 = tpu.memref_slice %arg13[%add3A_121, %dma_start3A_431] : memref<10000x128xf32, #tpu.memory_space<vmem_shared>> -> memref<25x128xf32, #tpu.memory_space<vmem_shared>>
      tpu.enqueue_dma source(%arg11 : memref<25x128xf32, #tpu.memory_space<vmem>>) target(%dma_start3A_432 : memref<25x128xf32, #tpu.memory_space<vmem_shared>>) target_semaphore(%run_scoped3A_428 : memref<!tpu.dma_semaphore, #tpu.memory_space<semaphore_mem>>)
      %dma_wait3A_433 = arith.constant 0 : i32
      %dma_wait3A_434 = tpu.memref_slice %arg13[%add3A_121, %dma_wait3A_433] : memref<10000x128xf32, #tpu.memory_space<vmem_shared>> -> memref<25x128xf32, #tpu.memory_space<vmem_shared>>
      %dma_wait3A_435 = arith.constant 0 : i32
      %dma_wait3A_436 = tpu.memref_slice %arg13[%add3A_121, %dma_wait3A_435] : memref<10000x128xf32, #tpu.memory_space<vmem_shared>> -> memref<25x128xf32, #tpu.memory_space<vmem_shared>>
      tpu.wait_dma2 semaphore(%run_scoped3A_428 : memref<!tpu.dma_semaphore, #tpu.memory_space<semaphore_mem>>) src(%arg11 : memref<25x128xf32, #tpu.memory_space<vmem>>) dst(%dma_wait3A_436 : memref<25x128xf32, #tpu.memory_space<vmem_shared>>)
      tpu.yield
    }) : () -> ()
    %barrier3A = arith.constant 0 : index
    tpu.barrier barrier_id(%barrier3A)
    %run_scoped3A = arith.constant 0 : i32
    "tpu.trace_stop"() : () -> ()
    "tpu.region"() ({
      %run_scoped3A_428 = tpu.sem_alloc : memref<!tpu.dma_semaphore, #tpu.memory_space<semaphore_mem>>
      %dma_start3A_429 = arith.constant 0 : i32
      %dma_start3A_430 = tpu.memref_slice %arg7[%run_scoped3A, %dma_start3A_429] : memref<2x80xi32, #tpu.memory_space<vmem>> -> memref<1x80xi32, #tpu.memory_space<vmem>>
      %dma_start3A_431 = tpu.memref_squeeze %dma_start3A_430 : memref<1x80xi32, #tpu.memory_space<vmem>> -> memref<80xi32, #tpu.memory_space<vmem>>
      %dma_start3A_432 = tpu.memref_slice %arg4[%add3A] : memref<640000xi32, #tpu.memory_space<hbm>> -> memref<80xi32, #tpu.memory_space<hbm>>
      %dma_start3A_433 = arith.constant 0 : i32
      %dma_start3A_434 = tpu.memref_slice %arg7[%run_scoped3A, %dma_start3A_433] : memref<2x80xi32, #tpu.memory_space<vmem>> -> memref<1x80xi32, #tpu.memory_space<vmem>>
      %dma_start3A_435 = tpu.memref_squeeze %dma_start3A_434 : memref<1x80xi32, #tpu.memory_space<vmem>> -> memref<80xi32, #tpu.memory_space<vmem>>
      %dma_start3A_436 = tpu.memref_slice %arg4[%add3A] : memref<640000xi32, #tpu.memory_space<hbm>> -> memref<80xi32, #tpu.memory_space<hbm>>
      tpu.enqueue_dma source(%dma_start3A_436 : memref<80xi32, #tpu.memory_space<hbm>>) target(%dma_start3A_435 : memref<80xi32, #tpu.memory_space<vmem>>) target_semaphore(%run_scoped3A_428 : memref<!tpu.dma_semaphore, #tpu.memory_space<semaphore_mem>>)
      %dma_wait3A_437 = arith.constant 0 : i32
      %dma_wait3A_438 = tpu.memref_slice %arg7[%run_scoped3A, %dma_wait3A_437] : memref<2x80xi32, #tpu.memory_space<vmem>> -> memref<1x80xi32, #tpu.memory_space<vmem>>
      %dma_wait3A_439 = tpu.memref_squeeze %dma_wait3A_438 : memref<1x80xi32, #tpu.memory_space<vmem>> -> memref<80xi32, #tpu.memory_space<vmem>>
      %dma_wait3A_440 = tpu.memref_slice %arg4[%add3A] : memref<640000xi32, #tpu.memory_space<hbm>> -> memref<80xi32, #tpu.memory_space<hbm>>
      %dma_wait3A_441 = arith.constant 0 : i32
      %dma_wait3A_442 = tpu.memref_slice %arg7[%run_scoped3A, %dma_wait3A_441] : memref<2x80xi32, #tpu.memory_space<vmem>> -> memref<1x80xi32, #tpu.memory_space<vmem>>
      %dma_wait3A_443 = tpu.memref_squeeze %dma_wait3A_442 : memref<1x80xi32, #tpu.memory_space<vmem>> -> memref<80xi32, #tpu.memory_space<vmem>>
      %dma_wait3A_444 = tpu.memref_slice %arg4[%add3A] : memref<640000xi32, #tpu.memory_space<hbm>> -> memref<80xi32, #tpu.memory_space<hbm>>
      tpu.wait_dma2 semaphore(%run_scoped3A_428 : memref<!tpu.dma_semaphore, #tpu.memory_space<semaphore_mem>>) src(%dma_wait3A_444 : memref<80xi32, #tpu.memory_space<hbm>>) dst(%dma_wait3A_443 : memref<80xi32, #tpu.memory_space<vmem>>)
      tpu.yield
    }) : () -> ()
    %run_scoped3A_122 = arith.constant 0 : i32
    "tpu.region"() ({
      %run_scoped3A_428 = tpu.sem_alloc : memref<!tpu.dma_semaphore, #tpu.memory_space<semaphore_mem>>
      %dma_start3A_429 = arith.constant 0 : i32
      %dma_start3A_430 = tpu.memref_slice %arg8[%run_scoped3A_122, %dma_start3A_429] : memref<2x80xi32, #tpu.memory_space<vmem>> -> memref<1x80xi32, #tpu.memory_space<vmem>>
      %dma_start3A_431 = tpu.memref_squeeze %dma_start3A_430 : memref<1x80xi32, #tpu.memory_space<vmem>> -> memref<80xi32, #tpu.memory_space<vmem>>
      %dma_start3A_432 = tpu.memref_slice %arg4[%add3A_6] : memref<640000xi32, #tpu.memory_space<hbm>> -> memref<80xi32, #tpu.memory_space<hbm>>
      %dma_start3A_433 = arith.constant 0 : i32
      %dma_start3A_434 = tpu.memref_slice %arg8[%run_scoped3A_122, %dma_start3A_433] : memref<2x80xi32, #tpu.memory_space<vmem>> -> memref<1x80xi32, #tpu.memory_space<vmem>>
      %dma_start3A_435 = tpu.memref_squeeze %dma_start3A_434 : memref<1x80xi32, #tpu.memory_space<vmem>> -> memref<80xi32, #tpu.memory_space<vmem>>
      %dma_start3A_436 = tpu.memref_slice %arg4[%add3A_6] : memref<640000xi32, #tpu.memory_space<hbm>> -> memref<80xi32, #tpu.memory_space<hbm>>
      tpu.enqueue_dma source(%dma_start3A_436 : memref<80xi32, #tpu.memory_space<hbm>>) target(%dma_start3A_435 : memref<80xi32, #tpu.memory_space<vmem>>) target_semaphore(%run_scoped3A_428 : memref<!tpu.dma_semaphore, #tpu.memory_space<semaphore_mem>>)
      %dma_wait3A_437 = arith.constant 0 : i32
      %dma_wait3A_438 = tpu.memref_slice %arg8[%run_scoped3A_122, %dma_wait3A_437] : memref<2x80xi32, #tpu.memory_space<vmem>> -> memref<1x80xi32, #tpu.memory_space<vmem>>
      %dma_wait3A_439 = tpu.memref_squeeze %dma_wait3A_438 : memref<1x80xi32, #tpu.memory_space<vmem>> -> memref<80xi32, #tpu.memory_space<vmem>>
      %dma_wait3A_440 = tpu.memref_slice %arg4[%add3A_6] : memref<640000xi32, #tpu.memory_space<hbm>> -> memref<80xi32, #tpu.memory_space<hbm>>
      %dma_wait3A_441 = arith.constant 0 : i32
      %dma_wait3A_442 = tpu.memref_slice %arg8[%run_scoped3A_122, %dma_wait3A_441] : memref<2x80xi32, #tpu.memory_space<vmem>> -> memref<1x80xi32, #tpu.memory_space<vmem>>
      %dma_wait3A_443 = tpu.memref_squeeze %dma_wait3A_442 : memref<1x80xi32, #tpu.memory_space<vmem>> -> memref<80xi32, #tpu.memory_space<vmem>>
      %dma_wait3A_444 = tpu.memref_slice %arg4[%add3A_6] : memref<640000xi32, #tpu.memory_space<hbm>> -> memref<80xi32, #tpu.memory_space<hbm>>
      tpu.wait_dma2 semaphore(%run_scoped3A_428 : memref<!tpu.dma_semaphore, #tpu.memory_space<semaphore_mem>>) src(%dma_wait3A_444 : memref<80xi32, #tpu.memory_space<hbm>>) dst(%dma_wait3A_443 : memref<80xi32, #tpu.memory_space<vmem>>)
      tpu.yield
    }) : () -> ()
    %dma_start3A = arith.constant 0 : i32
    %dma_start3A_123 = arith.constant 0 : i32
    %dma_start3A_124 = arith.constant 0 : i32
    %dma_start3A_125 = arith.constant 0 : i32
    %dma_start3A_126 = arith.constant 0 : i32
    %dma_start3A_127 = tpu.memref_slice %arg9[%dma_start3A_123, %dma_start3A_125, %dma_start3A_126] : memref<2x80x64xi32, #tpu.memory_space<vmem>> -> memref<1x80x64xi32, #tpu.memory_space<vmem>>
    %dma_start3A_128 = tpu.memref_squeeze %dma_start3A_127 : memref<1x80x64xi32, #tpu.memory_space<vmem>> -> memref<80x64xi32, #tpu.memory_space<vmem>>
    %dma_start3A_129 = arith.constant 0 : i32
    %dma_start3A_130 = tpu.memref_slice %arg7[%dma_start3A, %dma_start3A_129] : memref<2x80xi32, #tpu.memory_space<vmem>> -> memref<1x80xi32, #tpu.memory_space<vmem>>
    %dma_start3A_131 = tpu.memref_squeeze %dma_start3A_130 : memref<1x80xi32, #tpu.memory_space<vmem>> -> memref<80xi32, #tpu.memory_space<vmem>>
    %dma_start3A_132 = arith.constant 0 : i32
    %dma_start3A_133 = arith.constant 0 : i32
    %dma_start3A_134 = tpu.memref_slice %arg2[%dma_start3A_132, %dma_start3A_133] : memref<10000x64xi32, #tpu.memory_space<hbm>> -> memref<10000x64xi32, #tpu.memory_space<hbm>>
    %dma_start3A_135 = tpu.memref_slice %arg14[%dma_start3A_124] : memref<2x!tpu.dma_semaphore, #tpu.memory_space<semaphore_mem>> -> memref<1x!tpu.dma_semaphore, #tpu.memory_space<semaphore_mem>>
    %dma_start3A_136 = tpu.memref_squeeze %dma_start3A_135 : memref<1x!tpu.dma_semaphore, #tpu.memory_space<semaphore_mem>> -> memref<!tpu.dma_semaphore, #tpu.memory_space<semaphore_mem>>
    tpu.enqueue_indirect_dma source(%dma_start3A_134 : memref<10000x64xi32, #tpu.memory_space<hbm>>) target(%dma_start3A_128 : memref<80x64xi32, #tpu.memory_space<vmem>>) offsets(%dma_start3A_131 : memref<80xi32, #tpu.memory_space<vmem>>) semaphore(%dma_start3A_136 : memref<!tpu.dma_semaphore, #tpu.memory_space<semaphore_mem>>)
    %add3A_137 = arith.constant 0 : i32
    %add3A_138 = arith.addi %mul3A_0, %add3A_137 : i32
    %dma_start3A_139 = arith.constant 0 : i32
    %dma_start3A_140 = arith.constant 0 : i32
    %dma_start3A_141 = arith.constant 0 : i32
    %dma_start3A_142 = arith.constant 0 : i32
    %dma_start3A_143 = tpu.memref_slice %arg10[%dma_start3A_139, %dma_start3A_141, %dma_start3A_142] : memref<2x80x128xf32, #tpu.memory_space<vmem>> -> memref<1x80x128xf32, #tpu.memory_space<vmem>>
    %dma_start3A_144 = tpu.memref_squeeze %dma_start3A_143 : memref<1x80x128xf32, #tpu.memory_space<vmem>> -> memref<80x128xf32, #tpu.memory_space<vmem>>
    %dma_start3A_145 = arith.constant 0 : i32
    %dma_start3A_146 = tpu.memref_slice %arg3[%add3A_138, %dma_start3A_145] : memref<320000x128xf32, #tpu.memory_space<hbm>> -> memref<80x128xf32, #tpu.memory_space<hbm>>
    %dma_start3A_147 = tpu.memref_slice %arg18[%dma_start3A_140] : memref<2x!tpu.dma_semaphore, #tpu.memory_space<semaphore_mem>> -> memref<1x!tpu.dma_semaphore, #tpu.memory_space<semaphore_mem>>
    %dma_start3A_148 = tpu.memref_squeeze %dma_start3A_147 : memref<1x!tpu.dma_semaphore, #tpu.memory_space<semaphore_mem>> -> memref<!tpu.dma_semaphore, #tpu.memory_space<semaphore_mem>>
    %dma_start3A_149 = arith.constant 0 : i32
    %dma_start3A_150 = arith.constant 0 : i32
    %dma_start3A_151 = tpu.memref_slice %arg10[%dma_start3A_139, %dma_start3A_149, %dma_start3A_150] : memref<2x80x128xf32, #tpu.memory_space<vmem>> -> memref<1x80x128xf32, #tpu.memory_space<vmem>>
    %dma_start3A_152 = tpu.memref_squeeze %dma_start3A_151 : memref<1x80x128xf32, #tpu.memory_space<vmem>> -> memref<80x128xf32, #tpu.memory_space<vmem>>
    %dma_start3A_153 = arith.constant 0 : i32
    %dma_start3A_154 = tpu.memref_slice %arg3[%add3A_138, %dma_start3A_153] : memref<320000x128xf32, #tpu.memory_space<hbm>> -> memref<80x128xf32, #tpu.memory_space<hbm>>
    tpu.enqueue_dma source(%dma_start3A_154 : memref<80x128xf32, #tpu.memory_space<hbm>>) target(%dma_start3A_152 : memref<80x128xf32, #tpu.memory_space<vmem>>) target_semaphore(%dma_start3A_148 : memref<!tpu.dma_semaphore, #tpu.memory_space<semaphore_mem>>)
    %add3A_155 = arith.constant 80 : i32
    %add3A_156 = arith.addi %add3A, %add3A_155 : i32
    %dma_start3A_157 = arith.constant 1 : i32
    %dma_start3A_158 = arith.constant 1 : i32
    %dma_start3A_159 = arith.constant 0 : i32
    %dma_start3A_160 = tpu.memref_slice %arg7[%dma_start3A_157, %dma_start3A_159] : memref<2x80xi32, #tpu.memory_space<vmem>> -> memref<1x80xi32, #tpu.memory_space<vmem>>
    %dma_start3A_161 = tpu.memref_squeeze %dma_start3A_160 : memref<1x80xi32, #tpu.memory_space<vmem>> -> memref<80xi32, #tpu.memory_space<vmem>>
    %dma_start3A_162 = tpu.memref_slice %arg4[%add3A_156] : memref<640000xi32, #tpu.memory_space<hbm>> -> memref<80xi32, #tpu.memory_space<hbm>>
    %dma_start3A_163 = tpu.memref_slice %arg15[%dma_start3A_158] : memref<2x!tpu.dma_semaphore, #tpu.memory_space<semaphore_mem>> -> memref<1x!tpu.dma_semaphore, #tpu.memory_space<semaphore_mem>>
    %dma_start3A_164 = tpu.memref_squeeze %dma_start3A_163 : memref<1x!tpu.dma_semaphore, #tpu.memory_space<semaphore_mem>> -> memref<!tpu.dma_semaphore, #tpu.memory_space<semaphore_mem>>
    %dma_start3A_165 = arith.constant 0 : i32
    %dma_start3A_166 = tpu.memref_slice %arg7[%dma_start3A_157, %dma_start3A_165] : memref<2x80xi32, #tpu.memory_space<vmem>> -> memref<1x80xi32, #tpu.memory_space<vmem>>
    %dma_start3A_167 = tpu.memref_squeeze %dma_start3A_166 : memref<1x80xi32, #tpu.memory_space<vmem>> -> memref<80xi32, #tpu.memory_space<vmem>>
    %dma_start3A_168 = tpu.memref_slice %arg4[%add3A_156] : memref<640000xi32, #tpu.memory_space<hbm>> -> memref<80xi32, #tpu.memory_space<hbm>>
    tpu.enqueue_dma source(%dma_start3A_168 : memref<80xi32, #tpu.memory_space<hbm>>) target(%dma_start3A_167 : memref<80xi32, #tpu.memory_space<vmem>>) target_semaphore(%dma_start3A_164 : memref<!tpu.dma_semaphore, #tpu.memory_space<semaphore_mem>>)
    %add3A_169 = arith.constant 80 : i32
    %add3A_170 = arith.addi %add3A_6, %add3A_169 : i32
    %dma_start3A_171 = arith.constant 1 : i32
    %dma_start3A_172 = arith.constant 1 : i32
    %dma_start3A_173 = arith.constant 0 : i32
    %dma_start3A_174 = tpu.memref_slice %arg8[%dma_start3A_171, %dma_start3A_173] : memref<2x80xi32, #tpu.memory_space<vmem>> -> memref<1x80xi32, #tpu.memory_space<vmem>>
    %dma_start3A_175 = tpu.memref_squeeze %dma_start3A_174 : memref<1x80xi32, #tpu.memory_space<vmem>> -> memref<80xi32, #tpu.memory_space<vmem>>
    %dma_start3A_176 = tpu.memref_slice %arg4[%add3A_170] : memref<640000xi32, #tpu.memory_space<hbm>> -> memref<80xi32, #tpu.memory_space<hbm>>
    %dma_start3A_177 = tpu.memref_slice %arg16[%dma_start3A_172] : memref<2x!tpu.dma_semaphore, #tpu.memory_space<semaphore_mem>> -> memref<1x!tpu.dma_semaphore, #tpu.memory_space<semaphore_mem>>
    %dma_start3A_178 = tpu.memref_squeeze %dma_start3A_177 : memref<1x!tpu.dma_semaphore, #tpu.memory_space<semaphore_mem>> -> memref<!tpu.dma_semaphore, #tpu.memory_space<semaphore_mem>>
    %dma_start3A_179 = arith.constant 0 : i32
    %dma_start3A_180 = tpu.memref_slice %arg8[%dma_start3A_171, %dma_start3A_179] : memref<2x80xi32, #tpu.memory_space<vmem>> -> memref<1x80xi32, #tpu.memory_space<vmem>>
    %dma_start3A_181 = tpu.memref_squeeze %dma_start3A_180 : memref<1x80xi32, #tpu.memory_space<vmem>> -> memref<80xi32, #tpu.memory_space<vmem>>
    %dma_start3A_182 = tpu.memref_slice %arg4[%add3A_170] : memref<640000xi32, #tpu.memory_space<hbm>> -> memref<80xi32, #tpu.memory_space<hbm>>
    tpu.enqueue_dma source(%dma_start3A_182 : memref<80xi32, #tpu.memory_space<hbm>>) target(%dma_start3A_181 : memref<80xi32, #tpu.memory_space<vmem>>) target_semaphore(%dma_start3A_178 : memref<!tpu.dma_semaphore, #tpu.memory_space<semaphore_mem>>)
    %dma_wait3A = arith.constant 0 : i32
    %dma_wait3A_183 = arith.constant 0 : i32
    %dma_wait3A_184 = arith.constant 0 : i32
    %dma_wait3A_185 = arith.constant 0 : i32
    %dma_wait3A_186 = arith.constant 0 : i32
    %dma_wait3A_187 = tpu.memref_slice %arg9[%dma_wait3A_183, %dma_wait3A_185, %dma_wait3A_186] : memref<2x80x64xi32, #tpu.memory_space<vmem>> -> memref<1x80x64xi32, #tpu.memory_space<vmem>>
    %dma_wait3A_188 = tpu.memref_squeeze %dma_wait3A_187 : memref<1x80x64xi32, #tpu.memory_space<vmem>> -> memref<80x64xi32, #tpu.memory_space<vmem>>
    %dma_wait3A_189 = arith.constant 0 : i32
    %dma_wait3A_190 = tpu.memref_slice %arg7[%dma_wait3A, %dma_wait3A_189] : memref<2x80xi32, #tpu.memory_space<vmem>> -> memref<1x80xi32, #tpu.memory_space<vmem>>
    %dma_wait3A_191 = tpu.memref_squeeze %dma_wait3A_190 : memref<1x80xi32, #tpu.memory_space<vmem>> -> memref<80xi32, #tpu.memory_space<vmem>>
    %dma_wait3A_192 = arith.constant 0 : i32
    %dma_wait3A_193 = arith.constant 0 : i32
    %dma_wait3A_194 = tpu.memref_slice %arg2[%dma_wait3A_192, %dma_wait3A_193] : memref<10000x64xi32, #tpu.memory_space<hbm>> -> memref<10000x64xi32, #tpu.memory_space<hbm>>
    %dma_wait3A_195 = tpu.memref_slice %arg14[%dma_wait3A_184] : memref<2x!tpu.dma_semaphore, #tpu.memory_space<semaphore_mem>> -> memref<1x!tpu.dma_semaphore, #tpu.memory_space<semaphore_mem>>
    %dma_wait3A_196 = tpu.memref_squeeze %dma_wait3A_195 : memref<1x!tpu.dma_semaphore, #tpu.memory_space<semaphore_mem>> -> memref<!tpu.dma_semaphore, #tpu.memory_space<semaphore_mem>>
    tpu.wait_indirect_dma semaphore(%dma_wait3A_196 : memref<!tpu.dma_semaphore, #tpu.memory_space<semaphore_mem>>) src(%dma_wait3A_194 : memref<10000x64xi32, #tpu.memory_space<hbm>>) dst(%dma_wait3A_188 : memref<80x64xi32, #tpu.memory_space<vmem>>)
    %dma_wait3A_197 = arith.constant 1 : i32
    %dma_wait3A_198 = arith.constant 1 : i32
    %dma_wait3A_199 = arith.constant 0 : i32
    %dma_wait3A_200 = tpu.memref_slice %arg7[%dma_wait3A_197, %dma_wait3A_199] : memref<2x80xi32, #tpu.memory_space<vmem>> -> memref<1x80xi32, #tpu.memory_space<vmem>>
    %dma_wait3A_201 = tpu.memref_squeeze %dma_wait3A_200 : memref<1x80xi32, #tpu.memory_space<vmem>> -> memref<80xi32, #tpu.memory_space<vmem>>
    %dma_wait3A_202 = tpu.memref_slice %arg4[%add3A] : memref<640000xi32, #tpu.memory_space<hbm>> -> memref<80xi32, #tpu.memory_space<hbm>>
    %dma_wait3A_203 = tpu.memref_slice %arg15[%dma_wait3A_198] : memref<2x!tpu.dma_semaphore, #tpu.memory_space<semaphore_mem>> -> memref<1x!tpu.dma_semaphore, #tpu.memory_space<semaphore_mem>>
    %dma_wait3A_204 = tpu.memref_squeeze %dma_wait3A_203 : memref<1x!tpu.dma_semaphore, #tpu.memory_space<semaphore_mem>> -> memref<!tpu.dma_semaphore, #tpu.memory_space<semaphore_mem>>
    %dma_wait3A_205 = arith.constant 0 : i32
    %dma_wait3A_206 = tpu.memref_slice %arg7[%dma_wait3A_197, %dma_wait3A_205] : memref<2x80xi32, #tpu.memory_space<vmem>> -> memref<1x80xi32, #tpu.memory_space<vmem>>
    %dma_wait3A_207 = tpu.memref_squeeze %dma_wait3A_206 : memref<1x80xi32, #tpu.memory_space<vmem>> -> memref<80xi32, #tpu.memory_space<vmem>>
    %dma_wait3A_208 = tpu.memref_slice %arg4[%add3A] : memref<640000xi32, #tpu.memory_space<hbm>> -> memref<80xi32, #tpu.memory_space<hbm>>
    tpu.wait_dma2 semaphore(%dma_wait3A_204 : memref<!tpu.dma_semaphore, #tpu.memory_space<semaphore_mem>>) src(%dma_wait3A_208 : memref<80xi32, #tpu.memory_space<hbm>>) dst(%dma_wait3A_207 : memref<80xi32, #tpu.memory_space<vmem>>)
    %dma_start3A_209 = arith.constant 1 : i32
    %dma_start3A_210 = arith.constant 1 : i32
    %dma_start3A_211 = arith.constant 1 : i32
    %dma_start3A_212 = arith.constant 0 : i32
    %dma_start3A_213 = arith.constant 0 : i32
    %dma_start3A_214 = tpu.memref_slice %arg9[%dma_start3A_210, %dma_start3A_212, %dma_start3A_213] : memref<2x80x64xi32, #tpu.memory_space<vmem>> -> memref<1x80x64xi32, #tpu.memory_space<vmem>>
    %dma_start3A_215 = tpu.memref_squeeze %dma_start3A_214 : memref<1x80x64xi32, #tpu.memory_space<vmem>> -> memref<80x64xi32, #tpu.memory_space<vmem>>
    %dma_start3A_216 = arith.constant 0 : i32
    %dma_start3A_217 = tpu.memref_slice %arg7[%dma_start3A_209, %dma_start3A_216] : memref<2x80xi32, #tpu.memory_space<vmem>> -> memref<1x80xi32, #tpu.memory_space<vmem>>
    %dma_start3A_218 = tpu.memref_squeeze %dma_start3A_217 : memref<1x80xi32, #tpu.memory_space<vmem>> -> memref<80xi32, #tpu.memory_space<vmem>>
    %dma_start3A_219 = arith.constant 0 : i32
    %dma_start3A_220 = arith.constant 0 : i32
    %dma_start3A_221 = tpu.memref_slice %arg2[%dma_start3A_219, %dma_start3A_220] : memref<10000x64xi32, #tpu.memory_space<hbm>> -> memref<10000x64xi32, #tpu.memory_space<hbm>>
    %dma_start3A_222 = tpu.memref_slice %arg14[%dma_start3A_211] : memref<2x!tpu.dma_semaphore, #tpu.memory_space<semaphore_mem>> -> memref<1x!tpu.dma_semaphore, #tpu.memory_space<semaphore_mem>>
    %dma_start3A_223 = tpu.memref_squeeze %dma_start3A_222 : memref<1x!tpu.dma_semaphore, #tpu.memory_space<semaphore_mem>> -> memref<!tpu.dma_semaphore, #tpu.memory_space<semaphore_mem>>
    tpu.enqueue_indirect_dma source(%dma_start3A_221 : memref<10000x64xi32, #tpu.memory_space<hbm>>) target(%dma_start3A_215 : memref<80x64xi32, #tpu.memory_space<vmem>>) offsets(%dma_start3A_218 : memref<80xi32, #tpu.memory_space<vmem>>) semaphore(%dma_start3A_223 : memref<!tpu.dma_semaphore, #tpu.memory_space<semaphore_mem>>)
    %add3A_224 = arith.constant 160 : i32
    %add3A_225 = arith.addi %add3A, %add3A_224 : i32
    %dma_start3A_226 = arith.constant 0 : i32
    %dma_start3A_227 = arith.constant 0 : i32
    %dma_start3A_228 = arith.constant 0 : i32
    %dma_start3A_229 = tpu.memref_slice %arg7[%dma_start3A_226, %dma_start3A_228] : memref<2x80xi32, #tpu.memory_space<vmem>> -> memref<1x80xi32, #tpu.memory_space<vmem>>
    %dma_start3A_230 = tpu.memref_squeeze %dma_start3A_229 : memref<1x80xi32, #tpu.memory_space<vmem>> -> memref<80xi32, #tpu.memory_space<vmem>>
    %dma_start3A_231 = tpu.memref_slice %arg4[%add3A_225] : memref<640000xi32, #tpu.memory_space<hbm>> -> memref<80xi32, #tpu.memory_space<hbm>>
    %dma_start3A_232 = tpu.memref_slice %arg15[%dma_start3A_227] : memref<2x!tpu.dma_semaphore, #tpu.memory_space<semaphore_mem>> -> memref<1x!tpu.dma_semaphore, #tpu.memory_space<semaphore_mem>>
    %dma_start3A_233 = tpu.memref_squeeze %dma_start3A_232 : memref<1x!tpu.dma_semaphore, #tpu.memory_space<semaphore_mem>> -> memref<!tpu.dma_semaphore, #tpu.memory_space<semaphore_mem>>
    %dma_start3A_234 = arith.constant 0 : i32
    %dma_start3A_235 = tpu.memref_slice %arg7[%dma_start3A_226, %dma_start3A_234] : memref<2x80xi32, #tpu.memory_space<vmem>> -> memref<1x80xi32, #tpu.memory_space<vmem>>
    %dma_start3A_236 = tpu.memref_squeeze %dma_start3A_235 : memref<1x80xi32, #tpu.memory_space<vmem>> -> memref<80xi32, #tpu.memory_space<vmem>>
    %dma_start3A_237 = tpu.memref_slice %arg4[%add3A_225] : memref<640000xi32, #tpu.memory_space<hbm>> -> memref<80xi32, #tpu.memory_space<hbm>>
    tpu.enqueue_dma source(%dma_start3A_237 : memref<80xi32, #tpu.memory_space<hbm>>) target(%dma_start3A_236 : memref<80xi32, #tpu.memory_space<vmem>>) target_semaphore(%dma_start3A_233 : memref<!tpu.dma_semaphore, #tpu.memory_space<semaphore_mem>>)
    %add3A_238 = arith.constant 80 : i32
    %add3A_239 = arith.addi %mul3A_0, %add3A_238 : i32
    %dma_start3A_240 = arith.constant 1 : i32
    %dma_start3A_241 = arith.constant 1 : i32
    %dma_start3A_242 = arith.constant 0 : i32
    %dma_start3A_243 = arith.constant 0 : i32
    %dma_start3A_244 = tpu.memref_slice %arg10[%dma_start3A_240, %dma_start3A_242, %dma_start3A_243] : memref<2x80x128xf32, #tpu.memory_space<vmem>> -> memref<1x80x128xf32, #tpu.memory_space<vmem>>
    %dma_start3A_245 = tpu.memref_squeeze %dma_start3A_244 : memref<1x80x128xf32, #tpu.memory_space<vmem>> -> memref<80x128xf32, #tpu.memory_space<vmem>>
    %dma_start3A_246 = arith.constant 0 : i32
    %dma_start3A_247 = tpu.memref_slice %arg3[%add3A_239, %dma_start3A_246] : memref<320000x128xf32, #tpu.memory_space<hbm>> -> memref<80x128xf32, #tpu.memory_space<hbm>>
    %dma_start3A_248 = tpu.memref_slice %arg18[%dma_start3A_241] : memref<2x!tpu.dma_semaphore, #tpu.memory_space<semaphore_mem>> -> memref<1x!tpu.dma_semaphore, #tpu.memory_space<semaphore_mem>>
    %dma_start3A_249 = tpu.memref_squeeze %dma_start3A_248 : memref<1x!tpu.dma_semaphore, #tpu.memory_space<semaphore_mem>> -> memref<!tpu.dma_semaphore, #tpu.memory_space<semaphore_mem>>
    %dma_start3A_250 = arith.constant 0 : i32
    %dma_start3A_251 = arith.constant 0 : i32
    %dma_start3A_252 = tpu.memref_slice %arg10[%dma_start3A_240, %dma_start3A_250, %dma_start3A_251] : memref<2x80x128xf32, #tpu.memory_space<vmem>> -> memref<1x80x128xf32, #tpu.memory_space<vmem>>
    %dma_start3A_253 = tpu.memref_squeeze %dma_start3A_252 : memref<1x80x128xf32, #tpu.memory_space<vmem>> -> memref<80x128xf32, #tpu.memory_space<vmem>>
    %dma_start3A_254 = arith.constant 0 : i32
    %dma_start3A_255 = tpu.memref_slice %arg3[%add3A_239, %dma_start3A_254] : memref<320000x128xf32, #tpu.memory_space<hbm>> -> memref<80x128xf32, #tpu.memory_space<hbm>>
    tpu.enqueue_dma source(%dma_start3A_255 : memref<80x128xf32, #tpu.memory_space<hbm>>) target(%dma_start3A_253 : memref<80x128xf32, #tpu.memory_space<vmem>>) target_semaphore(%dma_start3A_249 : memref<!tpu.dma_semaphore, #tpu.memory_space<semaphore_mem>>)
    %dma_wait3A_256 = arith.constant 0 : i32
    %dma_wait3A_257 = arith.constant 0 : i32
    %dma_wait3A_258 = arith.constant 0 : i32
    %dma_wait3A_259 = arith.constant 0 : i32
    %dma_wait3A_260 = tpu.memref_slice %arg10[%dma_wait3A_256, %dma_wait3A_258, %dma_wait3A_259] : memref<2x80x128xf32, #tpu.memory_space<vmem>> -> memref<1x80x128xf32, #tpu.memory_space<vmem>>
    %dma_wait3A_261 = tpu.memref_squeeze %dma_wait3A_260 : memref<1x80x128xf32, #tpu.memory_space<vmem>> -> memref<80x128xf32, #tpu.memory_space<vmem>>
    %dma_wait3A_262 = arith.constant 0 : i32
    %dma_wait3A_263 = tpu.memref_slice %arg3[%mul3A_0, %dma_wait3A_262] : memref<320000x128xf32, #tpu.memory_space<hbm>> -> memref<80x128xf32, #tpu.memory_space<hbm>>
    %dma_wait3A_264 = tpu.memref_slice %arg18[%dma_wait3A_257] : memref<2x!tpu.dma_semaphore, #tpu.memory_space<semaphore_mem>> -> memref<1x!tpu.dma_semaphore, #tpu.memory_space<semaphore_mem>>
    %dma_wait3A_265 = tpu.memref_squeeze %dma_wait3A_264 : memref<1x!tpu.dma_semaphore, #tpu.memory_space<semaphore_mem>> -> memref<!tpu.dma_semaphore, #tpu.memory_space<semaphore_mem>>
    %dma_wait3A_266 = arith.constant 0 : i32
    %dma_wait3A_267 = arith.constant 0 : i32
    %dma_wait3A_268 = tpu.memref_slice %arg10[%dma_wait3A_256, %dma_wait3A_266, %dma_wait3A_267] : memref<2x80x128xf32, #tpu.memory_space<vmem>> -> memref<1x80x128xf32, #tpu.memory_space<vmem>>
    %dma_wait3A_269 = tpu.memref_squeeze %dma_wait3A_268 : memref<1x80x128xf32, #tpu.memory_space<vmem>> -> memref<80x128xf32, #tpu.memory_space<vmem>>
    %dma_wait3A_270 = arith.constant 0 : i32
    %dma_wait3A_271 = tpu.memref_slice %arg3[%mul3A_0, %dma_wait3A_270] : memref<320000x128xf32, #tpu.memory_space<hbm>> -> memref<80x128xf32, #tpu.memory_space<hbm>>
    tpu.wait_dma2 semaphore(%dma_wait3A_265 : memref<!tpu.dma_semaphore, #tpu.memory_space<semaphore_mem>>) src(%dma_wait3A_271 : memref<80x128xf32, #tpu.memory_space<hbm>>) dst(%dma_wait3A_269 : memref<80x128xf32, #tpu.memory_space<vmem>>)
    %parallel_loop3A = arith.constant 0 : i32
    %parallel_loop3A_272 = arith.constant 80 : i32
    %parallel_loop3A_273 = arith.constant 1 : i32
    scf.for %parallel_loop3A_428 = %parallel_loop3A to %parallel_loop3A_272 step %parallel_loop3A_273  : i32 {
      %parallel_loop3A_429 = arith.constant 0 : i32
      %parallel_loop3A_430 = arith.index_cast %parallel_loop3A_429 : i32 to index
      %parallel_loop3A_431 = arith.index_cast %parallel_loop3A_428 : i32 to index
      %parallel_loop3A_432 = arith.constant 0 : index
      %parallel_loop3A_433 = tpu.vector_load %arg9[%parallel_loop3A_430, %parallel_loop3A_431, %parallel_loop3A_432] {strides = array<i32>} : memref<2x80x64xi32, #tpu.memory_space<vmem>>, vector<16xi32>,
      %parallel_loop3A_434 = arith.constant 16 : i32
      %parallel_loop3A_435 = vector.broadcast %parallel_loop3A_434 : i32 to vector<16xi32>
      %parallel_loop3A_436 = arith.shli %parallel_loop3A_433, %parallel_loop3A_435 : vector<16xi32>
      %parallel_loop3A_437 = vector.bitcast %parallel_loop3A_436 : vector<16xi32> to vector<16xf32>
      %parallel_loop3A_438 = arith.constant -65536 : i32
      %parallel_loop3A_439 = vector.broadcast %parallel_loop3A_438 : i32 to vector<16xi32>
      %parallel_loop3A_440 = arith.andi %parallel_loop3A_433, %parallel_loop3A_439 : vector<16xi32>
      %parallel_loop3A_441 = vector.bitcast %parallel_loop3A_440 : vector<16xi32> to vector<16xf32>
      %parallel_loop3A_442 = arith.constant 0 : i32
      %parallel_loop3A_443 = arith.index_cast %parallel_loop3A_442 : i32 to index
      %parallel_loop3A_444 = arith.index_cast %parallel_loop3A_428 : i32 to index
      %parallel_loop3A_445 = arith.constant 0 : index
      %parallel_loop3A_446 = tpu.vector_load %arg10[%parallel_loop3A_443, %parallel_loop3A_444, %parallel_loop3A_445] {strides = array<i32>} : memref<2x80x128xf32, #tpu.memory_space<vmem>>, vector<16xf32>,
      %parallel_loop3A_447 = arith.subf %parallel_loop3A_437, %parallel_loop3A_446 : vector<16xf32>
      %parallel_loop3A_448 = arith.constant 0 : i32
      %parallel_loop3A_449 = arith.index_cast %parallel_loop3A_448 : i32 to index
      %parallel_loop3A_450 = arith.index_cast %parallel_loop3A_428 : i32 to index
      %parallel_loop3A_451 = arith.constant 0 : index
      %parallel_loop3A_452 = tpu.vector_load %arg10[%parallel_loop3A_449, %parallel_loop3A_450, %parallel_loop3A_451] {strides = array<i32>} : memref<2x80x128xf32, #tpu.memory_space<vmem>>, vector<16xf32>,
      tpu.vector_store %arg10[%parallel_loop3A_449, %parallel_loop3A_450, %parallel_loop3A_451], %parallel_loop3A_447 {strides = array<i32>} : memref<2x80x128xf32, #tpu.memory_space<vmem>>, vector<16xf32>,
      %parallel_loop3A_453 = arith.constant 0 : i32
      %parallel_loop3A_454 = arith.index_cast %parallel_loop3A_453 : i32 to index
      %parallel_loop3A_455 = arith.index_cast %parallel_loop3A_428 : i32 to index
      %parallel_loop3A_456 = arith.constant 64 : index
      %parallel_loop3A_457 = tpu.vector_load %arg10[%parallel_loop3A_454, %parallel_loop3A_455, %parallel_loop3A_456] {strides = array<i32>} : memref<2x80x128xf32, #tpu.memory_space<vmem>>, vector<16xf32>,
      %parallel_loop3A_458 = arith.subf %parallel_loop3A_441, %parallel_loop3A_457 : vector<16xf32>
      %parallel_loop3A_459 = arith.constant 0 : i32
      %parallel_loop3A_460 = arith.index_cast %parallel_loop3A_459 : i32 to index
      %parallel_loop3A_461 = arith.index_cast %parallel_loop3A_428 : i32 to index
      %parallel_loop3A_462 = arith.constant 64 : index
      %parallel_loop3A_463 = tpu.vector_load %arg10[%parallel_loop3A_460, %parallel_loop3A_461, %parallel_loop3A_462] {strides = array<i32>} : memref<2x80x128xf32, #tpu.memory_space<vmem>>, vector<16xf32>,
      tpu.vector_store %arg10[%parallel_loop3A_460, %parallel_loop3A_461, %parallel_loop3A_462], %parallel_loop3A_458 {strides = array<i32>} : memref<2x80x128xf32, #tpu.memory_space<vmem>>, vector<16xf32>,
      %parallel_loop3A_464 = arith.constant 0 : i32
      %parallel_loop3A_465 = arith.index_cast %parallel_loop3A_464 : i32 to index
      %parallel_loop3A_466 = arith.index_cast %parallel_loop3A_428 : i32 to index
      %parallel_loop3A_467 = arith.constant 16 : index
      %parallel_loop3A_468 = tpu.vector_load %arg9[%parallel_loop3A_465, %parallel_loop3A_466, %parallel_loop3A_467] {strides = array<i32>} : memref<2x80x64xi32, #tpu.memory_space<vmem>>, vector<16xi32>,
      %parallel_loop3A_469 = arith.constant 16 : i32
      %parallel_loop3A_470 = vector.broadcast %parallel_loop3A_469 : i32 to vector<16xi32>
      %parallel_loop3A_471 = arith.shli %parallel_loop3A_468, %parallel_loop3A_470 : vector<16xi32>
      %parallel_loop3A_472 = vector.bitcast %parallel_loop3A_471 : vector<16xi32> to vector<16xf32>
      %parallel_loop3A_473 = arith.constant -65536 : i32
      %parallel_loop3A_474 = vector.broadcast %parallel_loop3A_473 : i32 to vector<16xi32>
      %parallel_loop3A_475 = arith.andi %parallel_loop3A_468, %parallel_loop3A_474 : vector<16xi32>
      %parallel_loop3A_476 = vector.bitcast %parallel_loop3A_475 : vector<16xi32> to vector<16xf32>
      %parallel_loop3A_477 = arith.constant 0 : i32
      %parallel_loop3A_478 = arith.index_cast %parallel_loop3A_477 : i32 to index
      %parallel_loop3A_479 = arith.index_cast %parallel_loop3A_428 : i32 to index
      %parallel_loop3A_480 = arith.constant 16 : index
      %parallel_loop3A_481 = tpu.vector_load %arg10[%parallel_loop3A_478, %parallel_loop3A_479, %parallel_loop3A_480] {strides = array<i32>} : memref<2x80x128xf32, #tpu.memory_space<vmem>>, vector<16xf32>,
      %parallel_loop3A_482 = arith.subf %parallel_loop3A_472, %parallel_loop3A_481 : vector<16xf32>
      %parallel_loop3A_483 = arith.constant 0 : i32
      %parallel_loop3A_484 = arith.index_cast %parallel_loop3A_483 : i32 to index
      %parallel_loop3A_485 = arith.index_cast %parallel_loop3A_428 : i32 to index
      %parallel_loop3A_486 = arith.constant 16 : index
      %parallel_loop3A_487 = tpu.vector_load %arg10[%parallel_loop3A_484, %parallel_loop3A_485, %parallel_loop3A_486] {strides = array<i32>} : memref<2x80x128xf32, #tpu.memory_space<vmem>>, vector<16xf32>,
      tpu.vector_store %arg10[%parallel_loop3A_484, %parallel_loop3A_485, %parallel_loop3A_486], %parallel_loop3A_482 {strides = array<i32>} : memref<2x80x128xf32, #tpu.memory_space<vmem>>, vector<16xf32>,
      %parallel_loop3A_488 = arith.constant 0 : i32
      %parallel_loop3A_489 = arith.index_cast %parallel_loop3A_488 : i32 to index
      %parallel_loop3A_490 = arith.index_cast %parallel_loop3A_428 : i32 to index
      %parallel_loop3A_491 = arith.constant 80 : index
      %parallel_loop3A_492 = tpu.vector_load %arg10[%parallel_loop3A_489, %parallel_loop3A_490, %parallel_loop3A_491] {strides = array<i32>} : memref<2x80x128xf32, #tpu.memory_space<vmem>>, vector<16xf32>,
      %parallel_loop3A_493 = arith.subf %parallel_loop3A_476, %parallel_loop3A_492 : vector<16xf32>
      %parallel_loop3A_494 = arith.constant 0 : i32
      %parallel_loop3A_495 = arith.index_cast %parallel_loop3A_494 : i32 to index
      %parallel_loop3A_496 = arith.index_cast %parallel_loop3A_428 : i32 to index
      %parallel_loop3A_497 = arith.constant 80 : index
      %parallel_loop3A_498 = tpu.vector_load %arg10[%parallel_loop3A_495, %parallel_loop3A_496, %parallel_loop3A_497] {strides = array<i32>} : memref<2x80x128xf32, #tpu.memory_space<vmem>>, vector<16xf32>,
      tpu.vector_store %arg10[%parallel_loop3A_495, %parallel_loop3A_496, %parallel_loop3A_497], %parallel_loop3A_493 {strides = array<i32>} : memref<2x80x128xf32, #tpu.memory_space<vmem>>, vector<16xf32>,
      %parallel_loop3A_499 = arith.constant 0 : i32
      %parallel_loop3A_500 = arith.index_cast %parallel_loop3A_499 : i32 to index
      %parallel_loop3A_501 = arith.index_cast %parallel_loop3A_428 : i32 to index
      %parallel_loop3A_502 = arith.constant 32 : index
      %parallel_loop3A_503 = tpu.vector_load %arg9[%parallel_loop3A_500, %parallel_loop3A_501, %parallel_loop3A_502] {strides = array<i32>} : memref<2x80x64xi32, #tpu.memory_space<vmem>>, vector<16xi32>,
      %parallel_loop3A_504 = arith.constant 16 : i32
      %parallel_loop3A_505 = vector.broadcast %parallel_loop3A_504 : i32 to vector<16xi32>
      %parallel_loop3A_506 = arith.shli %parallel_loop3A_503, %parallel_loop3A_505 : vector<16xi32>
      %parallel_loop3A_507 = vector.bitcast %parallel_loop3A_506 : vector<16xi32> to vector<16xf32>
      %parallel_loop3A_508 = arith.constant -65536 : i32
      %parallel_loop3A_509 = vector.broadcast %parallel_loop3A_508 : i32 to vector<16xi32>
      %parallel_loop3A_510 = arith.andi %parallel_loop3A_503, %parallel_loop3A_509 : vector<16xi32>
      %parallel_loop3A_511 = vector.bitcast %parallel_loop3A_510 : vector<16xi32> to vector<16xf32>
      %parallel_loop3A_512 = arith.constant 0 : i32
      %parallel_loop3A_513 = arith.index_cast %parallel_loop3A_512 : i32 to index
      %parallel_loop3A_514 = arith.index_cast %parallel_loop3A_428 : i32 to index
      %parallel_loop3A_515 = arith.constant 32 : index
      %parallel_loop3A_516 = tpu.vector_load %arg10[%parallel_loop3A_513, %parallel_loop3A_514, %parallel_loop3A_515] {strides = array<i32>} : memref<2x80x128xf32, #tpu.memory_space<vmem>>, vector<16xf32>,
      %parallel_loop3A_517 = arith.subf %parallel_loop3A_507, %parallel_loop3A_516 : vector<16xf32>
      %parallel_loop3A_518 = arith.constant 0 : i32
      %parallel_loop3A_519 = arith.index_cast %parallel_loop3A_518 : i32 to index
      %parallel_loop3A_520 = arith.index_cast %parallel_loop3A_428 : i32 to index
      %parallel_loop3A_521 = arith.constant 32 : index
      %parallel_loop3A_522 = tpu.vector_load %arg10[%parallel_loop3A_519, %parallel_loop3A_520, %parallel_loop3A_521] {strides = array<i32>} : memref<2x80x128xf32, #tpu.memory_space<vmem>>, vector<16xf32>,
      tpu.vector_store %arg10[%parallel_loop3A_519, %parallel_loop3A_520, %parallel_loop3A_521], %parallel_loop3A_517 {strides = array<i32>} : memref<2x80x128xf32, #tpu.memory_space<vmem>>, vector<16xf32>,
      %parallel_loop3A_523 = arith.constant 0 : i32
      %parallel_loop3A_524 = arith.index_cast %parallel_loop3A_523 : i32 to index
      %parallel_loop3A_525 = arith.index_cast %parallel_loop3A_428 : i32 to index
      %parallel_loop3A_526 = arith.constant 96 : index
      %parallel_loop3A_527 = tpu.vector_load %arg10[%parallel_loop3A_524, %parallel_loop3A_525, %parallel_loop3A_526] {strides = array<i32>} : memref<2x80x128xf32, #tpu.memory_space<vmem>>, vector<16xf32>,
      %parallel_loop3A_528 = arith.subf %parallel_loop3A_511, %parallel_loop3A_527 : vector<16xf32>
      %parallel_loop3A_529 = arith.constant 0 : i32
      %parallel_loop3A_530 = arith.index_cast %parallel_loop3A_529 : i32 to index
      %parallel_loop3A_531 = arith.index_cast %parallel_loop3A_428 : i32 to index
      %parallel_loop3A_532 = arith.constant 96 : index
      %parallel_loop3A_533 = tpu.vector_load %arg10[%parallel_loop3A_530, %parallel_loop3A_531, %parallel_loop3A_532] {strides = array<i32>} : memref<2x80x128xf32, #tpu.memory_space<vmem>>, vector<16xf32>,
      tpu.vector_store %arg10[%parallel_loop3A_530, %parallel_loop3A_531, %parallel_loop3A_532], %parallel_loop3A_528 {strides = array<i32>} : memref<2x80x128xf32, #tpu.memory_space<vmem>>, vector<16xf32>,
      %parallel_loop3A_534 = arith.constant 0 : i32
      %parallel_loop3A_535 = arith.index_cast %parallel_loop3A_534 : i32 to index
      %parallel_loop3A_536 = arith.index_cast %parallel_loop3A_428 : i32 to index
      %parallel_loop3A_537 = arith.constant 48 : index
      %parallel_loop3A_538 = tpu.vector_load %arg9[%parallel_loop3A_535, %parallel_loop3A_536, %parallel_loop3A_537] {strides = array<i32>} : memref<2x80x64xi32, #tpu.memory_space<vmem>>, vector<16xi32>,
      %parallel_loop3A_539 = arith.constant 16 : i32
      %parallel_loop3A_540 = vector.broadcast %parallel_loop3A_539 : i32 to vector<16xi32>
      %parallel_loop3A_541 = arith.shli %parallel_loop3A_538, %parallel_loop3A_540 : vector<16xi32>
      %parallel_loop3A_542 = vector.bitcast %parallel_loop3A_541 : vector<16xi32> to vector<16xf32>
      %parallel_loop3A_543 = arith.constant -65536 : i32
      %parallel_loop3A_544 = vector.broadcast %parallel_loop3A_543 : i32 to vector<16xi32>
      %parallel_loop3A_545 = arith.andi %parallel_loop3A_538, %parallel_loop3A_544 : vector<16xi32>
      %parallel_loop3A_546 = vector.bitcast %parallel_loop3A_545 : vector<16xi32> to vector<16xf32>
      %parallel_loop3A_547 = arith.constant 0 : i32
      %parallel_loop3A_548 = arith.index_cast %parallel_loop3A_547 : i32 to index
      %parallel_loop3A_549 = arith.index_cast %parallel_loop3A_428 : i32 to index
      %parallel_loop3A_550 = arith.constant 48 : index
      %parallel_loop3A_551 = tpu.vector_load %arg10[%parallel_loop3A_548, %parallel_loop3A_549, %parallel_loop3A_550] {strides = array<i32>} : memref<2x80x128xf32, #tpu.memory_space<vmem>>, vector<16xf32>,
      %parallel_loop3A_552 = arith.subf %parallel_loop3A_542, %parallel_loop3A_551 : vector<16xf32>
      %parallel_loop3A_553 = arith.constant 0 : i32
      %parallel_loop3A_554 = arith.index_cast %parallel_loop3A_553 : i32 to index
      %parallel_loop3A_555 = arith.index_cast %parallel_loop3A_428 : i32 to index
      %parallel_loop3A_556 = arith.constant 48 : index
      %parallel_loop3A_557 = tpu.vector_load %arg10[%parallel_loop3A_554, %parallel_loop3A_555, %parallel_loop3A_556] {strides = array<i32>} : memref<2x80x128xf32, #tpu.memory_space<vmem>>, vector<16xf32>,
      tpu.vector_store %arg10[%parallel_loop3A_554, %parallel_loop3A_555, %parallel_loop3A_556], %parallel_loop3A_552 {strides = array<i32>} : memref<2x80x128xf32, #tpu.memory_space<vmem>>, vector<16xf32>,
      %parallel_loop3A_558 = arith.constant 0 : i32
      %parallel_loop3A_559 = arith.index_cast %parallel_loop3A_558 : i32 to index
      %parallel_loop3A_560 = arith.index_cast %parallel_loop3A_428 : i32 to index
      %parallel_loop3A_561 = arith.constant 112 : index
      %parallel_loop3A_562 = tpu.vector_load %arg10[%parallel_loop3A_559, %parallel_loop3A_560, %parallel_loop3A_561] {strides = array<i32>} : memref<2x80x128xf32, #tpu.memory_space<vmem>>, vector<16xf32>,
      %parallel_loop3A_563 = arith.subf %parallel_loop3A_546, %parallel_loop3A_562 : vector<16xf32>
      %parallel_loop3A_564 = arith.constant 0 : i32
      %parallel_loop3A_565 = arith.index_cast %parallel_loop3A_564 : i32 to index
      %parallel_loop3A_566 = arith.index_cast %parallel_loop3A_428 : i32 to index
      %parallel_loop3A_567 = arith.constant 112 : index
      %parallel_loop3A_568 = tpu.vector_load %arg10[%parallel_loop3A_565, %parallel_loop3A_566, %parallel_loop3A_567] {strides = array<i32>} : memref<2x80x128xf32, #tpu.memory_space<vmem>>, vector<16xf32>,
      tpu.vector_store %arg10[%parallel_loop3A_565, %parallel_loop3A_566, %parallel_loop3A_567], %parallel_loop3A_563 {strides = array<i32>} : memref<2x80x128xf32, #tpu.memory_space<vmem>>, vector<16xf32>,
    } {sc.loop_unroll_factor = 4 : i64, sc.parallel_access}
    %dma_start3A_274 = arith.constant 0 : i32
    %dma_start3A_275 = arith.constant 0 : i32
    %dma_start3A_276 = arith.constant 0 : i32
    %dma_start3A_277 = arith.constant 0 : i32
    %dma_start3A_278 = arith.constant 0 : i32
    %dma_start3A_279 = tpu.memref_slice %arg10[%dma_start3A_274, %dma_start3A_277, %dma_start3A_278] : memref<2x80x128xf32, #tpu.memory_space<vmem>> -> memref<1x80x128xf32, #tpu.memory_space<vmem>>
    %dma_start3A_280 = tpu.memref_squeeze %dma_start3A_279 : memref<1x80x128xf32, #tpu.memory_space<vmem>> -> memref<80x128xf32, #tpu.memory_space<vmem>>
    %dma_start3A_281 = arith.constant 0 : i32
    %dma_start3A_282 = tpu.memref_slice %arg8[%dma_start3A_275, %dma_start3A_281] : memref<2x80xi32, #tpu.memory_space<vmem>> -> memref<1x80xi32, #tpu.memory_space<vmem>>
    %dma_start3A_283 = tpu.memref_squeeze %dma_start3A_282 : memref<1x80xi32, #tpu.memory_space<vmem>> -> memref<80xi32, #tpu.memory_space<vmem>>
    %dma_start3A_284 = arith.constant 0 : i32
    %dma_start3A_285 = arith.constant 0 : i32
    %dma_start3A_286 = tpu.memref_slice %arg13[%dma_start3A_284, %dma_start3A_285] : memref<10000x128xf32, #tpu.memory_space<vmem_shared>> -> memref<10000x128xf32, #tpu.memory_space<vmem_shared>>
    %dma_start3A_287 = tpu.memref_slice %arg17[%dma_start3A_276] : memref<2x!tpu.dma_semaphore, #tpu.memory_space<semaphore_mem>> -> memref<1x!tpu.dma_semaphore, #tpu.memory_space<semaphore_mem>>
    %dma_start3A_288 = tpu.memref_squeeze %dma_start3A_287 : memref<1x!tpu.dma_semaphore, #tpu.memory_space<semaphore_mem>> -> memref<!tpu.dma_semaphore, #tpu.memory_space<semaphore_mem>>
    tpu.enqueue_indirect_dma source(%dma_start3A_280 : memref<80x128xf32, #tpu.memory_space<vmem>>) target(%dma_start3A_286 : memref<10000x128xf32, #tpu.memory_space<vmem_shared>>) offsets(%dma_start3A_283 : memref<80xi32, #tpu.memory_space<vmem>>) semaphore(%dma_start3A_288 : memref<!tpu.dma_semaphore, #tpu.memory_space<semaphore_mem>>) {add = true}
    %get3A = arith.constant 0 : i32
    %get3A_289 = arith.index_cast %get3A : i32 to index
    %get3A_290 = arith.constant 0 : index
    %get3A_291 = tpu.vector_load %arg8[%get3A_289, %get3A_290] {strides = array<i32>} : memref<2x80xi32, #tpu.memory_space<vmem>>, vector<16xi32>,
    tpu.vector_store_idx %arg12[%get3A_291], %add3A_10 {add = true} : memref<10000xf32, #tpu.memory_space<vmem>>[vector<16xi32>], vector<16xf32>,
    %get3A_292 = arith.constant 0 : i32
    %get3A_293 = arith.index_cast %get3A_292 : i32 to index
    %get3A_294 = arith.constant 16 : index
    %get3A_295 = tpu.vector_load %arg8[%get3A_293, %get3A_294] {strides = array<i32>} : memref<2x80xi32, #tpu.memory_space<vmem>>, vector<16xi32>,
    tpu.vector_store_idx %arg12[%get3A_295], %add3A_10 {add = true} : memref<10000xf32, #tpu.memory_space<vmem>>[vector<16xi32>], vector<16xf32>,
    %get3A_296 = arith.constant 0 : i32
    %get3A_297 = arith.index_cast %get3A_296 : i32 to index
    %get3A_298 = arith.constant 32 : index
    %get3A_299 = tpu.vector_load %arg8[%get3A_297, %get3A_298] {strides = array<i32>} : memref<2x80xi32, #tpu.memory_space<vmem>>, vector<16xi32>,
    tpu.vector_store_idx %arg12[%get3A_299], %add3A_10 {add = true} : memref<10000xf32, #tpu.memory_space<vmem>>[vector<16xi32>], vector<16xf32>,
    %get3A_300 = arith.constant 0 : i32
    %get3A_301 = arith.index_cast %get3A_300 : i32 to index
    %get3A_302 = arith.constant 48 : index
    %get3A_303 = tpu.vector_load %arg8[%get3A_301, %get3A_302] {strides = array<i32>} : memref<2x80xi32, #tpu.memory_space<vmem>>, vector<16xi32>,
    tpu.vector_store_idx %arg12[%get3A_303], %add3A_10 {add = true} : memref<10000xf32, #tpu.memory_space<vmem>>[vector<16xi32>], vector<16xf32>,
    %get3A_304 = arith.constant 0 : i32
    %get3A_305 = arith.index_cast %get3A_304 : i32 to index
    %get3A_306 = arith.constant 64 : index
    %get3A_307 = tpu.vector_load %arg8[%get3A_305, %get3A_306] {strides = array<i32>} : memref<2x80xi32, #tpu.memory_space<vmem>>, vector<16xi32>,
    tpu.vector_store_idx %arg12[%get3A_307], %add3A_10 {add = true} : memref<10000xf32, #tpu.memory_space<vmem>>[vector<16xi32>], vector<16xf32>,
    "tpu.trace_start"() <{level = 10 : i32, message = "main_loop"}> : () -> ()
    %scan3A_308 = arith.constant 0 : i32
    %scan3A_309 = arith.constant 0 : i32
    %scan3A_310 = arith.constant 124 : i32
    %scan3A_311 = arith.addi %scan3A_309, %scan3A_310 : i32
    %scan3A_312 = arith.constant 1 : i32
    scf.for %scan3A_428 = %scan3A_309 to %scan3A_311 step %scan3A_312  : i32 {
      %mul3A_429 = arith.constant 2 : i32
      %mul3A_430 = arith.muli %mul3A_429, %scan3A_428 : i32
      %add3A_431 = arith.constant 1 : i32
      %add3A_432 = arith.addi %mul3A_430, %add3A_431 : i32
      %dma_wait3A_433 = arith.constant 1 : i32
      %dma_wait3A_434 = arith.constant 1 : i32
      %dma_wait3A_435 = arith.constant 1 : i32
      %dma_wait3A_436 = arith.constant 0 : i32
      %dma_wait3A_437 = arith.constant 0 : i32
      %dma_wait3A_438 = tpu.memref_slice %arg9[%dma_wait3A_434, %dma_wait3A_436, %dma_wait3A_437] : memref<2x80x64xi32, #tpu.memory_space<vmem>> -> memref<1x80x64xi32, #tpu.memory_space<vmem>>
      %dma_wait3A_439 = tpu.memref_squeeze %dma_wait3A_438 : memref<1x80x64xi32, #tpu.memory_space<vmem>> -> memref<80x64xi32, #tpu.memory_space<vmem>>
      %dma_wait3A_440 = arith.constant 0 : i32
      %dma_wait3A_441 = tpu.memref_slice %arg7[%dma_wait3A_433, %dma_wait3A_440] : memref<2x80xi32, #tpu.memory_space<vmem>> -> memref<1x80xi32, #tpu.memory_space<vmem>>
      %dma_wait3A_442 = tpu.memref_squeeze %dma_wait3A_441 : memref<1x80xi32, #tpu.memory_space<vmem>> -> memref<80xi32, #tpu.memory_space<vmem>>
      %dma_wait3A_443 = arith.constant 0 : i32
      %dma_wait3A_444 = arith.constant 0 : i32
      %dma_wait3A_445 = tpu.memref_slice %arg2[%dma_wait3A_443, %dma_wait3A_444] : memref<10000x64xi32, #tpu.memory_space<hbm>> -> memref<10000x64xi32, #tpu.memory_space<hbm>>
      %dma_wait3A_446 = tpu.memref_slice %arg14[%dma_wait3A_435] : memref<2x!tpu.dma_semaphore, #tpu.memory_space<semaphore_mem>> -> memref<1x!tpu.dma_semaphore, #tpu.memory_space<semaphore_mem>>
      %dma_wait3A_447 = tpu.memref_squeeze %dma_wait3A_446 : memref<1x!tpu.dma_semaphore, #tpu.memory_space<semaphore_mem>> -> memref<!tpu.dma_semaphore, #tpu.memory_space<semaphore_mem>>
      tpu.wait_indirect_dma semaphore(%dma_wait3A_447 : memref<!tpu.dma_semaphore, #tpu.memory_space<semaphore_mem>>) src(%dma_wait3A_445 : memref<10000x64xi32, #tpu.memory_space<hbm>>) dst(%dma_wait3A_439 : memref<80x64xi32, #tpu.memory_space<vmem>>)
      %dma_wait3A_448 = arith.constant 0 : i32
      %dma_wait3A_449 = arith.constant 0 : i32
      %dma_wait3A_450 = arith.constant 0 : i32
      %dma_wait3A_451 = tpu.memref_slice %arg7[%dma_wait3A_448, %dma_wait3A_450] : memref<2x80xi32, #tpu.memory_space<vmem>> -> memref<1x80xi32, #tpu.memory_space<vmem>>
      %dma_wait3A_452 = tpu.memref_squeeze %dma_wait3A_451 : memref<1x80xi32, #tpu.memory_space<vmem>> -> memref<80xi32, #tpu.memory_space<vmem>>
      %dma_wait3A_453 = tpu.memref_slice %arg4[%add3A] : memref<640000xi32, #tpu.memory_space<hbm>> -> memref<80xi32, #tpu.memory_space<hbm>>
      %dma_wait3A_454 = tpu.memref_slice %arg15[%dma_wait3A_449] : memref<2x!tpu.dma_semaphore, #tpu.memory_space<semaphore_mem>> -> memref<1x!tpu.dma_semaphore, #tpu.memory_space<semaphore_mem>>
      %dma_wait3A_455 = tpu.memref_squeeze %dma_wait3A_454 : memref<1x!tpu.dma_semaphore, #tpu.memory_space<semaphore_mem>> -> memref<!tpu.dma_semaphore, #tpu.memory_space<semaphore_mem>>
      %dma_wait3A_456 = arith.constant 0 : i32
      %dma_wait3A_457 = tpu.memref_slice %arg7[%dma_wait3A_448, %dma_wait3A_456] : memref<2x80xi32, #tpu.memory_space<vmem>> -> memref<1x80xi32, #tpu.memory_space<vmem>>
      %dma_wait3A_458 = tpu.memref_squeeze %dma_wait3A_457 : memref<1x80xi32, #tpu.memory_space<vmem>> -> memref<80xi32, #tpu.memory_space<vmem>>
      %dma_wait3A_459 = tpu.memref_slice %arg4[%add3A] : memref<640000xi32, #tpu.memory_space<hbm>> -> memref<80xi32, #tpu.memory_space<hbm>>
      tpu.wait_dma2 semaphore(%dma_wait3A_455 : memref<!tpu.dma_semaphore, #tpu.memory_space<semaphore_mem>>) src(%dma_wait3A_459 : memref<80xi32, #tpu.memory_space<hbm>>) dst(%dma_wait3A_458 : memref<80xi32, #tpu.memory_space<vmem>>)
      %dma_start3A_460 = arith.constant 0 : i32
      %dma_start3A_461 = arith.constant 0 : i32
      %dma_start3A_462 = arith.constant 0 : i32
      %dma_start3A_463 = arith.constant 0 : i32
      %dma_start3A_464 = arith.constant 0 : i32
      %dma_start3A_465 = tpu.memref_slice %arg9[%dma_start3A_461, %dma_start3A_463, %dma_start3A_464] : memref<2x80x64xi32, #tpu.memory_space<vmem>> -> memref<1x80x64xi32, #tpu.memory_space<vmem>>
      %dma_start3A_466 = tpu.memref_squeeze %dma_start3A_465 : memref<1x80x64xi32, #tpu.memory_space<vmem>> -> memref<80x64xi32, #tpu.memory_space<vmem>>
      %dma_start3A_467 = arith.constant 0 : i32
      %dma_start3A_468 = tpu.memref_slice %arg7[%dma_start3A_460, %dma_start3A_467] : memref<2x80xi32, #tpu.memory_space<vmem>> -> memref<1x80xi32, #tpu.memory_space<vmem>>
      %dma_start3A_469 = tpu.memref_squeeze %dma_start3A_468 : memref<1x80xi32, #tpu.memory_space<vmem>> -> memref<80xi32, #tpu.memory_space<vmem>>
      %dma_start3A_470 = arith.constant 0 : i32
      %dma_start3A_471 = arith.constant 0 : i32
      %dma_start3A_472 = tpu.memref_slice %arg2[%dma_start3A_470, %dma_start3A_471] : memref<10000x64xi32, #tpu.memory_space<hbm>> -> memref<10000x64xi32, #tpu.memory_space<hbm>>
      %dma_start3A_473 = tpu.memref_slice %arg14[%dma_start3A_462] : memref<2x!tpu.dma_semaphore, #tpu.memory_space<semaphore_mem>> -> memref<1x!tpu.dma_semaphore, #tpu.memory_space<semaphore_mem>>
      %dma_start3A_474 = tpu.memref_squeeze %dma_start3A_473 : memref<1x!tpu.dma_semaphore, #tpu.memory_space<semaphore_mem>> -> memref<!tpu.dma_semaphore, #tpu.memory_space<semaphore_mem>>
      tpu.enqueue_indirect_dma source(%dma_start3A_472 : memref<10000x64xi32, #tpu.memory_space<hbm>>) target(%dma_start3A_466 : memref<80x64xi32, #tpu.memory_space<vmem>>) offsets(%dma_start3A_469 : memref<80xi32, #tpu.memory_space<vmem>>) semaphore(%dma_start3A_474 : memref<!tpu.dma_semaphore, #tpu.memory_space<semaphore_mem>>)
      %add3A_475 = arith.constant 2 : i32
      %add3A_476 = arith.addi %add3A_432, %add3A_475 : i32
      %mul3A_477 = arith.constant 80 : i32
      %mul3A_478 = arith.muli %add3A_476, %mul3A_477 : i32
      %add3A_479 = arith.addi %add3A, %mul3A_478 : i32
      %dma_start3A_480 = arith.constant 1 : i32
      %dma_start3A_481 = arith.constant 1 : i32
      %dma_start3A_482 = arith.constant 0 : i32
      %dma_start3A_483 = tpu.memref_slice %arg7[%dma_start3A_480, %dma_start3A_482] : memref<2x80xi32, #tpu.memory_space<vmem>> -> memref<1x80xi32, #tpu.memory_space<vmem>>
      %dma_start3A_484 = tpu.memref_squeeze %dma_start3A_483 : memref<1x80xi32, #tpu.memory_space<vmem>> -> memref<80xi32, #tpu.memory_space<vmem>>
      %dma_start3A_485 = tpu.memref_slice %arg4[%add3A_479] : memref<640000xi32, #tpu.memory_space<hbm>> -> memref<80xi32, #tpu.memory_space<hbm>>
      %dma_start3A_486 = tpu.memref_slice %arg15[%dma_start3A_481] : memref<2x!tpu.dma_semaphore, #tpu.memory_space<semaphore_mem>> -> memref<1x!tpu.dma_semaphore, #tpu.memory_space<semaphore_mem>>
      %dma_start3A_487 = tpu.memref_squeeze %dma_start3A_486 : memref<1x!tpu.dma_semaphore, #tpu.memory_space<semaphore_mem>> -> memref<!tpu.dma_semaphore, #tpu.memory_space<semaphore_mem>>
      %dma_start3A_488 = arith.constant 0 : i32
      %dma_start3A_489 = tpu.memref_slice %arg7[%dma_start3A_480, %dma_start3A_488] : memref<2x80xi32, #tpu.memory_space<vmem>> -> memref<1x80xi32, #tpu.memory_space<vmem>>
      %dma_start3A_490 = tpu.memref_squeeze %dma_start3A_489 : memref<1x80xi32, #tpu.memory_space<vmem>> -> memref<80xi32, #tpu.memory_space<vmem>>
      %dma_start3A_491 = tpu.memref_slice %arg4[%add3A_479] : memref<640000xi32, #tpu.memory_space<hbm>> -> memref<80xi32, #tpu.memory_space<hbm>>
      tpu.enqueue_dma source(%dma_start3A_491 : memref<80xi32, #tpu.memory_space<hbm>>) target(%dma_start3A_490 : memref<80xi32, #tpu.memory_space<vmem>>) target_semaphore(%dma_start3A_487 : memref<!tpu.dma_semaphore, #tpu.memory_space<semaphore_mem>>)
      %dma_wait3A_492 = arith.constant 0 : i32
      %dma_wait3A_493 = arith.constant 0 : i32
      %dma_wait3A_494 = arith.constant 0 : i32
      %dma_wait3A_495 = arith.constant 0 : i32
      %dma_wait3A_496 = arith.constant 0 : i32
      %dma_wait3A_497 = tpu.memref_slice %arg10[%dma_wait3A_492, %dma_wait3A_495, %dma_wait3A_496] : memref<2x80x128xf32, #tpu.memory_space<vmem>> -> memref<1x80x128xf32, #tpu.memory_space<vmem>>
      %dma_wait3A_498 = tpu.memref_squeeze %dma_wait3A_497 : memref<1x80x128xf32, #tpu.memory_space<vmem>> -> memref<80x128xf32, #tpu.memory_space<vmem>>
      %dma_wait3A_499 = arith.constant 0 : i32
      %dma_wait3A_500 = tpu.memref_slice %arg8[%dma_wait3A_493, %dma_wait3A_499] : memref<2x80xi32, #tpu.memory_space<vmem>> -> memref<1x80xi32, #tpu.memory_space<vmem>>
      %dma_wait3A_501 = tpu.memref_squeeze %dma_wait3A_500 : memref<1x80xi32, #tpu.memory_space<vmem>> -> memref<80xi32, #tpu.memory_space<vmem>>
      %dma_wait3A_502 = arith.constant 0 : i32
      %dma_wait3A_503 = arith.constant 0 : i32
      %dma_wait3A_504 = tpu.memref_slice %arg13[%dma_wait3A_502, %dma_wait3A_503] : memref<10000x128xf32, #tpu.memory_space<vmem_shared>> -> memref<10000x128xf32, #tpu.memory_space<vmem_shared>>
      %dma_wait3A_505 = tpu.memref_slice %arg17[%dma_wait3A_494] : memref<2x!tpu.dma_semaphore, #tpu.memory_space<semaphore_mem>> -> memref<1x!tpu.dma_semaphore, #tpu.memory_space<semaphore_mem>>
      %dma_wait3A_506 = tpu.memref_squeeze %dma_wait3A_505 : memref<1x!tpu.dma_semaphore, #tpu.memory_space<semaphore_mem>> -> memref<!tpu.dma_semaphore, #tpu.memory_space<semaphore_mem>>
      tpu.wait_indirect_dma semaphore(%dma_wait3A_506 : memref<!tpu.dma_semaphore, #tpu.memory_space<semaphore_mem>>) src(%dma_wait3A_498 : memref<80x128xf32, #tpu.memory_space<vmem>>) dst(%dma_wait3A_504 : memref<10000x128xf32, #tpu.memory_space<vmem_shared>>)
      %add3A_507 = arith.constant 1 : i32
      %add3A_508 = arith.addi %add3A_432, %add3A_507 : i32
      %mul3A_509 = arith.constant 80 : i32
      %mul3A_510 = arith.muli %add3A_508, %mul3A_509 : i32
      %add3A_511 = arith.addi %mul3A_0, %mul3A_510 : i32
      %dma_start3A_512 = arith.constant 0 : i32
      %dma_start3A_513 = arith.constant 0 : i32
      %dma_start3A_514 = arith.constant 0 : i32
      %dma_start3A_515 = arith.constant 0 : i32
      %dma_start3A_516 = tpu.memref_slice %arg10[%dma_start3A_512, %dma_start3A_514, %dma_start3A_515] : memref<2x80x128xf32, #tpu.memory_space<vmem>> -> memref<1x80x128xf32, #tpu.memory_space<vmem>>
      %dma_start3A_517 = tpu.memref_squeeze %dma_start3A_516 : memref<1x80x128xf32, #tpu.memory_space<vmem>> -> memref<80x128xf32, #tpu.memory_space<vmem>>
      %dma_start3A_518 = arith.constant 0 : i32
      %dma_start3A_519 = tpu.memref_slice %arg3[%add3A_511, %dma_start3A_518] : memref<320000x128xf32, #tpu.memory_space<hbm>> -> memref<80x128xf32, #tpu.memory_space<hbm>>
      %dma_start3A_520 = tpu.memref_slice %arg18[%dma_start3A_513] : memref<2x!tpu.dma_semaphore, #tpu.memory_space<semaphore_mem>> -> memref<1x!tpu.dma_semaphore, #tpu.memory_space<semaphore_mem>>
      %dma_start3A_521 = tpu.memref_squeeze %dma_start3A_520 : memref<1x!tpu.dma_semaphore, #tpu.memory_space<semaphore_mem>> -> memref<!tpu.dma_semaphore, #tpu.memory_space<semaphore_mem>>
      %dma_start3A_522 = arith.constant 0 : i32
      %dma_start3A_523 = arith.constant 0 : i32
      %dma_start3A_524 = tpu.memref_slice %arg10[%dma_start3A_512, %dma_start3A_522, %dma_start3A_523] : memref<2x80x128xf32, #tpu.memory_space<vmem>> -> memref<1x80x128xf32, #tpu.memory_space<vmem>>
      %dma_start3A_525 = tpu.memref_squeeze %dma_start3A_524 : memref<1x80x128xf32, #tpu.memory_space<vmem>> -> memref<80x128xf32, #tpu.memory_space<vmem>>
      %dma_start3A_526 = arith.constant 0 : i32
      %dma_start3A_527 = tpu.memref_slice %arg3[%add3A_511, %dma_start3A_526] : memref<320000x128xf32, #tpu.memory_space<hbm>> -> memref<80x128xf32, #tpu.memory_space<hbm>>
      tpu.enqueue_dma source(%dma_start3A_527 : memref<80x128xf32, #tpu.memory_space<hbm>>) target(%dma_start3A_525 : memref<80x128xf32, #tpu.memory_space<vmem>>) target_semaphore(%dma_start3A_521 : memref<!tpu.dma_semaphore, #tpu.memory_space<semaphore_mem>>)
      %add3A_528 = arith.constant 1 : i32
      %add3A_529 = arith.addi %add3A_432, %add3A_528 : i32
      %mul3A_530 = arith.constant 80 : i32
      %mul3A_531 = arith.muli %add3A_529, %mul3A_530 : i32
      %add3A_532 = arith.addi %add3A_6, %mul3A_531 : i32
      %dma_start3A_533 = arith.constant 0 : i32
      %dma_start3A_534 = arith.constant 0 : i32
      %dma_start3A_535 = arith.constant 0 : i32
      %dma_start3A_536 = tpu.memref_slice %arg8[%dma_start3A_533, %dma_start3A_535] : memref<2x80xi32, #tpu.memory_space<vmem>> -> memref<1x80xi32, #tpu.memory_space<vmem>>
      %dma_start3A_537 = tpu.memref_squeeze %dma_start3A_536 : memref<1x80xi32, #tpu.memory_space<vmem>> -> memref<80xi32, #tpu.memory_space<vmem>>
      %dma_start3A_538 = tpu.memref_slice %arg4[%add3A_532] : memref<640000xi32, #tpu.memory_space<hbm>> -> memref<80xi32, #tpu.memory_space<hbm>>
      %dma_start3A_539 = tpu.memref_slice %arg16[%dma_start3A_534] : memref<2x!tpu.dma_semaphore, #tpu.memory_space<semaphore_mem>> -> memref<1x!tpu.dma_semaphore, #tpu.memory_space<semaphore_mem>>
      %dma_start3A_540 = tpu.memref_squeeze %dma_start3A_539 : memref<1x!tpu.dma_semaphore, #tpu.memory_space<semaphore_mem>> -> memref<!tpu.dma_semaphore, #tpu.memory_space<semaphore_mem>>
      %dma_start3A_541 = arith.constant 0 : i32
      %dma_start3A_542 = tpu.memref_slice %arg8[%dma_start3A_533, %dma_start3A_541] : memref<2x80xi32, #tpu.memory_space<vmem>> -> memref<1x80xi32, #tpu.memory_space<vmem>>
      %dma_start3A_543 = tpu.memref_squeeze %dma_start3A_542 : memref<1x80xi32, #tpu.memory_space<vmem>> -> memref<80xi32, #tpu.memory_space<vmem>>
      %dma_start3A_544 = tpu.memref_slice %arg4[%add3A_532] : memref<640000xi32, #tpu.memory_space<hbm>> -> memref<80xi32, #tpu.memory_space<hbm>>
      tpu.enqueue_dma source(%dma_start3A_544 : memref<80xi32, #tpu.memory_space<hbm>>) target(%dma_start3A_543 : memref<80xi32, #tpu.memory_space<vmem>>) target_semaphore(%dma_start3A_540 : memref<!tpu.dma_semaphore, #tpu.memory_space<semaphore_mem>>)
      %dma_wait3A_545 = arith.constant 1 : i32
      %dma_wait3A_546 = arith.constant 1 : i32
      %dma_wait3A_547 = arith.constant 0 : i32
      %dma_wait3A_548 = arith.constant 0 : i32
      %dma_wait3A_549 = tpu.memref_slice %arg10[%dma_wait3A_545, %dma_wait3A_547, %dma_wait3A_548] : memref<2x80x128xf32, #tpu.memory_space<vmem>> -> memref<1x80x128xf32, #tpu.memory_space<vmem>>
      %dma_wait3A_550 = tpu.memref_squeeze %dma_wait3A_549 : memref<1x80x128xf32, #tpu.memory_space<vmem>> -> memref<80x128xf32, #tpu.memory_space<vmem>>
      %dma_wait3A_551 = arith.constant 0 : i32
      %dma_wait3A_552 = tpu.memref_slice %arg3[%mul3A_0, %dma_wait3A_551] : memref<320000x128xf32, #tpu.memory_space<hbm>> -> memref<80x128xf32, #tpu.memory_space<hbm>>
      %dma_wait3A_553 = tpu.memref_slice %arg18[%dma_wait3A_546] : memref<2x!tpu.dma_semaphore, #tpu.memory_space<semaphore_mem>> -> memref<1x!tpu.dma_semaphore, #tpu.memory_space<semaphore_mem>>
      %dma_wait3A_554 = tpu.memref_squeeze %dma_wait3A_553 : memref<1x!tpu.dma_semaphore, #tpu.memory_space<semaphore_mem>> -> memref<!tpu.dma_semaphore, #tpu.memory_space<semaphore_mem>>
      %dma_wait3A_555 = arith.constant 0 : i32
      %dma_wait3A_556 = arith.constant 0 : i32
      %dma_wait3A_557 = tpu.memref_slice %arg10[%dma_wait3A_545, %dma_wait3A_555, %dma_wait3A_556] : memref<2x80x128xf32, #tpu.memory_space<vmem>> -> memref<1x80x128xf32, #tpu.memory_space<vmem>>
      %dma_wait3A_558 = tpu.memref_squeeze %dma_wait3A_557 : memref<1x80x128xf32, #tpu.memory_space<vmem>> -> memref<80x128xf32, #tpu.memory_space<vmem>>
      %dma_wait3A_559 = arith.constant 0 : i32
      %dma_wait3A_560 = tpu.memref_slice %arg3[%mul3A_0, %dma_wait3A_559] : memref<320000x128xf32, #tpu.memory_space<hbm>> -> memref<80x128xf32, #tpu.memory_space<hbm>>
      tpu.wait_dma2 semaphore(%dma_wait3A_554 : memref<!tpu.dma_semaphore, #tpu.memory_space<semaphore_mem>>) src(%dma_wait3A_560 : memref<80x128xf32, #tpu.memory_space<hbm>>) dst(%dma_wait3A_558 : memref<80x128xf32, #tpu.memory_space<vmem>>)
      %parallel_loop3A_561 = arith.constant 0 : i32
      %parallel_loop3A_562 = arith.constant 80 : i32
      %parallel_loop3A_563 = arith.constant 1 : i32
      scf.for %parallel_loop3A_776 = %parallel_loop3A_561 to %parallel_loop3A_562 step %parallel_loop3A_563  : i32 {
        %parallel_loop3A_777 = arith.constant 1 : i32
        %parallel_loop3A_778 = arith.index_cast %parallel_loop3A_777 : i32 to index
        %parallel_loop3A_779 = arith.index_cast %parallel_loop3A_776 : i32 to index
        %parallel_loop3A_780 = arith.constant 0 : index
        %parallel_loop3A_781 = tpu.vector_load %arg9[%parallel_loop3A_778, %parallel_loop3A_779, %parallel_loop3A_780] {strides = array<i32>} : memref<2x80x64xi32, #tpu.memory_space<vmem>>, vector<16xi32>,
        %parallel_loop3A_782 = arith.constant 16 : i32
        %parallel_loop3A_783 = vector.broadcast %parallel_loop3A_782 : i32 to vector<16xi32>
        %parallel_loop3A_784 = arith.shli %parallel_loop3A_781, %parallel_loop3A_783 : vector<16xi32>
        %parallel_loop3A_785 = vector.bitcast %parallel_loop3A_784 : vector<16xi32> to vector<16xf32>
        %parallel_loop3A_786 = arith.constant -65536 : i32
        %parallel_loop3A_787 = vector.broadcast %parallel_loop3A_786 : i32 to vector<16xi32>
        %parallel_loop3A_788 = arith.andi %parallel_loop3A_781, %parallel_loop3A_787 : vector<16xi32>
        %parallel_loop3A_789 = vector.bitcast %parallel_loop3A_788 : vector<16xi32> to vector<16xf32>
        %parallel_loop3A_790 = arith.constant 1 : i32
        %parallel_loop3A_791 = arith.index_cast %parallel_loop3A_790 : i32 to index
        %parallel_loop3A_792 = arith.index_cast %parallel_loop3A_776 : i32 to index
        %parallel_loop3A_793 = arith.constant 0 : index
        %parallel_loop3A_794 = tpu.vector_load %arg10[%parallel_loop3A_791, %parallel_loop3A_792, %parallel_loop3A_793] {strides = array<i32>} : memref<2x80x128xf32, #tpu.memory_space<vmem>>, vector<16xf32>,
        %parallel_loop3A_795 = arith.subf %parallel_loop3A_785, %parallel_loop3A_794 : vector<16xf32>
        %parallel_loop3A_796 = arith.constant 1 : i32
        %parallel_loop3A_797 = arith.index_cast %parallel_loop3A_796 : i32 to index
        %parallel_loop3A_798 = arith.index_cast %parallel_loop3A_776 : i32 to index
        %parallel_loop3A_799 = arith.constant 0 : index
        %parallel_loop3A_800 = tpu.vector_load %arg10[%parallel_loop3A_797, %parallel_loop3A_798, %parallel_loop3A_799] {strides = array<i32>} : memref<2x80x128xf32, #tpu.memory_space<vmem>>, vector<16xf32>,
        tpu.vector_store %arg10[%parallel_loop3A_797, %parallel_loop3A_798, %parallel_loop3A_799], %parallel_loop3A_795 {strides = array<i32>} : memref<2x80x128xf32, #tpu.memory_space<vmem>>, vector<16xf32>,
        %parallel_loop3A_801 = arith.constant 1 : i32
        %parallel_loop3A_802 = arith.index_cast %parallel_loop3A_801 : i32 to index
        %parallel_loop3A_803 = arith.index_cast %parallel_loop3A_776 : i32 to index
        %parallel_loop3A_804 = arith.constant 64 : index
        %parallel_loop3A_805 = tpu.vector_load %arg10[%parallel_loop3A_802, %parallel_loop3A_803, %parallel_loop3A_804] {strides = array<i32>} : memref<2x80x128xf32, #tpu.memory_space<vmem>>, vector<16xf32>,
        %parallel_loop3A_806 = arith.subf %parallel_loop3A_789, %parallel_loop3A_805 : vector<16xf32>
        %parallel_loop3A_807 = arith.constant 1 : i32
        %parallel_loop3A_808 = arith.index_cast %parallel_loop3A_807 : i32 to index
        %parallel_loop3A_809 = arith.index_cast %parallel_loop3A_776 : i32 to index
        %parallel_loop3A_810 = arith.constant 64 : index
        %parallel_loop3A_811 = tpu.vector_load %arg10[%parallel_loop3A_808, %parallel_loop3A_809, %parallel_loop3A_810] {strides = array<i32>} : memref<2x80x128xf32, #tpu.memory_space<vmem>>, vector<16xf32>,
        tpu.vector_store %arg10[%parallel_loop3A_808, %parallel_loop3A_809, %parallel_loop3A_810], %parallel_loop3A_806 {strides = array<i32>} : memref<2x80x128xf32, #tpu.memory_space<vmem>>, vector<16xf32>,
        %parallel_loop3A_812 = arith.constant 1 : i32
        %parallel_loop3A_813 = arith.index_cast %parallel_loop3A_812 : i32 to index
        %parallel_loop3A_814 = arith.index_cast %parallel_loop3A_776 : i32 to index
        %parallel_loop3A_815 = arith.constant 16 : index
        %parallel_loop3A_816 = tpu.vector_load %arg9[%parallel_loop3A_813, %parallel_loop3A_814, %parallel_loop3A_815] {strides = array<i32>} : memref<2x80x64xi32, #tpu.memory_space<vmem>>, vector<16xi32>,
        %parallel_loop3A_817 = arith.constant 16 : i32
        %parallel_loop3A_818 = vector.broadcast %parallel_loop3A_817 : i32 to vector<16xi32>
        %parallel_loop3A_819 = arith.shli %parallel_loop3A_816, %parallel_loop3A_818 : vector<16xi32>
        %parallel_loop3A_820 = vector.bitcast %parallel_loop3A_819 : vector<16xi32> to vector<16xf32>
        %parallel_loop3A_821 = arith.constant -65536 : i32
        %parallel_loop3A_822 = vector.broadcast %parallel_loop3A_821 : i32 to vector<16xi32>
        %parallel_loop3A_823 = arith.andi %parallel_loop3A_816, %parallel_loop3A_822 : vector<16xi32>
        %parallel_loop3A_824 = vector.bitcast %parallel_loop3A_823 : vector<16xi32> to vector<16xf32>
        %parallel_loop3A_825 = arith.constant 1 : i32
        %parallel_loop3A_826 = arith.index_cast %parallel_loop3A_825 : i32 to index
        %parallel_loop3A_827 = arith.index_cast %parallel_loop3A_776 : i32 to index
        %parallel_loop3A_828 = arith.constant 16 : index
        %parallel_loop3A_829 = tpu.vector_load %arg10[%parallel_loop3A_826, %parallel_loop3A_827, %parallel_loop3A_828] {strides = array<i32>} : memref<2x80x128xf32, #tpu.memory_space<vmem>>, vector<16xf32>,
        %parallel_loop3A_830 = arith.subf %parallel_loop3A_820, %parallel_loop3A_829 : vector<16xf32>
        %parallel_loop3A_831 = arith.constant 1 : i32
        %parallel_loop3A_832 = arith.index_cast %parallel_loop3A_831 : i32 to index
        %parallel_loop3A_833 = arith.index_cast %parallel_loop3A_776 : i32 to index
        %parallel_loop3A_834 = arith.constant 16 : index
        %parallel_loop3A_835 = tpu.vector_load %arg10[%parallel_loop3A_832, %parallel_loop3A_833, %parallel_loop3A_834] {strides = array<i32>} : memref<2x80x128xf32, #tpu.memory_space<vmem>>, vector<16xf32>,
        tpu.vector_store %arg10[%parallel_loop3A_832, %parallel_loop3A_833, %parallel_loop3A_834], %parallel_loop3A_830 {strides = array<i32>} : memref<2x80x128xf32, #tpu.memory_space<vmem>>, vector<16xf32>,
        %parallel_loop3A_836 = arith.constant 1 : i32
        %parallel_loop3A_837 = arith.index_cast %parallel_loop3A_836 : i32 to index
        %parallel_loop3A_838 = arith.index_cast %parallel_loop3A_776 : i32 to index
        %parallel_loop3A_839 = arith.constant 80 : index
        %parallel_loop3A_840 = tpu.vector_load %arg10[%parallel_loop3A_837, %parallel_loop3A_838, %parallel_loop3A_839] {strides = array<i32>} : memref<2x80x128xf32, #tpu.memory_space<vmem>>, vector<16xf32>,
        %parallel_loop3A_841 = arith.subf %parallel_loop3A_824, %parallel_loop3A_840 : vector<16xf32>
        %parallel_loop3A_842 = arith.constant 1 : i32
        %parallel_loop3A_843 = arith.index_cast %parallel_loop3A_842 : i32 to index
        %parallel_loop3A_844 = arith.index_cast %parallel_loop3A_776 : i32 to index
        %parallel_loop3A_845 = arith.constant 80 : index
        %parallel_loop3A_846 = tpu.vector_load %arg10[%parallel_loop3A_843, %parallel_loop3A_844, %parallel_loop3A_845] {strides = array<i32>} : memref<2x80x128xf32, #tpu.memory_space<vmem>>, vector<16xf32>,
        tpu.vector_store %arg10[%parallel_loop3A_843, %parallel_loop3A_844, %parallel_loop3A_845], %parallel_loop3A_841 {strides = array<i32>} : memref<2x80x128xf32, #tpu.memory_space<vmem>>, vector<16xf32>,
        %parallel_loop3A_847 = arith.constant 1 : i32
        %parallel_loop3A_848 = arith.index_cast %parallel_loop3A_847 : i32 to index
        %parallel_loop3A_849 = arith.index_cast %parallel_loop3A_776 : i32 to index
        %parallel_loop3A_850 = arith.constant 32 : index
        %parallel_loop3A_851 = tpu.vector_load %arg9[%parallel_loop3A_848, %parallel_loop3A_849, %parallel_loop3A_850] {strides = array<i32>} : memref<2x80x64xi32, #tpu.memory_space<vmem>>, vector<16xi32>,
        %parallel_loop3A_852 = arith.constant 16 : i32
        %parallel_loop3A_853 = vector.broadcast %parallel_loop3A_852 : i32 to vector<16xi32>
        %parallel_loop3A_854 = arith.shli %parallel_loop3A_851, %parallel_loop3A_853 : vector<16xi32>
        %parallel_loop3A_855 = vector.bitcast %parallel_loop3A_854 : vector<16xi32> to vector<16xf32>
        %parallel_loop3A_856 = arith.constant -65536 : i32
        %parallel_loop3A_857 = vector.broadcast %parallel_loop3A_856 : i32 to vector<16xi32>
        %parallel_loop3A_858 = arith.andi %parallel_loop3A_851, %parallel_loop3A_857 : vector<16xi32>
        %parallel_loop3A_859 = vector.bitcast %parallel_loop3A_858 : vector<16xi32> to vector<16xf32>
        %parallel_loop3A_860 = arith.constant 1 : i32
        %parallel_loop3A_861 = arith.index_cast %parallel_loop3A_860 : i32 to index
        %parallel_loop3A_862 = arith.index_cast %parallel_loop3A_776 : i32 to index
        %parallel_loop3A_863 = arith.constant 32 : index
        %parallel_loop3A_864 = tpu.vector_load %arg10[%parallel_loop3A_861, %parallel_loop3A_862, %parallel_loop3A_863] {strides = array<i32>} : memref<2x80x128xf32, #tpu.memory_space<vmem>>, vector<16xf32>,
        %parallel_loop3A_865 = arith.subf %parallel_loop3A_855, %parallel_loop3A_864 : vector<16xf32>
        %parallel_loop3A_866 = arith.constant 1 : i32
        %parallel_loop3A_867 = arith.index_cast %parallel_loop3A_866 : i32 to index
        %parallel_loop3A_868 = arith.index_cast %parallel_loop3A_776 : i32 to index
        %parallel_loop3A_869 = arith.constant 32 : index
        %parallel_loop3A_870 = tpu.vector_load %arg10[%parallel_loop3A_867, %parallel_loop3A_868, %parallel_loop3A_869] {strides = array<i32>} : memref<2x80x128xf32, #tpu.memory_space<vmem>>, vector<16xf32>,
        tpu.vector_store %arg10[%parallel_loop3A_867, %parallel_loop3A_868, %parallel_loop3A_869], %parallel_loop3A_865 {strides = array<i32>} : memref<2x80x128xf32, #tpu.memory_space<vmem>>, vector<16xf32>,
        %parallel_loop3A_871 = arith.constant 1 : i32
        %parallel_loop3A_872 = arith.index_cast %parallel_loop3A_871 : i32 to index
        %parallel_loop3A_873 = arith.index_cast %parallel_loop3A_776 : i32 to index
        %parallel_loop3A_874 = arith.constant 96 : index
        %parallel_loop3A_875 = tpu.vector_load %arg10[%parallel_loop3A_872, %parallel_loop3A_873, %parallel_loop3A_874] {strides = array<i32>} : memref<2x80x128xf32, #tpu.memory_space<vmem>>, vector<16xf32>,
        %parallel_loop3A_876 = arith.subf %parallel_loop3A_859, %parallel_loop3A_875 : vector<16xf32>
        %parallel_loop3A_877 = arith.constant 1 : i32
        %parallel_loop3A_878 = arith.index_cast %parallel_loop3A_877 : i32 to index
        %parallel_loop3A_879 = arith.index_cast %parallel_loop3A_776 : i32 to index
        %parallel_loop3A_880 = arith.constant 96 : index
        %parallel_loop3A_881 = tpu.vector_load %arg10[%parallel_loop3A_878, %parallel_loop3A_879, %parallel_loop3A_880] {strides = array<i32>} : memref<2x80x128xf32, #tpu.memory_space<vmem>>, vector<16xf32>,
        tpu.vector_store %arg10[%parallel_loop3A_878, %parallel_loop3A_879, %parallel_loop3A_880], %parallel_loop3A_876 {strides = array<i32>} : memref<2x80x128xf32, #tpu.memory_space<vmem>>, vector<16xf32>,
        %parallel_loop3A_882 = arith.constant 1 : i32
        %parallel_loop3A_883 = arith.index_cast %parallel_loop3A_882 : i32 to index
        %parallel_loop3A_884 = arith.index_cast %parallel_loop3A_776 : i32 to index
        %parallel_loop3A_885 = arith.constant 48 : index
        %parallel_loop3A_886 = tpu.vector_load %arg9[%parallel_loop3A_883, %parallel_loop3A_884, %parallel_loop3A_885] {strides = array<i32>} : memref<2x80x64xi32, #tpu.memory_space<vmem>>, vector<16xi32>,
        %parallel_loop3A_887 = arith.constant 16 : i32
        %parallel_loop3A_888 = vector.broadcast %parallel_loop3A_887 : i32 to vector<16xi32>
        %parallel_loop3A_889 = arith.shli %parallel_loop3A_886, %parallel_loop3A_888 : vector<16xi32>
        %parallel_loop3A_890 = vector.bitcast %parallel_loop3A_889 : vector<16xi32> to vector<16xf32>
        %parallel_loop3A_891 = arith.constant -65536 : i32
        %parallel_loop3A_892 = vector.broadcast %parallel_loop3A_891 : i32 to vector<16xi32>
        %parallel_loop3A_893 = arith.andi %parallel_loop3A_886, %parallel_loop3A_892 : vector<16xi32>
        %parallel_loop3A_894 = vector.bitcast %parallel_loop3A_893 : vector<16xi32> to vector<16xf32>
        %parallel_loop3A_895 = arith.constant 1 : i32
        %parallel_loop3A_896 = arith.index_cast %parallel_loop3A_895 : i32 to index
        %parallel_loop3A_897 = arith.index_cast %parallel_loop3A_776 : i32 to index
        %parallel_loop3A_898 = arith.constant 48 : index
        %parallel_loop3A_899 = tpu.vector_load %arg10[%parallel_loop3A_896, %parallel_loop3A_897, %parallel_loop3A_898] {strides = array<i32>} : memref<2x80x128xf32, #tpu.memory_space<vmem>>, vector<16xf32>,
        %parallel_loop3A_900 = arith.subf %parallel_loop3A_890, %parallel_loop3A_899 : vector<16xf32>
        %parallel_loop3A_901 = arith.constant 1 : i32
        %parallel_loop3A_902 = arith.index_cast %parallel_loop3A_901 : i32 to index
        %parallel_loop3A_903 = arith.index_cast %parallel_loop3A_776 : i32 to index
        %parallel_loop3A_904 = arith.constant 48 : index
        %parallel_loop3A_905 = tpu.vector_load %arg10[%parallel_loop3A_902, %parallel_loop3A_903, %parallel_loop3A_904] {strides = array<i32>} : memref<2x80x128xf32, #tpu.memory_space<vmem>>, vector<16xf32>,
        tpu.vector_store %arg10[%parallel_loop3A_902, %parallel_loop3A_903, %parallel_loop3A_904], %parallel_loop3A_900 {strides = array<i32>} : memref<2x80x128xf32, #tpu.memory_space<vmem>>, vector<16xf32>,
        %parallel_loop3A_906 = arith.constant 1 : i32
        %parallel_loop3A_907 = arith.index_cast %parallel_loop3A_906 : i32 to index
        %parallel_loop3A_908 = arith.index_cast %parallel_loop3A_776 : i32 to index
        %parallel_loop3A_909 = arith.constant 112 : index
        %parallel_loop3A_910 = tpu.vector_load %arg10[%parallel_loop3A_907, %parallel_loop3A_908, %parallel_loop3A_909] {strides = array<i32>} : memref<2x80x128xf32, #tpu.memory_space<vmem>>, vector<16xf32>,
        %parallel_loop3A_911 = arith.subf %parallel_loop3A_894, %parallel_loop3A_910 : vector<16xf32>
        %parallel_loop3A_912 = arith.constant 1 : i32
        %parallel_loop3A_913 = arith.index_cast %parallel_loop3A_912 : i32 to index
        %parallel_loop3A_914 = arith.index_cast %parallel_loop3A_776 : i32 to index
        %parallel_loop3A_915 = arith.constant 112 : index
        %parallel_loop3A_916 = tpu.vector_load %arg10[%parallel_loop3A_913, %parallel_loop3A_914, %parallel_loop3A_915] {strides = array<i32>} : memref<2x80x128xf32, #tpu.memory_space<vmem>>, vector<16xf32>,
        tpu.vector_store %arg10[%parallel_loop3A_913, %parallel_loop3A_914, %parallel_loop3A_915], %parallel_loop3A_911 {strides = array<i32>} : memref<2x80x128xf32, #tpu.memory_space<vmem>>, vector<16xf32>,
      } {sc.loop_unroll_factor = 4 : i64, sc.parallel_access}
      %dma_wait3A_564 = arith.constant 1 : i32
      %dma_wait3A_565 = arith.constant 1 : i32
      %dma_wait3A_566 = arith.constant 0 : i32
      %dma_wait3A_567 = tpu.memref_slice %arg8[%dma_wait3A_564, %dma_wait3A_566] : memref<2x80xi32, #tpu.memory_space<vmem>> -> memref<1x80xi32, #tpu.memory_space<vmem>>
      %dma_wait3A_568 = tpu.memref_squeeze %dma_wait3A_567 : memref<1x80xi32, #tpu.memory_space<vmem>> -> memref<80xi32, #tpu.memory_space<vmem>>
      %dma_wait3A_569 = tpu.memref_slice %arg4[%add3A_6] : memref<640000xi32, #tpu.memory_space<hbm>> -> memref<80xi32, #tpu.memory_space<hbm>>
      %dma_wait3A_570 = tpu.memref_slice %arg16[%dma_wait3A_565] : memref<2x!tpu.dma_semaphore, #tpu.memory_space<semaphore_mem>> -> memref<1x!tpu.dma_semaphore, #tpu.memory_space<semaphore_mem>>
      %dma_wait3A_571 = tpu.memref_squeeze %dma_wait3A_570 : memref<1x!tpu.dma_semaphore, #tpu.memory_space<semaphore_mem>> -> memref<!tpu.dma_semaphore, #tpu.memory_space<semaphore_mem>>
      %dma_wait3A_572 = arith.constant 0 : i32
      %dma_wait3A_573 = tpu.memref_slice %arg8[%dma_wait3A_564, %dma_wait3A_572] : memref<2x80xi32, #tpu.memory_space<vmem>> -> memref<1x80xi32, #tpu.memory_space<vmem>>
      %dma_wait3A_574 = tpu.memref_squeeze %dma_wait3A_573 : memref<1x80xi32, #tpu.memory_space<vmem>> -> memref<80xi32, #tpu.memory_space<vmem>>
      %dma_wait3A_575 = tpu.memref_slice %arg4[%add3A_6] : memref<640000xi32, #tpu.memory_space<hbm>> -> memref<80xi32, #tpu.memory_space<hbm>>
      tpu.wait_dma2 semaphore(%dma_wait3A_571 : memref<!tpu.dma_semaphore, #tpu.memory_space<semaphore_mem>>) src(%dma_wait3A_575 : memref<80xi32, #tpu.memory_space<hbm>>) dst(%dma_wait3A_574 : memref<80xi32, #tpu.memory_space<vmem>>)
      %dma_start3A_576 = arith.constant 1 : i32
      %dma_start3A_577 = arith.constant 1 : i32
      %dma_start3A_578 = arith.constant 1 : i32
      %dma_start3A_579 = arith.constant 0 : i32
      %dma_start3A_580 = arith.constant 0 : i32
      %dma_start3A_581 = tpu.memref_slice %arg10[%dma_start3A_576, %dma_start3A_579, %dma_start3A_580] : memref<2x80x128xf32, #tpu.memory_space<vmem>> -> memref<1x80x128xf32, #tpu.memory_space<vmem>>
      %dma_start3A_582 = tpu.memref_squeeze %dma_start3A_581 : memref<1x80x128xf32, #tpu.memory_space<vmem>> -> memref<80x128xf32, #tpu.memory_space<vmem>>
      %dma_start3A_583 = arith.constant 0 : i32
      %dma_start3A_584 = tpu.memref_slice %arg8[%dma_start3A_577, %dma_start3A_583] : memref<2x80xi32, #tpu.memory_space<vmem>> -> memref<1x80xi32, #tpu.memory_space<vmem>>
      %dma_start3A_585 = tpu.memref_squeeze %dma_start3A_584 : memref<1x80xi32, #tpu.memory_space<vmem>> -> memref<80xi32, #tpu.memory_space<vmem>>
      %dma_start3A_586 = arith.constant 0 : i32
      %dma_start3A_587 = arith.constant 0 : i32
      %dma_start3A_588 = tpu.memref_slice %arg13[%dma_start3A_586, %dma_start3A_587] : memref<10000x128xf32, #tpu.memory_space<vmem_shared>> -> memref<10000x128xf32, #tpu.memory_space<vmem_shared>>
      %dma_start3A_589 = tpu.memref_slice %arg17[%dma_start3A_578] : memref<2x!tpu.dma_semaphore, #tpu.memory_space<semaphore_mem>> -> memref<1x!tpu.dma_semaphore, #tpu.memory_space<semaphore_mem>>
      %dma_start3A_590 = tpu.memref_squeeze %dma_start3A_589 : memref<1x!tpu.dma_semaphore, #tpu.memory_space<semaphore_mem>> -> memref<!tpu.dma_semaphore, #tpu.memory_space<semaphore_mem>>
      tpu.enqueue_indirect_dma source(%dma_start3A_582 : memref<80x128xf32, #tpu.memory_space<vmem>>) target(%dma_start3A_588 : memref<10000x128xf32, #tpu.memory_space<vmem_shared>>) offsets(%dma_start3A_585 : memref<80xi32, #tpu.memory_space<vmem>>) semaphore(%dma_start3A_590 : memref<!tpu.dma_semaphore, #tpu.memory_space<semaphore_mem>>) {add = true}
      %get3A_591 = arith.constant 1 : i32
      %get3A_592 = arith.index_cast %get3A_591 : i32 to index
      %get3A_593 = arith.constant 0 : index
      %get3A_594 = tpu.vector_load %arg8[%get3A_592, %get3A_593] {strides = array<i32>} : memref<2x80xi32, #tpu.memory_space<vmem>>, vector<16xi32>,
      tpu.vector_store_idx %arg12[%get3A_594], %add3A_10 {add = true} : memref<10000xf32, #tpu.memory_space<vmem>>[vector<16xi32>], vector<16xf32>,
      %get3A_595 = arith.constant 1 : i32
      %get3A_596 = arith.index_cast %get3A_595 : i32 to index
      %get3A_597 = arith.constant 16 : index
      %get3A_598 = tpu.vector_load %arg8[%get3A_596, %get3A_597] {strides = array<i32>} : memref<2x80xi32, #tpu.memory_space<vmem>>, vector<16xi32>,
      tpu.vector_store_idx %arg12[%get3A_598], %add3A_10 {add = true} : memref<10000xf32, #tpu.memory_space<vmem>>[vector<16xi32>], vector<16xf32>,
      %get3A_599 = arith.constant 1 : i32
      %get3A_600 = arith.index_cast %get3A_599 : i32 to index
      %get3A_601 = arith.constant 32 : index
      %get3A_602 = tpu.vector_load %arg8[%get3A_600, %get3A_601] {strides = array<i32>} : memref<2x80xi32, #tpu.memory_space<vmem>>, vector<16xi32>,
      tpu.vector_store_idx %arg12[%get3A_602], %add3A_10 {add = true} : memref<10000xf32, #tpu.memory_space<vmem>>[vector<16xi32>], vector<16xf32>,
      %get3A_603 = arith.constant 1 : i32
      %get3A_604 = arith.index_cast %get3A_603 : i32 to index
      %get3A_605 = arith.constant 48 : index
      %get3A_606 = tpu.vector_load %arg8[%get3A_604, %get3A_605] {strides = array<i32>} : memref<2x80xi32, #tpu.memory_space<vmem>>, vector<16xi32>,
      tpu.vector_store_idx %arg12[%get3A_606], %add3A_10 {add = true} : memref<10000xf32, #tpu.memory_space<vmem>>[vector<16xi32>], vector<16xf32>,
      %get3A_607 = arith.constant 1 : i32
      %get3A_608 = arith.index_cast %get3A_607 : i32 to index
      %get3A_609 = arith.constant 64 : index
      %get3A_610 = tpu.vector_load %arg8[%get3A_608, %get3A_609] {strides = array<i32>} : memref<2x80xi32, #tpu.memory_space<vmem>>, vector<16xi32>,
      tpu.vector_store_idx %arg12[%get3A_610], %add3A_10 {add = true} : memref<10000xf32, #tpu.memory_space<vmem>>[vector<16xi32>], vector<16xf32>,
      %add3A_611 = arith.constant 1 : i32
      %add3A_612 = arith.addi %add3A_432, %add3A_611 : i32
      %lt3A = arith.constant 123 : i32
      %lt3A_613 = arith.cmpi slt, %scan3A_428, %lt3A : i32
      %dma_wait3A_614 = arith.constant 0 : i32
      %dma_wait3A_615 = arith.constant 0 : i32
      %dma_wait3A_616 = arith.constant 0 : i32
      %dma_wait3A_617 = arith.constant 0 : i32
      %dma_wait3A_618 = arith.constant 0 : i32
      %dma_wait3A_619 = tpu.memref_slice %arg9[%dma_wait3A_615, %dma_wait3A_617, %dma_wait3A_618] : memref<2x80x64xi32, #tpu.memory_space<vmem>> -> memref<1x80x64xi32, #tpu.memory_space<vmem>>
      %dma_wait3A_620 = tpu.memref_squeeze %dma_wait3A_619 : memref<1x80x64xi32, #tpu.memory_space<vmem>> -> memref<80x64xi32, #tpu.memory_space<vmem>>
      %dma_wait3A_621 = arith.constant 0 : i32
      %dma_wait3A_622 = tpu.memref_slice %arg7[%dma_wait3A_614, %dma_wait3A_621] : memref<2x80xi32, #tpu.memory_space<vmem>> -> memref<1x80xi32, #tpu.memory_space<vmem>>
      %dma_wait3A_623 = tpu.memref_squeeze %dma_wait3A_622 : memref<1x80xi32, #tpu.memory_space<vmem>> -> memref<80xi32, #tpu.memory_space<vmem>>
      %dma_wait3A_624 = arith.constant 0 : i32
      %dma_wait3A_625 = arith.constant 0 : i32
      %dma_wait3A_626 = tpu.memref_slice %arg2[%dma_wait3A_624, %dma_wait3A_625] : memref<10000x64xi32, #tpu.memory_space<hbm>> -> memref<10000x64xi32, #tpu.memory_space<hbm>>
      %dma_wait3A_627 = tpu.memref_slice %arg14[%dma_wait3A_616] : memref<2x!tpu.dma_semaphore, #tpu.memory_space<semaphore_mem>> -> memref<1x!tpu.dma_semaphore, #tpu.memory_space<semaphore_mem>>
      %dma_wait3A_628 = tpu.memref_squeeze %dma_wait3A_627 : memref<1x!tpu.dma_semaphore, #tpu.memory_space<semaphore_mem>> -> memref<!tpu.dma_semaphore, #tpu.memory_space<semaphore_mem>>
      tpu.wait_indirect_dma semaphore(%dma_wait3A_628 : memref<!tpu.dma_semaphore, #tpu.memory_space<semaphore_mem>>) src(%dma_wait3A_626 : memref<10000x64xi32, #tpu.memory_space<hbm>>) dst(%dma_wait3A_620 : memref<80x64xi32, #tpu.memory_space<vmem>>)
      %dma_wait3A_629 = arith.constant 1 : i32
      %dma_wait3A_630 = arith.constant 1 : i32
      %dma_wait3A_631 = arith.constant 0 : i32
      %dma_wait3A_632 = tpu.memref_slice %arg7[%dma_wait3A_629, %dma_wait3A_631] : memref<2x80xi32, #tpu.memory_space<vmem>> -> memref<1x80xi32, #tpu.memory_space<vmem>>
      %dma_wait3A_633 = tpu.memref_squeeze %dma_wait3A_632 : memref<1x80xi32, #tpu.memory_space<vmem>> -> memref<80xi32, #tpu.memory_space<vmem>>
      %dma_wait3A_634 = tpu.memref_slice %arg4[%add3A] : memref<640000xi32, #tpu.memory_space<hbm>> -> memref<80xi32, #tpu.memory_space<hbm>>
      %dma_wait3A_635 = tpu.memref_slice %arg15[%dma_wait3A_630] : memref<2x!tpu.dma_semaphore, #tpu.memory_space<semaphore_mem>> -> memref<1x!tpu.dma_semaphore, #tpu.memory_space<semaphore_mem>>
      %dma_wait3A_636 = tpu.memref_squeeze %dma_wait3A_635 : memref<1x!tpu.dma_semaphore, #tpu.memory_space<semaphore_mem>> -> memref<!tpu.dma_semaphore, #tpu.memory_space<semaphore_mem>>
      %dma_wait3A_637 = arith.constant 0 : i32
      %dma_wait3A_638 = tpu.memref_slice %arg7[%dma_wait3A_629, %dma_wait3A_637] : memref<2x80xi32, #tpu.memory_space<vmem>> -> memref<1x80xi32, #tpu.memory_space<vmem>>
      %dma_wait3A_639 = tpu.memref_squeeze %dma_wait3A_638 : memref<1x80xi32, #tpu.memory_space<vmem>> -> memref<80xi32, #tpu.memory_space<vmem>>
      %dma_wait3A_640 = tpu.memref_slice %arg4[%add3A] : memref<640000xi32, #tpu.memory_space<hbm>> -> memref<80xi32, #tpu.memory_space<hbm>>
      tpu.wait_dma2 semaphore(%dma_wait3A_636 : memref<!tpu.dma_semaphore, #tpu.memory_space<semaphore_mem>>) src(%dma_wait3A_640 : memref<80xi32, #tpu.memory_space<hbm>>) dst(%dma_wait3A_639 : memref<80xi32, #tpu.memory_space<vmem>>)
      %dma_start3A_641 = arith.constant 1 : i32
      %dma_start3A_642 = arith.constant 1 : i32
      %dma_start3A_643 = arith.constant 1 : i32
      %dma_start3A_644 = arith.constant 0 : i32
      %dma_start3A_645 = arith.constant 0 : i32
      %dma_start3A_646 = tpu.memref_slice %arg9[%dma_start3A_642, %dma_start3A_644, %dma_start3A_645] : memref<2x80x64xi32, #tpu.memory_space<vmem>> -> memref<1x80x64xi32, #tpu.memory_space<vmem>>
      %dma_start3A_647 = tpu.memref_squeeze %dma_start3A_646 : memref<1x80x64xi32, #tpu.memory_space<vmem>> -> memref<80x64xi32, #tpu.memory_space<vmem>>
      %dma_start3A_648 = arith.constant 0 : i32
      %dma_start3A_649 = tpu.memref_slice %arg7[%dma_start3A_641, %dma_start3A_648] : memref<2x80xi32, #tpu.memory_space<vmem>> -> memref<1x80xi32, #tpu.memory_space<vmem>>
      %dma_start3A_650 = tpu.memref_squeeze %dma_start3A_649 : memref<1x80xi32, #tpu.memory_space<vmem>> -> memref<80xi32, #tpu.memory_space<vmem>>
      %dma_start3A_651 = arith.constant 0 : i32
      %dma_start3A_652 = arith.constant 0 : i32
      %dma_start3A_653 = tpu.memref_slice %arg2[%dma_start3A_651, %dma_start3A_652] : memref<10000x64xi32, #tpu.memory_space<hbm>> -> memref<10000x64xi32, #tpu.memory_space<hbm>>
      %dma_start3A_654 = tpu.memref_slice %arg14[%dma_start3A_643] : memref<2x!tpu.dma_semaphore, #tpu.memory_space<semaphore_mem>> -> memref<1x!tpu.dma_semaphore, #tpu.memory_space<semaphore_mem>>
      %dma_start3A_655 = tpu.memref_squeeze %dma_start3A_654 : memref<1x!tpu.dma_semaphore, #tpu.memory_space<semaphore_mem>> -> memref<!tpu.dma_semaphore, #tpu.memory_space<semaphore_mem>>
      tpu.enqueue_indirect_dma source(%dma_start3A_653 : memref<10000x64xi32, #tpu.memory_space<hbm>>) target(%dma_start3A_647 : memref<80x64xi32, #tpu.memory_space<vmem>>) offsets(%dma_start3A_650 : memref<80xi32, #tpu.memory_space<vmem>>) semaphore(%dma_start3A_655 : memref<!tpu.dma_semaphore, #tpu.memory_space<semaphore_mem>>)
      %convert_element_type3A = arith.extui %lt3A_613 : i1 to i32
      %cond3A = arith.constant 0 : i32
      %cond3A_656 = arith.cmpi ne, %convert_element_type3A, %cond3A : i32
      scf.if %cond3A_656 {
        %add3A_776 = arith.constant 2 : i32
        %add3A_777 = arith.addi %add3A_612, %add3A_776 : i32
        %mul3A_778 = arith.constant 80 : i32
        %mul3A_779 = arith.muli %add3A_777, %mul3A_778 : i32
        %add3A_780 = arith.addi %add3A, %mul3A_779 : i32
        %dma_start3A_781 = arith.constant 0 : i32
        %dma_start3A_782 = arith.constant 0 : i32
        %dma_start3A_783 = arith.constant 0 : i32
        %dma_start3A_784 = tpu.memref_slice %arg7[%dma_start3A_781, %dma_start3A_783] : memref<2x80xi32, #tpu.memory_space<vmem>> -> memref<1x80xi32, #tpu.memory_space<vmem>>
        %dma_start3A_785 = tpu.memref_squeeze %dma_start3A_784 : memref<1x80xi32, #tpu.memory_space<vmem>> -> memref<80xi32, #tpu.memory_space<vmem>>
        %dma_start3A_786 = tpu.memref_slice %arg4[%add3A_780] : memref<640000xi32, #tpu.memory_space<hbm>> -> memref<80xi32, #tpu.memory_space<hbm>>
        %dma_start3A_787 = tpu.memref_slice %arg15[%dma_start3A_782] : memref<2x!tpu.dma_semaphore, #tpu.memory_space<semaphore_mem>> -> memref<1x!tpu.dma_semaphore, #tpu.memory_space<semaphore_mem>>
        %dma_start3A_788 = tpu.memref_squeeze %dma_start3A_787 : memref<1x!tpu.dma_semaphore, #tpu.memory_space<semaphore_mem>> -> memref<!tpu.dma_semaphore, #tpu.memory_space<semaphore_mem>>
        %dma_start3A_789 = arith.constant 0 : i32
        %dma_start3A_790 = tpu.memref_slice %arg7[%dma_start3A_781, %dma_start3A_789] : memref<2x80xi32, #tpu.memory_space<vmem>> -> memref<1x80xi32, #tpu.memory_space<vmem>>
        %dma_start3A_791 = tpu.memref_squeeze %dma_start3A_790 : memref<1x80xi32, #tpu.memory_space<vmem>> -> memref<80xi32, #tpu.memory_space<vmem>>
        %dma_start3A_792 = tpu.memref_slice %arg4[%add3A_780] : memref<640000xi32, #tpu.memory_space<hbm>> -> memref<80xi32, #tpu.memory_space<hbm>>
        tpu.enqueue_dma source(%dma_start3A_792 : memref<80xi32, #tpu.memory_space<hbm>>) target(%dma_start3A_791 : memref<80xi32, #tpu.memory_space<vmem>>) target_semaphore(%dma_start3A_788 : memref<!tpu.dma_semaphore, #tpu.memory_space<semaphore_mem>>)
      } else {
      }
      %dma_wait3A_657 = arith.constant 1 : i32
      %dma_wait3A_658 = arith.constant 1 : i32
      %dma_wait3A_659 = arith.constant 1 : i32
      %dma_wait3A_660 = arith.constant 0 : i32
      %dma_wait3A_661 = arith.constant 0 : i32
      %dma_wait3A_662 = tpu.memref_slice %arg10[%dma_wait3A_657, %dma_wait3A_660, %dma_wait3A_661] : memref<2x80x128xf32, #tpu.memory_space<vmem>> -> memref<1x80x128xf32, #tpu.memory_space<vmem>>
      %dma_wait3A_663 = tpu.memref_squeeze %dma_wait3A_662 : memref<1x80x128xf32, #tpu.memory_space<vmem>> -> memref<80x128xf32, #tpu.memory_space<vmem>>
      %dma_wait3A_664 = arith.constant 0 : i32
      %dma_wait3A_665 = tpu.memref_slice %arg8[%dma_wait3A_658, %dma_wait3A_664] : memref<2x80xi32, #tpu.memory_space<vmem>> -> memref<1x80xi32, #tpu.memory_space<vmem>>
      %dma_wait3A_666 = tpu.memref_squeeze %dma_wait3A_665 : memref<1x80xi32, #tpu.memory_space<vmem>> -> memref<80xi32, #tpu.memory_space<vmem>>
      %dma_wait3A_667 = arith.constant 0 : i32
      %dma_wait3A_668 = arith.constant 0 : i32
      %dma_wait3A_669 = tpu.memref_slice %arg13[%dma_wait3A_667, %dma_wait3A_668] : memref<10000x128xf32, #tpu.memory_space<vmem_shared>> -> memref<10000x128xf32, #tpu.memory_space<vmem_shared>>
      %dma_wait3A_670 = tpu.memref_slice %arg17[%dma_wait3A_659] : memref<2x!tpu.dma_semaphore, #tpu.memory_space<semaphore_mem>> -> memref<1x!tpu.dma_semaphore, #tpu.memory_space<semaphore_mem>>
      %dma_wait3A_671 = tpu.memref_squeeze %dma_wait3A_670 : memref<1x!tpu.dma_semaphore, #tpu.memory_space<semaphore_mem>> -> memref<!tpu.dma_semaphore, #tpu.memory_space<semaphore_mem>>
      tpu.wait_indirect_dma semaphore(%dma_wait3A_671 : memref<!tpu.dma_semaphore, #tpu.memory_space<semaphore_mem>>) src(%dma_wait3A_663 : memref<80x128xf32, #tpu.memory_space<vmem>>) dst(%dma_wait3A_669 : memref<10000x128xf32, #tpu.memory_space<vmem_shared>>)
      %add3A_672 = arith.constant 1 : i32
      %add3A_673 = arith.addi %add3A_612, %add3A_672 : i32
      %mul3A_674 = arith.constant 80 : i32
      %mul3A_675 = arith.muli %add3A_673, %mul3A_674 : i32
      %add3A_676 = arith.addi %mul3A_0, %mul3A_675 : i32
      %dma_start3A_677 = arith.constant 1 : i32
      %dma_start3A_678 = arith.constant 1 : i32
      %dma_start3A_679 = arith.constant 0 : i32
      %dma_start3A_680 = arith.constant 0 : i32
      %dma_start3A_681 = tpu.memref_slice %arg10[%dma_start3A_677, %dma_start3A_679, %dma_start3A_680] : memref<2x80x128xf32, #tpu.memory_space<vmem>> -> memref<1x80x128xf32, #tpu.memory_space<vmem>>
      %dma_start3A_682 = tpu.memref_squeeze %dma_start3A_681 : memref<1x80x128xf32, #tpu.memory_space<vmem>> -> memref<80x128xf32, #tpu.memory_space<vmem>>
      %dma_start3A_683 = arith.constant 0 : i32
      %dma_start3A_684 = tpu.memref_slice %arg3[%add3A_676, %dma_start3A_683] : memref<320000x128xf32, #tpu.memory_space<hbm>> -> memref<80x128xf32, #tpu.memory_space<hbm>>
      %dma_start3A_685 = tpu.memref_slice %arg18[%dma_start3A_678] : memref<2x!tpu.dma_semaphore, #tpu.memory_space<semaphore_mem>> -> memref<1x!tpu.dma_semaphore, #tpu.memory_space<semaphore_mem>>
      %dma_start3A_686 = tpu.memref_squeeze %dma_start3A_685 : memref<1x!tpu.dma_semaphore, #tpu.memory_space<semaphore_mem>> -> memref<!tpu.dma_semaphore, #tpu.memory_space<semaphore_mem>>
      %dma_start3A_687 = arith.constant 0 : i32
      %dma_start3A_688 = arith.constant 0 : i32
      %dma_start3A_689 = tpu.memref_slice %arg10[%dma_start3A_677, %dma_start3A_687, %dma_start3A_688] : memref<2x80x128xf32, #tpu.memory_space<vmem>> -> memref<1x80x128xf32, #tpu.memory_space<vmem>>
      %dma_start3A_690 = tpu.memref_squeeze %dma_start3A_689 : memref<1x80x128xf32, #tpu.memory_space<vmem>> -> memref<80x128xf32, #tpu.memory_space<vmem>>
      %dma_start3A_691 = arith.constant 0 : i32
      %dma_start3A_692 = tpu.memref_slice %arg3[%add3A_676, %dma_start3A_691] : memref<320000x128xf32, #tpu.memory_space<hbm>> -> memref<80x128xf32, #tpu.memory_space<hbm>>
      tpu.enqueue_dma source(%dma_start3A_692 : memref<80x128xf32, #tpu.memory_space<hbm>>) target(%dma_start3A_690 : memref<80x128xf32, #tpu.memory_space<vmem>>) target_semaphore(%dma_start3A_686 : memref<!tpu.dma_semaphore, #tpu.memory_space<semaphore_mem>>)
      %add3A_693 = arith.constant 1 : i32
      %add3A_694 = arith.addi %add3A_612, %add3A_693 : i32
      %mul3A_695 = arith.constant 80 : i32
      %mul3A_696 = arith.muli %add3A_694, %mul3A_695 : i32
      %add3A_697 = arith.addi %add3A_6, %mul3A_696 : i32
      %dma_start3A_698 = arith.constant 1 : i32
      %dma_start3A_699 = arith.constant 1 : i32
      %dma_start3A_700 = arith.constant 0 : i32
      %dma_start3A_701 = tpu.memref_slice %arg8[%dma_start3A_698, %dma_start3A_700] : memref<2x80xi32, #tpu.memory_space<vmem>> -> memref<1x80xi32, #tpu.memory_space<vmem>>
      %dma_start3A_702 = tpu.memref_squeeze %dma_start3A_701 : memref<1x80xi32, #tpu.memory_space<vmem>> -> memref<80xi32, #tpu.memory_space<vmem>>
      %dma_start3A_703 = tpu.memref_slice %arg4[%add3A_697] : memref<640000xi32, #tpu.memory_space<hbm>> -> memref<80xi32, #tpu.memory_space<hbm>>
      %dma_start3A_704 = tpu.memref_slice %arg16[%dma_start3A_699] : memref<2x!tpu.dma_semaphore, #tpu.memory_space<semaphore_mem>> -> memref<1x!tpu.dma_semaphore, #tpu.memory_space<semaphore_mem>>
      %dma_start3A_705 = tpu.memref_squeeze %dma_start3A_704 : memref<1x!tpu.dma_semaphore, #tpu.memory_space<semaphore_mem>> -> memref<!tpu.dma_semaphore, #tpu.memory_space<semaphore_mem>>
      %dma_start3A_706 = arith.constant 0 : i32
      %dma_start3A_707 = tpu.memref_slice %arg8[%dma_start3A_698, %dma_start3A_706] : memref<2x80xi32, #tpu.memory_space<vmem>> -> memref<1x80xi32, #tpu.memory_space<vmem>>
      %dma_start3A_708 = tpu.memref_squeeze %dma_start3A_707 : memref<1x80xi32, #tpu.memory_space<vmem>> -> memref<80xi32, #tpu.memory_space<vmem>>
      %dma_start3A_709 = tpu.memref_slice %arg4[%add3A_697] : memref<640000xi32, #tpu.memory_space<hbm>> -> memref<80xi32, #tpu.memory_space<hbm>>
      tpu.enqueue_dma source(%dma_start3A_709 : memref<80xi32, #tpu.memory_space<hbm>>) target(%dma_start3A_708 : memref<80xi32, #tpu.memory_space<vmem>>) target_semaphore(%dma_start3A_705 : memref<!tpu.dma_semaphore, #tpu.memory_space<semaphore_mem>>)
      %dma_wait3A_710 = arith.constant 0 : i32
      %dma_wait3A_711 = arith.constant 0 : i32
      %dma_wait3A_712 = arith.constant 0 : i32
      %dma_wait3A_713 = arith.constant 0 : i32
      %dma_wait3A_714 = tpu.memref_slice %arg10[%dma_wait3A_710, %dma_wait3A_712, %dma_wait3A_713] : memref<2x80x128xf32, #tpu.memory_space<vmem>> -> memref<1x80x128xf32, #tpu.memory_space<vmem>>
      %dma_wait3A_715 = tpu.memref_squeeze %dma_wait3A_714 : memref<1x80x128xf32, #tpu.memory_space<vmem>> -> memref<80x128xf32, #tpu.memory_space<vmem>>
      %dma_wait3A_716 = arith.constant 0 : i32
      %dma_wait3A_717 = tpu.memref_slice %arg3[%mul3A_0, %dma_wait3A_716] : memref<320000x128xf32, #tpu.memory_space<hbm>> -> memref<80x128xf32, #tpu.memory_space<hbm>>
      %dma_wait3A_718 = tpu.memref_slice %arg18[%dma_wait3A_711] : memref<2x!tpu.dma_semaphore, #tpu.memory_space<semaphore_mem>> -> memref<1x!tpu.dma_semaphore, #tpu.memory_space<semaphore_mem>>
      %dma_wait3A_719 = tpu.memref_squeeze %dma_wait3A_718 : memref<1x!tpu.dma_semaphore, #tpu.memory_space<semaphore_mem>> -> memref<!tpu.dma_semaphore, #tpu.memory_space<semaphore_mem>>
      %dma_wait3A_720 = arith.constant 0 : i32
      %dma_wait3A_721 = arith.constant 0 : i32
      %dma_wait3A_722 = tpu.memref_slice %arg10[%dma_wait3A_710, %dma_wait3A_720, %dma_wait3A_721] : memref<2x80x128xf32, #tpu.memory_space<vmem>> -> memref<1x80x128xf32, #tpu.memory_space<vmem>>
      %dma_wait3A_723 = tpu.memref_squeeze %dma_wait3A_722 : memref<1x80x128xf32, #tpu.memory_space<vmem>> -> memref<80x128xf32, #tpu.memory_space<vmem>>
      %dma_wait3A_724 = arith.constant 0 : i32
      %dma_wait3A_725 = tpu.memref_slice %arg3[%mul3A_0, %dma_wait3A_724] : memref<320000x128xf32, #tpu.memory_space<hbm>> -> memref<80x128xf32, #tpu.memory_space<hbm>>
      tpu.wait_dma2 semaphore(%dma_wait3A_719 : memref<!tpu.dma_semaphore, #tpu.memory_space<semaphore_mem>>) src(%dma_wait3A_725 : memref<80x128xf32, #tpu.memory_space<hbm>>) dst(%dma_wait3A_723 : memref<80x128xf32, #tpu.memory_space<vmem>>)
      %parallel_loop3A_726 = arith.constant 0 : i32
      %parallel_loop3A_727 = arith.constant 80 : i32
      %parallel_loop3A_728 = arith.constant 1 : i32
      scf.for %parallel_loop3A_776 = %parallel_loop3A_726 to %parallel_loop3A_727 step %parallel_loop3A_728  : i32 {
        %parallel_loop3A_777 = arith.constant 0 : i32
        %parallel_loop3A_778 = arith.index_cast %parallel_loop3A_777 : i32 to index
        %parallel_loop3A_779 = arith.index_cast %parallel_loop3A_776 : i32 to index
        %parallel_loop3A_780 = arith.constant 0 : index
        %parallel_loop3A_781 = tpu.vector_load %arg9[%parallel_loop3A_778, %parallel_loop3A_779, %parallel_loop3A_780] {strides = array<i32>} : memref<2x80x64xi32, #tpu.memory_space<vmem>>, vector<16xi32>,
        %parallel_loop3A_782 = arith.constant 16 : i32
        %parallel_loop3A_783 = vector.broadcast %parallel_loop3A_782 : i32 to vector<16xi32>
        %parallel_loop3A_784 = arith.shli %parallel_loop3A_781, %parallel_loop3A_783 : vector<16xi32>
        %parallel_loop3A_785 = vector.bitcast %parallel_loop3A_784 : vector<16xi32> to vector<16xf32>
        %parallel_loop3A_786 = arith.constant -65536 : i32
        %parallel_loop3A_787 = vector.broadcast %parallel_loop3A_786 : i32 to vector<16xi32>
        %parallel_loop3A_788 = arith.andi %parallel_loop3A_781, %parallel_loop3A_787 : vector<16xi32>
        %parallel_loop3A_789 = vector.bitcast %parallel_loop3A_788 : vector<16xi32> to vector<16xf32>
        %parallel_loop3A_790 = arith.constant 0 : i32
        %parallel_loop3A_791 = arith.index_cast %parallel_loop3A_790 : i32 to index
        %parallel_loop3A_792 = arith.index_cast %parallel_loop3A_776 : i32 to index
        %parallel_loop3A_793 = arith.constant 0 : index
        %parallel_loop3A_794 = tpu.vector_load %arg10[%parallel_loop3A_791, %parallel_loop3A_792, %parallel_loop3A_793] {strides = array<i32>} : memref<2x80x128xf32, #tpu.memory_space<vmem>>, vector<16xf32>,
        %parallel_loop3A_795 = arith.subf %parallel_loop3A_785, %parallel_loop3A_794 : vector<16xf32>
        %parallel_loop3A_796 = arith.constant 0 : i32
        %parallel_loop3A_797 = arith.index_cast %parallel_loop3A_796 : i32 to index
        %parallel_loop3A_798 = arith.index_cast %parallel_loop3A_776 : i32 to index
        %parallel_loop3A_799 = arith.constant 0 : index
        %parallel_loop3A_800 = tpu.vector_load %arg10[%parallel_loop3A_797, %parallel_loop3A_798, %parallel_loop3A_799] {strides = array<i32>} : memref<2x80x128xf32, #tpu.memory_space<vmem>>, vector<16xf32>,
        tpu.vector_store %arg10[%parallel_loop3A_797, %parallel_loop3A_798, %parallel_loop3A_799], %parallel_loop3A_795 {strides = array<i32>} : memref<2x80x128xf32, #tpu.memory_space<vmem>>, vector<16xf32>,
        %parallel_loop3A_801 = arith.constant 0 : i32
        %parallel_loop3A_802 = arith.index_cast %parallel_loop3A_801 : i32 to index
        %parallel_loop3A_803 = arith.index_cast %parallel_loop3A_776 : i32 to index
        %parallel_loop3A_804 = arith.constant 64 : index
        %parallel_loop3A_805 = tpu.vector_load %arg10[%parallel_loop3A_802, %parallel_loop3A_803, %parallel_loop3A_804] {strides = array<i32>} : memref<2x80x128xf32, #tpu.memory_space<vmem>>, vector<16xf32>,
        %parallel_loop3A_806 = arith.subf %parallel_loop3A_789, %parallel_loop3A_805 : vector<16xf32>
        %parallel_loop3A_807 = arith.constant 0 : i32
        %parallel_loop3A_808 = arith.index_cast %parallel_loop3A_807 : i32 to index
        %parallel_loop3A_809 = arith.index_cast %parallel_loop3A_776 : i32 to index
        %parallel_loop3A_810 = arith.constant 64 : index
        %parallel_loop3A_811 = tpu.vector_load %arg10[%parallel_loop3A_808, %parallel_loop3A_809, %parallel_loop3A_810] {strides = array<i32>} : memref<2x80x128xf32, #tpu.memory_space<vmem>>, vector<16xf32>,
        tpu.vector_store %arg10[%parallel_loop3A_808, %parallel_loop3A_809, %parallel_loop3A_810], %parallel_loop3A_806 {strides = array<i32>} : memref<2x80x128xf32, #tpu.memory_space<vmem>>, vector<16xf32>,
        %parallel_loop3A_812 = arith.constant 0 : i32
        %parallel_loop3A_813 = arith.index_cast %parallel_loop3A_812 : i32 to index
        %parallel_loop3A_814 = arith.index_cast %parallel_loop3A_776 : i32 to index
        %parallel_loop3A_815 = arith.constant 16 : index
        %parallel_loop3A_816 = tpu.vector_load %arg9[%parallel_loop3A_813, %parallel_loop3A_814, %parallel_loop3A_815] {strides = array<i32>} : memref<2x80x64xi32, #tpu.memory_space<vmem>>, vector<16xi32>,
        %parallel_loop3A_817 = arith.constant 16 : i32
        %parallel_loop3A_818 = vector.broadcast %parallel_loop3A_817 : i32 to vector<16xi32>
        %parallel_loop3A_819 = arith.shli %parallel_loop3A_816, %parallel_loop3A_818 : vector<16xi32>
        %parallel_loop3A_820 = vector.bitcast %parallel_loop3A_819 : vector<16xi32> to vector<16xf32>
        %parallel_loop3A_821 = arith.constant -65536 : i32
        %parallel_loop3A_822 = vector.broadcast %parallel_loop3A_821 : i32 to vector<16xi32>
        %parallel_loop3A_823 = arith.andi %parallel_loop3A_816, %parallel_loop3A_822 : vector<16xi32>
        %parallel_loop3A_824 = vector.bitcast %parallel_loop3A_823 : vector<16xi32> to vector<16xf32>
        %parallel_loop3A_825 = arith.constant 0 : i32
        %parallel_loop3A_826 = arith.index_cast %parallel_loop3A_825 : i32 to index
        %parallel_loop3A_827 = arith.index_cast %parallel_loop3A_776 : i32 to index
        %parallel_loop3A_828 = arith.constant 16 : index
        %parallel_loop3A_829 = tpu.vector_load %arg10[%parallel_loop3A_826, %parallel_loop3A_827, %parallel_loop3A_828] {strides = array<i32>} : memref<2x80x128xf32, #tpu.memory_space<vmem>>, vector<16xf32>,
        %parallel_loop3A_830 = arith.subf %parallel_loop3A_820, %parallel_loop3A_829 : vector<16xf32>
        %parallel_loop3A_831 = arith.constant 0 : i32
        %parallel_loop3A_832 = arith.index_cast %parallel_loop3A_831 : i32 to index
        %parallel_loop3A_833 = arith.index_cast %parallel_loop3A_776 : i32 to index
        %parallel_loop3A_834 = arith.constant 16 : index
        %parallel_loop3A_835 = tpu.vector_load %arg10[%parallel_loop3A_832, %parallel_loop3A_833, %parallel_loop3A_834] {strides = array<i32>} : memref<2x80x128xf32, #tpu.memory_space<vmem>>, vector<16xf32>,
        tpu.vector_store %arg10[%parallel_loop3A_832, %parallel_loop3A_833, %parallel_loop3A_834], %parallel_loop3A_830 {strides = array<i32>} : memref<2x80x128xf32, #tpu.memory_space<vmem>>, vector<16xf32>,
        %parallel_loop3A_836 = arith.constant 0 : i32
        %parallel_loop3A_837 = arith.index_cast %parallel_loop3A_836 : i32 to index
        %parallel_loop3A_838 = arith.index_cast %parallel_loop3A_776 : i32 to index
        %parallel_loop3A_839 = arith.constant 80 : index
        %parallel_loop3A_840 = tpu.vector_load %arg10[%parallel_loop3A_837, %parallel_loop3A_838, %parallel_loop3A_839] {strides = array<i32>} : memref<2x80x128xf32, #tpu.memory_space<vmem>>, vector<16xf32>,
        %parallel_loop3A_841 = arith.subf %parallel_loop3A_824, %parallel_loop3A_840 : vector<16xf32>
        %parallel_loop3A_842 = arith.constant 0 : i32
        %parallel_loop3A_843 = arith.index_cast %parallel_loop3A_842 : i32 to index
        %parallel_loop3A_844 = arith.index_cast %parallel_loop3A_776 : i32 to index
        %parallel_loop3A_845 = arith.constant 80 : index
        %parallel_loop3A_846 = tpu.vector_load %arg10[%parallel_loop3A_843, %parallel_loop3A_844, %parallel_loop3A_845] {strides = array<i32>} : memref<2x80x128xf32, #tpu.memory_space<vmem>>, vector<16xf32>,
        tpu.vector_store %arg10[%parallel_loop3A_843, %parallel_loop3A_844, %parallel_loop3A_845], %parallel_loop3A_841 {strides = array<i32>} : memref<2x80x128xf32, #tpu.memory_space<vmem>>, vector<16xf32>,
        %parallel_loop3A_847 = arith.constant 0 : i32
        %parallel_loop3A_848 = arith.index_cast %parallel_loop3A_847 : i32 to index
        %parallel_loop3A_849 = arith.index_cast %parallel_loop3A_776 : i32 to index
        %parallel_loop3A_850 = arith.constant 32 : index
        %parallel_loop3A_851 = tpu.vector_load %arg9[%parallel_loop3A_848, %parallel_loop3A_849, %parallel_loop3A_850] {strides = array<i32>} : memref<2x80x64xi32, #tpu.memory_space<vmem>>, vector<16xi32>,
        %parallel_loop3A_852 = arith.constant 16 : i32
        %parallel_loop3A_853 = vector.broadcast %parallel_loop3A_852 : i32 to vector<16xi32>
        %parallel_loop3A_854 = arith.shli %parallel_loop3A_851, %parallel_loop3A_853 : vector<16xi32>
        %parallel_loop3A_855 = vector.bitcast %parallel_loop3A_854 : vector<16xi32> to vector<16xf32>
        %parallel_loop3A_856 = arith.constant -65536 : i32
        %parallel_loop3A_857 = vector.broadcast %parallel_loop3A_856 : i32 to vector<16xi32>
        %parallel_loop3A_858 = arith.andi %parallel_loop3A_851, %parallel_loop3A_857 : vector<16xi32>
        %parallel_loop3A_859 = vector.bitcast %parallel_loop3A_858 : vector<16xi32> to vector<16xf32>
        %parallel_loop3A_860 = arith.constant 0 : i32
        %parallel_loop3A_861 = arith.index_cast %parallel_loop3A_860 : i32 to index
        %parallel_loop3A_862 = arith.index_cast %parallel_loop3A_776 : i32 to index
        %parallel_loop3A_863 = arith.constant 32 : index
        %parallel_loop3A_864 = tpu.vector_load %arg10[%parallel_loop3A_861, %parallel_loop3A_862, %parallel_loop3A_863] {strides = array<i32>} : memref<2x80x128xf32, #tpu.memory_space<vmem>>, vector<16xf32>,
        %parallel_loop3A_865 = arith.subf %parallel_loop3A_855, %parallel_loop3A_864 : vector<16xf32>
        %parallel_loop3A_866 = arith.constant 0 : i32
        %parallel_loop3A_867 = arith.index_cast %parallel_loop3A_866 : i32 to index
        %parallel_loop3A_868 = arith.index_cast %parallel_loop3A_776 : i32 to index
        %parallel_loop3A_869 = arith.constant 32 : index
        %parallel_loop3A_870 = tpu.vector_load %arg10[%parallel_loop3A_867, %parallel_loop3A_868, %parallel_loop3A_869] {strides = array<i32>} : memref<2x80x128xf32, #tpu.memory_space<vmem>>, vector<16xf32>,
        tpu.vector_store %arg10[%parallel_loop3A_867, %parallel_loop3A_868, %parallel_loop3A_869], %parallel_loop3A_865 {strides = array<i32>} : memref<2x80x128xf32, #tpu.memory_space<vmem>>, vector<16xf32>,
        %parallel_loop3A_871 = arith.constant 0 : i32
        %parallel_loop3A_872 = arith.index_cast %parallel_loop3A_871 : i32 to index
        %parallel_loop3A_873 = arith.index_cast %parallel_loop3A_776 : i32 to index
        %parallel_loop3A_874 = arith.constant 96 : index
        %parallel_loop3A_875 = tpu.vector_load %arg10[%parallel_loop3A_872, %parallel_loop3A_873, %parallel_loop3A_874] {strides = array<i32>} : memref<2x80x128xf32, #tpu.memory_space<vmem>>, vector<16xf32>,
        %parallel_loop3A_876 = arith.subf %parallel_loop3A_859, %parallel_loop3A_875 : vector<16xf32>
        %parallel_loop3A_877 = arith.constant 0 : i32
        %parallel_loop3A_878 = arith.index_cast %parallel_loop3A_877 : i32 to index
        %parallel_loop3A_879 = arith.index_cast %parallel_loop3A_776 : i32 to index
        %parallel_loop3A_880 = arith.constant 96 : index
        %parallel_loop3A_881 = tpu.vector_load %arg10[%parallel_loop3A_878, %parallel_loop3A_879, %parallel_loop3A_880] {strides = array<i32>} : memref<2x80x128xf32, #tpu.memory_space<vmem>>, vector<16xf32>,
        tpu.vector_store %arg10[%parallel_loop3A_878, %parallel_loop3A_879, %parallel_loop3A_880], %parallel_loop3A_876 {strides = array<i32>} : memref<2x80x128xf32, #tpu.memory_space<vmem>>, vector<16xf32>,
        %parallel_loop3A_882 = arith.constant 0 : i32
        %parallel_loop3A_883 = arith.index_cast %parallel_loop3A_882 : i32 to index
        %parallel_loop3A_884 = arith.index_cast %parallel_loop3A_776 : i32 to index
        %parallel_loop3A_885 = arith.constant 48 : index
        %parallel_loop3A_886 = tpu.vector_load %arg9[%parallel_loop3A_883, %parallel_loop3A_884, %parallel_loop3A_885] {strides = array<i32>} : memref<2x80x64xi32, #tpu.memory_space<vmem>>, vector<16xi32>,
        %parallel_loop3A_887 = arith.constant 16 : i32
        %parallel_loop3A_888 = vector.broadcast %parallel_loop3A_887 : i32 to vector<16xi32>
        %parallel_loop3A_889 = arith.shli %parallel_loop3A_886, %parallel_loop3A_888 : vector<16xi32>
        %parallel_loop3A_890 = vector.bitcast %parallel_loop3A_889 : vector<16xi32> to vector<16xf32>
        %parallel_loop3A_891 = arith.constant -65536 : i32
        %parallel_loop3A_892 = vector.broadcast %parallel_loop3A_891 : i32 to vector<16xi32>
        %parallel_loop3A_893 = arith.andi %parallel_loop3A_886, %parallel_loop3A_892 : vector<16xi32>
        %parallel_loop3A_894 = vector.bitcast %parallel_loop3A_893 : vector<16xi32> to vector<16xf32>
        %parallel_loop3A_895 = arith.constant 0 : i32
        %parallel_loop3A_896 = arith.index_cast %parallel_loop3A_895 : i32 to index
        %parallel_loop3A_897 = arith.index_cast %parallel_loop3A_776 : i32 to index
        %parallel_loop3A_898 = arith.constant 48 : index
        %parallel_loop3A_899 = tpu.vector_load %arg10[%parallel_loop3A_896, %parallel_loop3A_897, %parallel_loop3A_898] {strides = array<i32>} : memref<2x80x128xf32, #tpu.memory_space<vmem>>, vector<16xf32>,
        %parallel_loop3A_900 = arith.subf %parallel_loop3A_890, %parallel_loop3A_899 : vector<16xf32>
        %parallel_loop3A_901 = arith.constant 0 : i32
        %parallel_loop3A_902 = arith.index_cast %parallel_loop3A_901 : i32 to index
        %parallel_loop3A_903 = arith.index_cast %parallel_loop3A_776 : i32 to index
        %parallel_loop3A_904 = arith.constant 48 : index
        %parallel_loop3A_905 = tpu.vector_load %arg10[%parallel_loop3A_902, %parallel_loop3A_903, %parallel_loop3A_904] {strides = array<i32>} : memref<2x80x128xf32, #tpu.memory_space<vmem>>, vector<16xf32>,
        tpu.vector_store %arg10[%parallel_loop3A_902, %parallel_loop3A_903, %parallel_loop3A_904], %parallel_loop3A_900 {strides = array<i32>} : memref<2x80x128xf32, #tpu.memory_space<vmem>>, vector<16xf32>,
        %parallel_loop3A_906 = arith.constant 0 : i32
        %parallel_loop3A_907 = arith.index_cast %parallel_loop3A_906 : i32 to index
        %parallel_loop3A_908 = arith.index_cast %parallel_loop3A_776 : i32 to index
        %parallel_loop3A_909 = arith.constant 112 : index
        %parallel_loop3A_910 = tpu.vector_load %arg10[%parallel_loop3A_907, %parallel_loop3A_908, %parallel_loop3A_909] {strides = array<i32>} : memref<2x80x128xf32, #tpu.memory_space<vmem>>, vector<16xf32>,
        %parallel_loop3A_911 = arith.subf %parallel_loop3A_894, %parallel_loop3A_910 : vector<16xf32>
        %parallel_loop3A_912 = arith.constant 0 : i32
        %parallel_loop3A_913 = arith.index_cast %parallel_loop3A_912 : i32 to index
        %parallel_loop3A_914 = arith.index_cast %parallel_loop3A_776 : i32 to index
        %parallel_loop3A_915 = arith.constant 112 : index
        %parallel_loop3A_916 = tpu.vector_load %arg10[%parallel_loop3A_913, %parallel_loop3A_914, %parallel_loop3A_915] {strides = array<i32>} : memref<2x80x128xf32, #tpu.memory_space<vmem>>, vector<16xf32>,
        tpu.vector_store %arg10[%parallel_loop3A_913, %parallel_loop3A_914, %parallel_loop3A_915], %parallel_loop3A_911 {strides = array<i32>} : memref<2x80x128xf32, #tpu.memory_space<vmem>>, vector<16xf32>,
      } {sc.loop_unroll_factor = 4 : i64, sc.parallel_access}
      %dma_wait3A_729 = arith.constant 0 : i32
      %dma_wait3A_730 = arith.constant 0 : i32
      %dma_wait3A_731 = arith.constant 0 : i32
      %dma_wait3A_732 = tpu.memref_slice %arg8[%dma_wait3A_729, %dma_wait3A_731] : memref<2x80xi32, #tpu.memory_space<vmem>> -> memref<1x80xi32, #tpu.memory_space<vmem>>
      %dma_wait3A_733 = tpu.memref_squeeze %dma_wait3A_732 : memref<1x80xi32, #tpu.memory_space<vmem>> -> memref<80xi32, #tpu.memory_space<vmem>>
      %dma_wait3A_734 = tpu.memref_slice %arg4[%add3A_6] : memref<640000xi32, #tpu.memory_space<hbm>> -> memref<80xi32, #tpu.memory_space<hbm>>
      %dma_wait3A_735 = tpu.memref_slice %arg16[%dma_wait3A_730] : memref<2x!tpu.dma_semaphore, #tpu.memory_space<semaphore_mem>> -> memref<1x!tpu.dma_semaphore, #tpu.memory_space<semaphore_mem>>
      %dma_wait3A_736 = tpu.memref_squeeze %dma_wait3A_735 : memref<1x!tpu.dma_semaphore, #tpu.memory_space<semaphore_mem>> -> memref<!tpu.dma_semaphore, #tpu.memory_space<semaphore_mem>>
      %dma_wait3A_737 = arith.constant 0 : i32
      %dma_wait3A_738 = tpu.memref_slice %arg8[%dma_wait3A_729, %dma_wait3A_737] : memref<2x80xi32, #tpu.memory_space<vmem>> -> memref<1x80xi32, #tpu.memory_space<vmem>>
      %dma_wait3A_739 = tpu.memref_squeeze %dma_wait3A_738 : memref<1x80xi32, #tpu.memory_space<vmem>> -> memref<80xi32, #tpu.memory_space<vmem>>
      %dma_wait3A_740 = tpu.memref_slice %arg4[%add3A_6] : memref<640000xi32, #tpu.memory_space<hbm>> -> memref<80xi32, #tpu.memory_space<hbm>>
      tpu.wait_dma2 semaphore(%dma_wait3A_736 : memref<!tpu.dma_semaphore, #tpu.memory_space<semaphore_mem>>) src(%dma_wait3A_740 : memref<80xi32, #tpu.memory_space<hbm>>) dst(%dma_wait3A_739 : memref<80xi32, #tpu.memory_space<vmem>>)
      %dma_start3A_741 = arith.constant 0 : i32
      %dma_start3A_742 = arith.constant 0 : i32
      %dma_start3A_743 = arith.constant 0 : i32
      %dma_start3A_744 = arith.constant 0 : i32
      %dma_start3A_745 = arith.constant 0 : i32
      %dma_start3A_746 = tpu.memref_slice %arg10[%dma_start3A_741, %dma_start3A_744, %dma_start3A_745] : memref<2x80x128xf32, #tpu.memory_space<vmem>> -> memref<1x80x128xf32, #tpu.memory_space<vmem>>
      %dma_start3A_747 = tpu.memref_squeeze %dma_start3A_746 : memref<1x80x128xf32, #tpu.memory_space<vmem>> -> memref<80x128xf32, #tpu.memory_space<vmem>>
      %dma_start3A_748 = arith.constant 0 : i32
      %dma_start3A_749 = tpu.memref_slice %arg8[%dma_start3A_742, %dma_start3A_748] : memref<2x80xi32, #tpu.memory_space<vmem>> -> memref<1x80xi32, #tpu.memory_space<vmem>>
      %dma_start3A_750 = tpu.memref_squeeze %dma_start3A_749 : memref<1x80xi32, #tpu.memory_space<vmem>> -> memref<80xi32, #tpu.memory_space<vmem>>
      %dma_start3A_751 = arith.constant 0 : i32
      %dma_start3A_752 = arith.constant 0 : i32
      %dma_start3A_753 = tpu.memref_slice %arg13[%dma_start3A_751, %dma_start3A_752] : memref<10000x128xf32, #tpu.memory_space<vmem_shared>> -> memref<10000x128xf32, #tpu.memory_space<vmem_shared>>
      %dma_start3A_754 = tpu.memref_slice %arg17[%dma_start3A_743] : memref<2x!tpu.dma_semaphore, #tpu.memory_space<semaphore_mem>> -> memref<1x!tpu.dma_semaphore, #tpu.memory_space<semaphore_mem>>
      %dma_start3A_755 = tpu.memref_squeeze %dma_start3A_754 : memref<1x!tpu.dma_semaphore, #tpu.memory_space<semaphore_mem>> -> memref<!tpu.dma_semaphore, #tpu.memory_space<semaphore_mem>>
      tpu.enqueue_indirect_dma source(%dma_start3A_747 : memref<80x128xf32, #tpu.memory_space<vmem>>) target(%dma_start3A_753 : memref<10000x128xf32, #tpu.memory_space<vmem_shared>>) offsets(%dma_start3A_750 : memref<80xi32, #tpu.memory_space<vmem>>) semaphore(%dma_start3A_755 : memref<!tpu.dma_semaphore, #tpu.memory_space<semaphore_mem>>) {add = true}
      %get3A_756 = arith.constant 0 : i32
      %get3A_757 = arith.index_cast %get3A_756 : i32 to index
      %get3A_758 = arith.constant 0 : index
      %get3A_759 = tpu.vector_load %arg8[%get3A_757, %get3A_758] {strides = array<i32>} : memref<2x80xi32, #tpu.memory_space<vmem>>, vector<16xi32>,
      tpu.vector_store_idx %arg12[%get3A_759], %add3A_10 {add = true} : memref<10000xf32, #tpu.memory_space<vmem>>[vector<16xi32>], vector<16xf32>,
      %get3A_760 = arith.constant 0 : i32
      %get3A_761 = arith.index_cast %get3A_760 : i32 to index
      %get3A_762 = arith.constant 16 : index
      %get3A_763 = tpu.vector_load %arg8[%get3A_761, %get3A_762] {strides = array<i32>} : memref<2x80xi32, #tpu.memory_space<vmem>>, vector<16xi32>,
      tpu.vector_store_idx %arg12[%get3A_763], %add3A_10 {add = true} : memref<10000xf32, #tpu.memory_space<vmem>>[vector<16xi32>], vector<16xf32>,
      %get3A_764 = arith.constant 0 : i32
      %get3A_765 = arith.index_cast %get3A_764 : i32 to index
      %get3A_766 = arith.constant 32 : index
      %get3A_767 = tpu.vector_load %arg8[%get3A_765, %get3A_766] {strides = array<i32>} : memref<2x80xi32, #tpu.memory_space<vmem>>, vector<16xi32>,
      tpu.vector_store_idx %arg12[%get3A_767], %add3A_10 {add = true} : memref<10000xf32, #tpu.memory_space<vmem>>[vector<16xi32>], vector<16xf32>,
      %get3A_768 = arith.constant 0 : i32
      %get3A_769 = arith.index_cast %get3A_768 : i32 to index
      %get3A_770 = arith.constant 48 : index
      %get3A_771 = tpu.vector_load %arg8[%get3A_769, %get3A_770] {strides = array<i32>} : memref<2x80xi32, #tpu.memory_space<vmem>>, vector<16xi32>,
      tpu.vector_store_idx %arg12[%get3A_771], %add3A_10 {add = true} : memref<10000xf32, #tpu.memory_space<vmem>>[vector<16xi32>], vector<16xf32>,
      %get3A_772 = arith.constant 0 : i32
      %get3A_773 = arith.index_cast %get3A_772 : i32 to index
      %get3A_774 = arith.constant 64 : index
      %get3A_775 = tpu.vector_load %arg8[%get3A_773, %get3A_774] {strides = array<i32>} : memref<2x80xi32, #tpu.memory_space<vmem>>, vector<16xi32>,
      tpu.vector_store_idx %arg12[%get3A_775], %add3A_10 {add = true} : memref<10000xf32, #tpu.memory_space<vmem>>[vector<16xi32>], vector<16xf32>,
    }
    %scan3A_313 = arith.constant 124 : i32
    %dma_wait3A_314 = arith.constant 1 : i32
    %dma_wait3A_315 = arith.constant 1 : i32
    %dma_wait3A_316 = arith.constant 1 : i32
    "tpu.trace_stop"() : () -> ()
    %dma_wait3A_317 = arith.constant 0 : i32
    %dma_wait3A_318 = arith.constant 0 : i32
    %dma_wait3A_319 = tpu.memref_slice %arg9[%dma_wait3A_315, %dma_wait3A_317, %dma_wait3A_318] : memref<2x80x64xi32, #tpu.memory_space<vmem>> -> memref<1x80x64xi32, #tpu.memory_space<vmem>>
    %dma_wait3A_320 = tpu.memref_squeeze %dma_wait3A_319 : memref<1x80x64xi32, #tpu.memory_space<vmem>> -> memref<80x64xi32, #tpu.memory_space<vmem>>
    %dma_wait3A_321 = arith.constant 0 : i32
    %dma_wait3A_322 = tpu.memref_slice %arg7[%dma_wait3A_314, %dma_wait3A_321] : memref<2x80xi32, #tpu.memory_space<vmem>> -> memref<1x80xi32, #tpu.memory_space<vmem>>
    %dma_wait3A_323 = tpu.memref_squeeze %dma_wait3A_322 : memref<1x80xi32, #tpu.memory_space<vmem>> -> memref<80xi32, #tpu.memory_space<vmem>>
    %dma_wait3A_324 = arith.constant 0 : i32
    %dma_wait3A_325 = arith.constant 0 : i32
    %dma_wait3A_326 = tpu.memref_slice %arg2[%dma_wait3A_324, %dma_wait3A_325] : memref<10000x64xi32, #tpu.memory_space<hbm>> -> memref<10000x64xi32, #tpu.memory_space<hbm>>
    %dma_wait3A_327 = tpu.memref_slice %arg14[%dma_wait3A_316] : memref<2x!tpu.dma_semaphore, #tpu.memory_space<semaphore_mem>> -> memref<1x!tpu.dma_semaphore, #tpu.memory_space<semaphore_mem>>
    %dma_wait3A_328 = tpu.memref_squeeze %dma_wait3A_327 : memref<1x!tpu.dma_semaphore, #tpu.memory_space<semaphore_mem>> -> memref<!tpu.dma_semaphore, #tpu.memory_space<semaphore_mem>>
    tpu.wait_indirect_dma semaphore(%dma_wait3A_328 : memref<!tpu.dma_semaphore, #tpu.memory_space<semaphore_mem>>) src(%dma_wait3A_326 : memref<10000x64xi32, #tpu.memory_space<hbm>>) dst(%dma_wait3A_320 : memref<80x64xi32, #tpu.memory_space<vmem>>)
    %dma_wait3A_329 = arith.constant 0 : i32
    %dma_wait3A_330 = arith.constant 0 : i32
    %dma_wait3A_331 = arith.constant 0 : i32
    %dma_wait3A_332 = arith.constant 0 : i32
    %dma_wait3A_333 = arith.constant 0 : i32
    %dma_wait3A_334 = tpu.memref_slice %arg10[%dma_wait3A_329, %dma_wait3A_332, %dma_wait3A_333] : memref<2x80x128xf32, #tpu.memory_space<vmem>> -> memref<1x80x128xf32, #tpu.memory_space<vmem>>
    %dma_wait3A_335 = tpu.memref_squeeze %dma_wait3A_334 : memref<1x80x128xf32, #tpu.memory_space<vmem>> -> memref<80x128xf32, #tpu.memory_space<vmem>>
    %dma_wait3A_336 = arith.constant 0 : i32
    %dma_wait3A_337 = tpu.memref_slice %arg8[%dma_wait3A_330, %dma_wait3A_336] : memref<2x80xi32, #tpu.memory_space<vmem>> -> memref<1x80xi32, #tpu.memory_space<vmem>>
    %dma_wait3A_338 = tpu.memref_squeeze %dma_wait3A_337 : memref<1x80xi32, #tpu.memory_space<vmem>> -> memref<80xi32, #tpu.memory_space<vmem>>
    %dma_wait3A_339 = arith.constant 0 : i32
    %dma_wait3A_340 = arith.constant 0 : i32
    %dma_wait3A_341 = tpu.memref_slice %arg13[%dma_wait3A_339, %dma_wait3A_340] : memref<10000x128xf32, #tpu.memory_space<vmem_shared>> -> memref<10000x128xf32, #tpu.memory_space<vmem_shared>>
    %dma_wait3A_342 = tpu.memref_slice %arg17[%dma_wait3A_331] : memref<2x!tpu.dma_semaphore, #tpu.memory_space<semaphore_mem>> -> memref<1x!tpu.dma_semaphore, #tpu.memory_space<semaphore_mem>>
    %dma_wait3A_343 = tpu.memref_squeeze %dma_wait3A_342 : memref<1x!tpu.dma_semaphore, #tpu.memory_space<semaphore_mem>> -> memref<!tpu.dma_semaphore, #tpu.memory_space<semaphore_mem>>
    tpu.wait_indirect_dma semaphore(%dma_wait3A_343 : memref<!tpu.dma_semaphore, #tpu.memory_space<semaphore_mem>>) src(%dma_wait3A_335 : memref<80x128xf32, #tpu.memory_space<vmem>>) dst(%dma_wait3A_341 : memref<10000x128xf32, #tpu.memory_space<vmem_shared>>)
    %dma_wait3A_344 = arith.constant 1 : i32
    %dma_wait3A_345 = arith.constant 1 : i32
    %dma_wait3A_346 = arith.constant 0 : i32
    %dma_wait3A_347 = arith.constant 0 : i32
    %dma_wait3A_348 = tpu.memref_slice %arg10[%dma_wait3A_344, %dma_wait3A_346, %dma_wait3A_347] : memref<2x80x128xf32, #tpu.memory_space<vmem>> -> memref<1x80x128xf32, #tpu.memory_space<vmem>>
    %dma_wait3A_349 = tpu.memref_squeeze %dma_wait3A_348 : memref<1x80x128xf32, #tpu.memory_space<vmem>> -> memref<80x128xf32, #tpu.memory_space<vmem>>
    %dma_wait3A_350 = arith.constant 0 : i32
    %dma_wait3A_351 = tpu.memref_slice %arg3[%mul3A_0, %dma_wait3A_350] : memref<320000x128xf32, #tpu.memory_space<hbm>> -> memref<80x128xf32, #tpu.memory_space<hbm>>
    %dma_wait3A_352 = tpu.memref_slice %arg18[%dma_wait3A_345] : memref<2x!tpu.dma_semaphore, #tpu.memory_space<semaphore_mem>> -> memref<1x!tpu.dma_semaphore, #tpu.memory_space<semaphore_mem>>
    %dma_wait3A_353 = tpu.memref_squeeze %dma_wait3A_352 : memref<1x!tpu.dma_semaphore, #tpu.memory_space<semaphore_mem>> -> memref<!tpu.dma_semaphore, #tpu.memory_space<semaphore_mem>>
    %dma_wait3A_354 = arith.constant 0 : i32
    %dma_wait3A_355 = arith.constant 0 : i32
    %dma_wait3A_356 = tpu.memref_slice %arg10[%dma_wait3A_344, %dma_wait3A_354, %dma_wait3A_355] : memref<2x80x128xf32, #tpu.memory_space<vmem>> -> memref<1x80x128xf32, #tpu.memory_space<vmem>>
    %dma_wait3A_357 = tpu.memref_squeeze %dma_wait3A_356 : memref<1x80x128xf32, #tpu.memory_space<vmem>> -> memref<80x128xf32, #tpu.memory_space<vmem>>
    %dma_wait3A_358 = arith.constant 0 : i32
    %dma_wait3A_359 = tpu.memref_slice %arg3[%mul3A_0, %dma_wait3A_358] : memref<320000x128xf32, #tpu.memory_space<hbm>> -> memref<80x128xf32, #tpu.memory_space<hbm>>
    tpu.wait_dma2 semaphore(%dma_wait3A_353 : memref<!tpu.dma_semaphore, #tpu.memory_space<semaphore_mem>>) src(%dma_wait3A_359 : memref<80x128xf32, #tpu.memory_space<hbm>>) dst(%dma_wait3A_357 : memref<80x128xf32, #tpu.memory_space<vmem>>)
    %parallel_loop3A_360 = arith.constant 0 : i32
    %parallel_loop3A_361 = arith.constant 80 : i32
    %parallel_loop3A_362 = arith.constant 1 : i32
    scf.for %parallel_loop3A_428 = %parallel_loop3A_360 to %parallel_loop3A_361 step %parallel_loop3A_362  : i32 {
      %parallel_loop3A_429 = arith.constant 1 : i32
      %parallel_loop3A_430 = arith.index_cast %parallel_loop3A_429 : i32 to index
      %parallel_loop3A_431 = arith.index_cast %parallel_loop3A_428 : i32 to index
      %parallel_loop3A_432 = arith.constant 0 : index
      %parallel_loop3A_433 = tpu.vector_load %arg9[%parallel_loop3A_430, %parallel_loop3A_431, %parallel_loop3A_432] {strides = array<i32>} : memref<2x80x64xi32, #tpu.memory_space<vmem>>, vector<16xi32>,
      %parallel_loop3A_434 = arith.constant 16 : i32
      %parallel_loop3A_435 = vector.broadcast %parallel_loop3A_434 : i32 to vector<16xi32>
      %parallel_loop3A_436 = arith.shli %parallel_loop3A_433, %parallel_loop3A_435 : vector<16xi32>
      %parallel_loop3A_437 = vector.bitcast %parallel_loop3A_436 : vector<16xi32> to vector<16xf32>
      %parallel_loop3A_438 = arith.constant -65536 : i32
      %parallel_loop3A_439 = vector.broadcast %parallel_loop3A_438 : i32 to vector<16xi32>
      %parallel_loop3A_440 = arith.andi %parallel_loop3A_433, %parallel_loop3A_439 : vector<16xi32>
      %parallel_loop3A_441 = vector.bitcast %parallel_loop3A_440 : vector<16xi32> to vector<16xf32>
      %parallel_loop3A_442 = arith.constant 1 : i32
      %parallel_loop3A_443 = arith.index_cast %parallel_loop3A_442 : i32 to index
      %parallel_loop3A_444 = arith.index_cast %parallel_loop3A_428 : i32 to index
      %parallel_loop3A_445 = arith.constant 0 : index
      %parallel_loop3A_446 = tpu.vector_load %arg10[%parallel_loop3A_443, %parallel_loop3A_444, %parallel_loop3A_445] {strides = array<i32>} : memref<2x80x128xf32, #tpu.memory_space<vmem>>, vector<16xf32>,
      %parallel_loop3A_447 = arith.subf %parallel_loop3A_437, %parallel_loop3A_446 : vector<16xf32>
      %parallel_loop3A_448 = arith.constant 1 : i32
      %parallel_loop3A_449 = arith.index_cast %parallel_loop3A_448 : i32 to index
      %parallel_loop3A_450 = arith.index_cast %parallel_loop3A_428 : i32 to index
      %parallel_loop3A_451 = arith.constant 0 : index
      %parallel_loop3A_452 = tpu.vector_load %arg10[%parallel_loop3A_449, %parallel_loop3A_450, %parallel_loop3A_451] {strides = array<i32>} : memref<2x80x128xf32, #tpu.memory_space<vmem>>, vector<16xf32>,
      tpu.vector_store %arg10[%parallel_loop3A_449, %parallel_loop3A_450, %parallel_loop3A_451], %parallel_loop3A_447 {strides = array<i32>} : memref<2x80x128xf32, #tpu.memory_space<vmem>>, vector<16xf32>,
      %parallel_loop3A_453 = arith.constant 1 : i32
      %parallel_loop3A_454 = arith.index_cast %parallel_loop3A_453 : i32 to index
      %parallel_loop3A_455 = arith.index_cast %parallel_loop3A_428 : i32 to index
      %parallel_loop3A_456 = arith.constant 64 : index
      %parallel_loop3A_457 = tpu.vector_load %arg10[%parallel_loop3A_454, %parallel_loop3A_455, %parallel_loop3A_456] {strides = array<i32>} : memref<2x80x128xf32, #tpu.memory_space<vmem>>, vector<16xf32>,
      %parallel_loop3A_458 = arith.subf %parallel_loop3A_441, %parallel_loop3A_457 : vector<16xf32>
      %parallel_loop3A_459 = arith.constant 1 : i32
      %parallel_loop3A_460 = arith.index_cast %parallel_loop3A_459 : i32 to index
      %parallel_loop3A_461 = arith.index_cast %parallel_loop3A_428 : i32 to index
      %parallel_loop3A_462 = arith.constant 64 : index
      %parallel_loop3A_463 = tpu.vector_load %arg10[%parallel_loop3A_460, %parallel_loop3A_461, %parallel_loop3A_462] {strides = array<i32>} : memref<2x80x128xf32, #tpu.memory_space<vmem>>, vector<16xf32>,
      tpu.vector_store %arg10[%parallel_loop3A_460, %parallel_loop3A_461, %parallel_loop3A_462], %parallel_loop3A_458 {strides = array<i32>} : memref<2x80x128xf32, #tpu.memory_space<vmem>>, vector<16xf32>,
      %parallel_loop3A_464 = arith.constant 1 : i32
      %parallel_loop3A_465 = arith.index_cast %parallel_loop3A_464 : i32 to index
      %parallel_loop3A_466 = arith.index_cast %parallel_loop3A_428 : i32 to index
      %parallel_loop3A_467 = arith.constant 16 : index
      %parallel_loop3A_468 = tpu.vector_load %arg9[%parallel_loop3A_465, %parallel_loop3A_466, %parallel_loop3A_467] {strides = array<i32>} : memref<2x80x64xi32, #tpu.memory_space<vmem>>, vector<16xi32>,
      %parallel_loop3A_469 = arith.constant 16 : i32
      %parallel_loop3A_470 = vector.broadcast %parallel_loop3A_469 : i32 to vector<16xi32>
      %parallel_loop3A_471 = arith.shli %parallel_loop3A_468, %parallel_loop3A_470 : vector<16xi32>
      %parallel_loop3A_472 = vector.bitcast %parallel_loop3A_471 : vector<16xi32> to vector<16xf32>
      %parallel_loop3A_473 = arith.constant -65536 : i32
      %parallel_loop3A_474 = vector.broadcast %parallel_loop3A_473 : i32 to vector<16xi32>
      %parallel_loop3A_475 = arith.andi %parallel_loop3A_468, %parallel_loop3A_474 : vector<16xi32>
      %parallel_loop3A_476 = vector.bitcast %parallel_loop3A_475 : vector<16xi32> to vector<16xf32>
      %parallel_loop3A_477 = arith.constant 1 : i32
      %parallel_loop3A_478 = arith.index_cast %parallel_loop3A_477 : i32 to index
      %parallel_loop3A_479 = arith.index_cast %parallel_loop3A_428 : i32 to index
      %parallel_loop3A_480 = arith.constant 16 : index
      %parallel_loop3A_481 = tpu.vector_load %arg10[%parallel_loop3A_478, %parallel_loop3A_479, %parallel_loop3A_480] {strides = array<i32>} : memref<2x80x128xf32, #tpu.memory_space<vmem>>, vector<16xf32>,
      %parallel_loop3A_482 = arith.subf %parallel_loop3A_472, %parallel_loop3A_481 : vector<16xf32>
      %parallel_loop3A_483 = arith.constant 1 : i32
      %parallel_loop3A_484 = arith.index_cast %parallel_loop3A_483 : i32 to index
      %parallel_loop3A_485 = arith.index_cast %parallel_loop3A_428 : i32 to index
      %parallel_loop3A_486 = arith.constant 16 : index
      %parallel_loop3A_487 = tpu.vector_load %arg10[%parallel_loop3A_484, %parallel_loop3A_485, %parallel_loop3A_486] {strides = array<i32>} : memref<2x80x128xf32, #tpu.memory_space<vmem>>, vector<16xf32>,
      tpu.vector_store %arg10[%parallel_loop3A_484, %parallel_loop3A_485, %parallel_loop3A_486], %parallel_loop3A_482 {strides = array<i32>} : memref<2x80x128xf32, #tpu.memory_space<vmem>>, vector<16xf32>,
      %parallel_loop3A_488 = arith.constant 1 : i32
      %parallel_loop3A_489 = arith.index_cast %parallel_loop3A_488 : i32 to index
      %parallel_loop3A_490 = arith.index_cast %parallel_loop3A_428 : i32 to index
      %parallel_loop3A_491 = arith.constant 80 : index
      %parallel_loop3A_492 = tpu.vector_load %arg10[%parallel_loop3A_489, %parallel_loop3A_490, %parallel_loop3A_491] {strides = array<i32>} : memref<2x80x128xf32, #tpu.memory_space<vmem>>, vector<16xf32>,
      %parallel_loop3A_493 = arith.subf %parallel_loop3A_476, %parallel_loop3A_492 : vector<16xf32>
      %parallel_loop3A_494 = arith.constant 1 : i32
      %parallel_loop3A_495 = arith.index_cast %parallel_loop3A_494 : i32 to index
      %parallel_loop3A_496 = arith.index_cast %parallel_loop3A_428 : i32 to index
      %parallel_loop3A_497 = arith.constant 80 : index
      %parallel_loop3A_498 = tpu.vector_load %arg10[%parallel_loop3A_495, %parallel_loop3A_496, %parallel_loop3A_497] {strides = array<i32>} : memref<2x80x128xf32, #tpu.memory_space<vmem>>, vector<16xf32>,
      tpu.vector_store %arg10[%parallel_loop3A_495, %parallel_loop3A_496, %parallel_loop3A_497], %parallel_loop3A_493 {strides = array<i32>} : memref<2x80x128xf32, #tpu.memory_space<vmem>>, vector<16xf32>,
      %parallel_loop3A_499 = arith.constant 1 : i32
      %parallel_loop3A_500 = arith.index_cast %parallel_loop3A_499 : i32 to index
      %parallel_loop3A_501 = arith.index_cast %parallel_loop3A_428 : i32 to index
      %parallel_loop3A_502 = arith.constant 32 : index
      %parallel_loop3A_503 = tpu.vector_load %arg9[%parallel_loop3A_500, %parallel_loop3A_501, %parallel_loop3A_502] {strides = array<i32>} : memref<2x80x64xi32, #tpu.memory_space<vmem>>, vector<16xi32>,
      %parallel_loop3A_504 = arith.constant 16 : i32
      %parallel_loop3A_505 = vector.broadcast %parallel_loop3A_504 : i32 to vector<16xi32>
      %parallel_loop3A_506 = arith.shli %parallel_loop3A_503, %parallel_loop3A_505 : vector<16xi32>
      %parallel_loop3A_507 = vector.bitcast %parallel_loop3A_506 : vector<16xi32> to vector<16xf32>
      %parallel_loop3A_508 = arith.constant -65536 : i32
      %parallel_loop3A_509 = vector.broadcast %parallel_loop3A_508 : i32 to vector<16xi32>
      %parallel_loop3A_510 = arith.andi %parallel_loop3A_503, %parallel_loop3A_509 : vector<16xi32>
      %parallel_loop3A_511 = vector.bitcast %parallel_loop3A_510 : vector<16xi32> to vector<16xf32>
      %parallel_loop3A_512 = arith.constant 1 : i32
      %parallel_loop3A_513 = arith.index_cast %parallel_loop3A_512 : i32 to index
      %parallel_loop3A_514 = arith.index_cast %parallel_loop3A_428 : i32 to index
      %parallel_loop3A_515 = arith.constant 32 : index
      %parallel_loop3A_516 = tpu.vector_load %arg10[%parallel_loop3A_513, %parallel_loop3A_514, %parallel_loop3A_515] {strides = array<i32>} : memref<2x80x128xf32, #tpu.memory_space<vmem>>, vector<16xf32>,
      %parallel_loop3A_517 = arith.subf %parallel_loop3A_507, %parallel_loop3A_516 : vector<16xf32>
      %parallel_loop3A_518 = arith.constant 1 : i32
      %parallel_loop3A_519 = arith.index_cast %parallel_loop3A_518 : i32 to index
      %parallel_loop3A_520 = arith.index_cast %parallel_loop3A_428 : i32 to index
      %parallel_loop3A_521 = arith.constant 32 : index
      %parallel_loop3A_522 = tpu.vector_load %arg10[%parallel_loop3A_519, %parallel_loop3A_520, %parallel_loop3A_521] {strides = array<i32>} : memref<2x80x128xf32, #tpu.memory_space<vmem>>, vector<16xf32>,
      tpu.vector_store %arg10[%parallel_loop3A_519, %parallel_loop3A_520, %parallel_loop3A_521], %parallel_loop3A_517 {strides = array<i32>} : memref<2x80x128xf32, #tpu.memory_space<vmem>>, vector<16xf32>,
      %parallel_loop3A_523 = arith.constant 1 : i32
      %parallel_loop3A_524 = arith.index_cast %parallel_loop3A_523 : i32 to index
      %parallel_loop3A_525 = arith.index_cast %parallel_loop3A_428 : i32 to index
      %parallel_loop3A_526 = arith.constant 96 : index
      %parallel_loop3A_527 = tpu.vector_load %arg10[%parallel_loop3A_524, %parallel_loop3A_525, %parallel_loop3A_526] {strides = array<i32>} : memref<2x80x128xf32, #tpu.memory_space<vmem>>, vector<16xf32>,
      %parallel_loop3A_528 = arith.subf %parallel_loop3A_511, %parallel_loop3A_527 : vector<16xf32>
      %parallel_loop3A_529 = arith.constant 1 : i32
      %parallel_loop3A_530 = arith.index_cast %parallel_loop3A_529 : i32 to index
      %parallel_loop3A_531 = arith.index_cast %parallel_loop3A_428 : i32 to index
      %parallel_loop3A_532 = arith.constant 96 : index
      %parallel_loop3A_533 = tpu.vector_load %arg10[%parallel_loop3A_530, %parallel_loop3A_531, %parallel_loop3A_532] {strides = array<i32>} : memref<2x80x128xf32, #tpu.memory_space<vmem>>, vector<16xf32>,
      tpu.vector_store %arg10[%parallel_loop3A_530, %parallel_loop3A_531, %parallel_loop3A_532], %parallel_loop3A_528 {strides = array<i32>} : memref<2x80x128xf32, #tpu.memory_space<vmem>>, vector<16xf32>,
      %parallel_loop3A_534 = arith.constant 1 : i32
      %parallel_loop3A_535 = arith.index_cast %parallel_loop3A_534 : i32 to index
      %parallel_loop3A_536 = arith.index_cast %parallel_loop3A_428 : i32 to index
      %parallel_loop3A_537 = arith.constant 48 : index
      %parallel_loop3A_538 = tpu.vector_load %arg9[%parallel_loop3A_535, %parallel_loop3A_536, %parallel_loop3A_537] {strides = array<i32>} : memref<2x80x64xi32, #tpu.memory_space<vmem>>, vector<16xi32>,
      %parallel_loop3A_539 = arith.constant 16 : i32
      %parallel_loop3A_540 = vector.broadcast %parallel_loop3A_539 : i32 to vector<16xi32>
      %parallel_loop3A_541 = arith.shli %parallel_loop3A_538, %parallel_loop3A_540 : vector<16xi32>
      %parallel_loop3A_542 = vector.bitcast %parallel_loop3A_541 : vector<16xi32> to vector<16xf32>
      %parallel_loop3A_543 = arith.constant -65536 : i32
      %parallel_loop3A_544 = vector.broadcast %parallel_loop3A_543 : i32 to vector<16xi32>
      %parallel_loop3A_545 = arith.andi %parallel_loop3A_538, %parallel_loop3A_544 : vector<16xi32>
      %parallel_loop3A_546 = vector.bitcast %parallel_loop3A_545 : vector<16xi32> to vector<16xf32>
      %parallel_loop3A_547 = arith.constant 1 : i32
      %parallel_loop3A_548 = arith.index_cast %parallel_loop3A_547 : i32 to index
      %parallel_loop3A_549 = arith.index_cast %parallel_loop3A_428 : i32 to index
      %parallel_loop3A_550 = arith.constant 48 : index
      %parallel_loop3A_551 = tpu.vector_load %arg10[%parallel_loop3A_548, %parallel_loop3A_549, %parallel_loop3A_550] {strides = array<i32>} : memref<2x80x128xf32, #tpu.memory_space<vmem>>, vector<16xf32>,
      %parallel_loop3A_552 = arith.subf %parallel_loop3A_542, %parallel_loop3A_551 : vector<16xf32>
      %parallel_loop3A_553 = arith.constant 1 : i32
      %parallel_loop3A_554 = arith.index_cast %parallel_loop3A_553 : i32 to index
      %parallel_loop3A_555 = arith.index_cast %parallel_loop3A_428 : i32 to index
      %parallel_loop3A_556 = arith.constant 48 : index
      %parallel_loop3A_557 = tpu.vector_load %arg10[%parallel_loop3A_554, %parallel_loop3A_555, %parallel_loop3A_556] {strides = array<i32>} : memref<2x80x128xf32, #tpu.memory_space<vmem>>, vector<16xf32>,
      tpu.vector_store %arg10[%parallel_loop3A_554, %parallel_loop3A_555, %parallel_loop3A_556], %parallel_loop3A_552 {strides = array<i32>} : memref<2x80x128xf32, #tpu.memory_space<vmem>>, vector<16xf32>,
      %parallel_loop3A_558 = arith.constant 1 : i32
      %parallel_loop3A_559 = arith.index_cast %parallel_loop3A_558 : i32 to index
      %parallel_loop3A_560 = arith.index_cast %parallel_loop3A_428 : i32 to index
      %parallel_loop3A_561 = arith.constant 112 : index
      %parallel_loop3A_562 = tpu.vector_load %arg10[%parallel_loop3A_559, %parallel_loop3A_560, %parallel_loop3A_561] {strides = array<i32>} : memref<2x80x128xf32, #tpu.memory_space<vmem>>, vector<16xf32>,
      %parallel_loop3A_563 = arith.subf %parallel_loop3A_546, %parallel_loop3A_562 : vector<16xf32>
      %parallel_loop3A_564 = arith.constant 1 : i32
      %parallel_loop3A_565 = arith.index_cast %parallel_loop3A_564 : i32 to index
      %parallel_loop3A_566 = arith.index_cast %parallel_loop3A_428 : i32 to index
      %parallel_loop3A_567 = arith.constant 112 : index
      %parallel_loop3A_568 = tpu.vector_load %arg10[%parallel_loop3A_565, %parallel_loop3A_566, %parallel_loop3A_567] {strides = array<i32>} : memref<2x80x128xf32, #tpu.memory_space<vmem>>, vector<16xf32>,
      tpu.vector_store %arg10[%parallel_loop3A_565, %parallel_loop3A_566, %parallel_loop3A_567], %parallel_loop3A_563 {strides = array<i32>} : memref<2x80x128xf32, #tpu.memory_space<vmem>>, vector<16xf32>,
    } {sc.loop_unroll_factor = 4 : i64, sc.parallel_access}
    %dma_wait3A_363 = arith.constant 1 : i32
    %dma_wait3A_364 = arith.constant 1 : i32
    %dma_wait3A_365 = arith.constant 0 : i32
    %dma_wait3A_366 = tpu.memref_slice %arg8[%dma_wait3A_363, %dma_wait3A_365] : memref<2x80xi32, #tpu.memory_space<vmem>> -> memref<1x80xi32, #tpu.memory_space<vmem>>
    %dma_wait3A_367 = tpu.memref_squeeze %dma_wait3A_366 : memref<1x80xi32, #tpu.memory_space<vmem>> -> memref<80xi32, #tpu.memory_space<vmem>>
    %dma_wait3A_368 = tpu.memref_slice %arg4[%add3A_6] : memref<640000xi32, #tpu.memory_space<hbm>> -> memref<80xi32, #tpu.memory_space<hbm>>
    %dma_wait3A_369 = tpu.memref_slice %arg16[%dma_wait3A_364] : memref<2x!tpu.dma_semaphore, #tpu.memory_space<semaphore_mem>> -> memref<1x!tpu.dma_semaphore, #tpu.memory_space<semaphore_mem>>
    %dma_wait3A_370 = tpu.memref_squeeze %dma_wait3A_369 : memref<1x!tpu.dma_semaphore, #tpu.memory_space<semaphore_mem>> -> memref<!tpu.dma_semaphore, #tpu.memory_space<semaphore_mem>>
    %dma_wait3A_371 = arith.constant 0 : i32
    %dma_wait3A_372 = tpu.memref_slice %arg8[%dma_wait3A_363, %dma_wait3A_371] : memref<2x80xi32, #tpu.memory_space<vmem>> -> memref<1x80xi32, #tpu.memory_space<vmem>>
    %dma_wait3A_373 = tpu.memref_squeeze %dma_wait3A_372 : memref<1x80xi32, #tpu.memory_space<vmem>> -> memref<80xi32, #tpu.memory_space<vmem>>
    %dma_wait3A_374 = tpu.memref_slice %arg4[%add3A_6] : memref<640000xi32, #tpu.memory_space<hbm>> -> memref<80xi32, #tpu.memory_space<hbm>>
    tpu.wait_dma2 semaphore(%dma_wait3A_370 : memref<!tpu.dma_semaphore, #tpu.memory_space<semaphore_mem>>) src(%dma_wait3A_374 : memref<80xi32, #tpu.memory_space<hbm>>) dst(%dma_wait3A_373 : memref<80xi32, #tpu.memory_space<vmem>>)
    %dma_start3A_375 = arith.constant 1 : i32
    %dma_start3A_376 = arith.constant 1 : i32
    %dma_start3A_377 = arith.constant 1 : i32
    %dma_start3A_378 = arith.constant 0 : i32
    %dma_start3A_379 = arith.constant 0 : i32
    %dma_start3A_380 = tpu.memref_slice %arg10[%dma_start3A_375, %dma_start3A_378, %dma_start3A_379] : memref<2x80x128xf32, #tpu.memory_space<vmem>> -> memref<1x80x128xf32, #tpu.memory_space<vmem>>
    %dma_start3A_381 = tpu.memref_squeeze %dma_start3A_380 : memref<1x80x128xf32, #tpu.memory_space<vmem>> -> memref<80x128xf32, #tpu.memory_space<vmem>>
    %dma_start3A_382 = arith.constant 0 : i32
    %dma_start3A_383 = tpu.memref_slice %arg8[%dma_start3A_376, %dma_start3A_382] : memref<2x80xi32, #tpu.memory_space<vmem>> -> memref<1x80xi32, #tpu.memory_space<vmem>>
    %dma_start3A_384 = tpu.memref_squeeze %dma_start3A_383 : memref<1x80xi32, #tpu.memory_space<vmem>> -> memref<80xi32, #tpu.memory_space<vmem>>
    %dma_start3A_385 = arith.constant 0 : i32
    %dma_start3A_386 = arith.constant 0 : i32
    %dma_start3A_387 = tpu.memref_slice %arg13[%dma_start3A_385, %dma_start3A_386] : memref<10000x128xf32, #tpu.memory_space<vmem_shared>> -> memref<10000x128xf32, #tpu.memory_space<vmem_shared>>
    %dma_start3A_388 = tpu.memref_slice %arg17[%dma_start3A_377] : memref<2x!tpu.dma_semaphore, #tpu.memory_space<semaphore_mem>> -> memref<1x!tpu.dma_semaphore, #tpu.memory_space<semaphore_mem>>
    %dma_start3A_389 = tpu.memref_squeeze %dma_start3A_388 : memref<1x!tpu.dma_semaphore, #tpu.memory_space<semaphore_mem>> -> memref<!tpu.dma_semaphore, #tpu.memory_space<semaphore_mem>>
    tpu.enqueue_indirect_dma source(%dma_start3A_381 : memref<80x128xf32, #tpu.memory_space<vmem>>) target(%dma_start3A_387 : memref<10000x128xf32, #tpu.memory_space<vmem_shared>>) offsets(%dma_start3A_384 : memref<80xi32, #tpu.memory_space<vmem>>) semaphore(%dma_start3A_389 : memref<!tpu.dma_semaphore, #tpu.memory_space<semaphore_mem>>) {add = true}
    %get3A_390 = arith.constant 1 : i32
    %get3A_391 = arith.index_cast %get3A_390 : i32 to index
    %get3A_392 = arith.constant 0 : index
    %get3A_393 = tpu.vector_load %arg8[%get3A_391, %get3A_392] {strides = array<i32>} : memref<2x80xi32, #tpu.memory_space<vmem>>, vector<16xi32>,
    tpu.vector_store_idx %arg12[%get3A_393], %add3A_10 {add = true} : memref<10000xf32, #tpu.memory_space<vmem>>[vector<16xi32>], vector<16xf32>,
    %get3A_394 = arith.constant 1 : i32
    %get3A_395 = arith.index_cast %get3A_394 : i32 to index
    %get3A_396 = arith.constant 16 : index
    %get3A_397 = tpu.vector_load %arg8[%get3A_395, %get3A_396] {strides = array<i32>} : memref<2x80xi32, #tpu.memory_space<vmem>>, vector<16xi32>,
    tpu.vector_store_idx %arg12[%get3A_397], %add3A_10 {add = true} : memref<10000xf32, #tpu.memory_space<vmem>>[vector<16xi32>], vector<16xf32>,
    %get3A_398 = arith.constant 1 : i32
    %get3A_399 = arith.index_cast %get3A_398 : i32 to index
    %get3A_400 = arith.constant 32 : index
    %get3A_401 = tpu.vector_load %arg8[%get3A_399, %get3A_400] {strides = array<i32>} : memref<2x80xi32, #tpu.memory_space<vmem>>, vector<16xi32>,
    tpu.vector_store_idx %arg12[%get3A_401], %add3A_10 {add = true} : memref<10000xf32, #tpu.memory_space<vmem>>[vector<16xi32>], vector<16xf32>,
    %get3A_402 = arith.constant 1 : i32
    %get3A_403 = arith.index_cast %get3A_402 : i32 to index
    %get3A_404 = arith.constant 48 : index
    %get3A_405 = tpu.vector_load %arg8[%get3A_403, %get3A_404] {strides = array<i32>} : memref<2x80xi32, #tpu.memory_space<vmem>>, vector<16xi32>,
    tpu.vector_store_idx %arg12[%get3A_405], %add3A_10 {add = true} : memref<10000xf32, #tpu.memory_space<vmem>>[vector<16xi32>], vector<16xf32>,
    %get3A_406 = arith.constant 1 : i32
    %get3A_407 = arith.index_cast %get3A_406 : i32 to index
    %get3A_408 = arith.constant 64 : index
    %get3A_409 = tpu.vector_load %arg8[%get3A_407, %get3A_408] {strides = array<i32>} : memref<2x80xi32, #tpu.memory_space<vmem>>, vector<16xi32>,
    tpu.vector_store_idx %arg12[%get3A_409], %add3A_10 {add = true} : memref<10000xf32, #tpu.memory_space<vmem>>[vector<16xi32>], vector<16xf32>,
    %dma_wait3A_410 = arith.constant 1 : i32
    %dma_wait3A_411 = arith.constant 1 : i32
    %dma_wait3A_412 = arith.constant 1 : i32
    %dma_wait3A_413 = arith.constant 0 : i32
    %dma_wait3A_414 = arith.constant 0 : i32
    %dma_wait3A_415 = tpu.memref_slice %arg10[%dma_wait3A_410, %dma_wait3A_413, %dma_wait3A_414] : memref<2x80x128xf32, #tpu.memory_space<vmem>> -> memref<1x80x128xf32, #tpu.memory_space<vmem>>
    %dma_wait3A_416 = tpu.memref_squeeze %dma_wait3A_415 : memref<1x80x128xf32, #tpu.memory_space<vmem>> -> memref<80x128xf32, #tpu.memory_space<vmem>>
    %dma_wait3A_417 = arith.constant 0 : i32
    %dma_wait3A_418 = tpu.memref_slice %arg8[%dma_wait3A_411, %dma_wait3A_417] : memref<2x80xi32, #tpu.memory_space<vmem>> -> memref<1x80xi32, #tpu.memory_space<vmem>>
    %dma_wait3A_419 = tpu.memref_squeeze %dma_wait3A_418 : memref<1x80xi32, #tpu.memory_space<vmem>> -> memref<80xi32, #tpu.memory_space<vmem>>
    %dma_wait3A_420 = arith.constant 0 : i32
    %dma_wait3A_421 = arith.constant 0 : i32
    %dma_wait3A_422 = tpu.memref_slice %arg13[%dma_wait3A_420, %dma_wait3A_421] : memref<10000x128xf32, #tpu.memory_space<vmem_shared>> -> memref<10000x128xf32, #tpu.memory_space<vmem_shared>>
    %dma_wait3A_423 = tpu.memref_slice %arg17[%dma_wait3A_412] : memref<2x!tpu.dma_semaphore, #tpu.memory_space<semaphore_mem>> -> memref<1x!tpu.dma_semaphore, #tpu.memory_space<semaphore_mem>>
    %dma_wait3A_424 = tpu.memref_squeeze %dma_wait3A_423 : memref<1x!tpu.dma_semaphore, #tpu.memory_space<semaphore_mem>> -> memref<!tpu.dma_semaphore, #tpu.memory_space<semaphore_mem>>
    tpu.wait_indirect_dma semaphore(%dma_wait3A_424 : memref<!tpu.dma_semaphore, #tpu.memory_space<semaphore_mem>>) src(%dma_wait3A_416 : memref<80x128xf32, #tpu.memory_space<vmem>>) dst(%dma_wait3A_422 : memref<10000x128xf32, #tpu.memory_space<vmem_shared>>)
    %barrier3A_425 = arith.constant 0 : index
    tpu.barrier barrier_id(%barrier3A_425)
    "tpu.trace_start"() <{level = 10 : i32, message = "copyout"}> : () -> ()
    %mul3A_426 = arith.constant 625 : i32
    %mul3A_427 = arith.muli %arg1, %mul3A_426 : i32
    "tpu.region"() ({
      %run_scoped3A_428 = tpu.sem_alloc : memref<!tpu.dma_semaphore, #tpu.memory_space<semaphore_mem>>
      %dma_start3A_429 = arith.constant 0 : i32
      %dma_start3A_430 = tpu.memref_slice %arg5[%arg0, %mul3A_427, %dma_start3A_429] : memref<2x10000x128xf32, #tpu.memory_space<hbm>> -> memref<1x625x128xf32, #tpu.memory_space<hbm>>
      %dma_start3A_431 = tpu.memref_squeeze %dma_start3A_430 : memref<1x625x128xf32, #tpu.memory_space<hbm>> -> memref<625x128xf32, #tpu.memory_space<hbm>>
      %dma_start3A_432 = arith.constant 0 : i32
      %dma_start3A_433 = tpu.memref_slice %arg13[%mul3A_427, %dma_start3A_432] : memref<10000x128xf32, #tpu.memory_space<vmem_shared>> -> memref<625x128xf32, #tpu.memory_space<vmem_shared>>
      tpu.enqueue_dma source(%dma_start3A_433 : memref<625x128xf32, #tpu.memory_space<vmem_shared>>) target(%dma_start3A_431 : memref<625x128xf32, #tpu.memory_space<hbm>>) target_semaphore(%run_scoped3A_428 : memref<!tpu.dma_semaphore, #tpu.memory_space<semaphore_mem>>)
      %dma_wait3A_434 = arith.constant 0 : i32
      %dma_wait3A_435 = tpu.memref_slice %arg5[%arg0, %mul3A_427, %dma_wait3A_434] : memref<2x10000x128xf32, #tpu.memory_space<hbm>> -> memref<1x625x128xf32, #tpu.memory_space<hbm>>
      %dma_wait3A_436 = tpu.memref_squeeze %dma_wait3A_435 : memref<1x625x128xf32, #tpu.memory_space<hbm>> -> memref<625x128xf32, #tpu.memory_space<hbm>>
      %dma_wait3A_437 = arith.constant 0 : i32
      %dma_wait3A_438 = tpu.memref_slice %arg13[%mul3A_427, %dma_wait3A_437] : memref<10000x128xf32, #tpu.memory_space<vmem_shared>> -> memref<625x128xf32, #tpu.memory_space<vmem_shared>>
      tpu.wait_dma2 semaphore(%run_scoped3A_428 : memref<!tpu.dma_semaphore, #tpu.memory_space<semaphore_mem>>) src(%dma_wait3A_438 : memref<625x128xf32, #tpu.memory_space<vmem_shared>>) dst(%dma_wait3A_436 : memref<625x128xf32, #tpu.memory_space<hbm>>)
      tpu.yield
    }) : () -> ()
    "tpu.region"() ({
      %run_scoped3A_428 = tpu.sem_alloc : memref<!tpu.dma_semaphore, #tpu.memory_space<semaphore_mem>>
      %dma_start3A_429 = arith.constant 0 : i32
      %dma_start3A_430 = tpu.memref_slice %arg6[%arg0, %arg1, %dma_start3A_429] : memref<2x16x10000xf32, #tpu.memory_space<hbm>> -> memref<1x1x10000xf32, #tpu.memory_space<hbm>>
      %dma_start3A_431 = tpu.memref_squeeze %dma_start3A_430 : memref<1x1x10000xf32, #tpu.memory_space<hbm>> -> memref<10000xf32, #tpu.memory_space<hbm>>
      %dma_start3A_432 = arith.constant 0 : i32
      %dma_start3A_433 = tpu.memref_slice %arg6[%arg0, %arg1, %dma_start3A_432] : memref<2x16x10000xf32, #tpu.memory_space<hbm>> -> memref<1x1x10000xf32, #tpu.memory_space<hbm>>
      %dma_start3A_434 = tpu.memref_squeeze %dma_start3A_433 : memref<1x1x10000xf32, #tpu.memory_space<hbm>> -> memref<10000xf32, #tpu.memory_space<hbm>>
      tpu.enqueue_dma source(%arg12 : memref<10000xf32, #tpu.memory_space<vmem>>) target(%dma_start3A_434 : memref<10000xf32, #tpu.memory_space<hbm>>) target_semaphore(%run_scoped3A_428 : memref<!tpu.dma_semaphore, #tpu.memory_space<semaphore_mem>>)
      %dma_wait3A_435 = arith.constant 0 : i32
      %dma_wait3A_436 = tpu.memref_slice %arg6[%arg0, %arg1, %dma_wait3A_435] : memref<2x16x10000xf32, #tpu.memory_space<hbm>> -> memref<1x1x10000xf32, #tpu.memory_space<hbm>>
      %dma_wait3A_437 = tpu.memref_squeeze %dma_wait3A_436 : memref<1x1x10000xf32, #tpu.memory_space<hbm>> -> memref<10000xf32, #tpu.memory_space<hbm>>
      %dma_wait3A_438 = arith.constant 0 : i32
      %dma_wait3A_439 = tpu.memref_slice %arg6[%arg0, %arg1, %dma_wait3A_438] : memref<2x16x10000xf32, #tpu.memory_space<hbm>> -> memref<1x1x10000xf32, #tpu.memory_space<hbm>>
      %dma_wait3A_440 = tpu.memref_squeeze %dma_wait3A_439 : memref<1x1x10000xf32, #tpu.memory_space<hbm>> -> memref<10000xf32, #tpu.memory_space<hbm>>
      tpu.wait_dma2 semaphore(%run_scoped3A_428 : memref<!tpu.dma_semaphore, #tpu.memory_space<semaphore_mem>>) src(%arg12 : memref<10000xf32, #tpu.memory_space<vmem>>) dst(%dma_wait3A_440 : memref<10000xf32, #tpu.memory_space<hbm>>)
      tpu.yield
    }) : () -> ()
    "tpu.trace_stop"() : () -> ()
    return
  }
}

module attributes {stable_mosaic.version = 14 : i64} {
  func.func @body(%arg0: memref<2x10000x128xf32, #tpu.memory_space<vmem>>, %arg1: memref<2x16x10000xf32, #tpu.memory_space<vmem>>, %arg2: memref<10000x128xf32, #tpu.memory_space<vmem>>, %arg3: memref<128x128xf32, #tpu.memory_space<vmem>>, %arg4: memref<128x128xf32, #tpu.memory_space<vmem>>, %arg5: memref<128x128xf32, #tpu.memory_space<vmem>>, %arg6: memref<1x128xf32, #tpu.memory_space<vmem>>, %arg7: memref<1x128xf32, #tpu.memory_space<vmem>>, %arg8: memref<1x128xf32, #tpu.memory_space<vmem>>, %arg9: memref<10000x128xf32, #tpu.memory_space<vmem>>) attributes {dimension_semantics = [], scalar_prefetch = 0 : i64, scratch_operands = 0 : i64, tpu.core_type = #tpu.core_type<tc>} {
    %get3A = arith.constant 0 : index
    %get3A_0 = arith.constant 0 : index
    %get3A_1 = arith.constant 0 : index
    %get3A_2 = vector.load %arg1[%get3A, %get3A_0, %get3A_1] : memref<2x16x10000xf32, #tpu.memory_space<vmem>>, vector<1x16x10000xf32>
    %get3A_3 = vector.shape_cast %get3A_2 : vector<1x16x10000xf32> to vector<16x10000xf32>
    %reduce_sum3A = arith.constant dense<0.000000e+00> : vector<10000xf32>
    %reduce_sum3A_4 = vector.multi_reduction <add>, %get3A_3, %reduce_sum3A [0] : vector<16x10000xf32> to vector<10000xf32>
    %max3A = arith.constant 1.000000e+00 : f32
    %max3A_5 = vector.broadcast %max3A : f32 to vector<10000xf32>
    %max3A_6 = arith.maximumf %reduce_sum3A_4, %max3A_5 : vector<10000xf32>
    %reshape3A = vector.shape_cast %max3A_6 : vector<10000xf32> to vector<10000x1xf32>
    %get3A_7 = arith.constant 1 : index
    %get3A_8 = arith.constant 0 : index
    %get3A_9 = arith.constant 0 : index
    %get3A_10 = vector.load %arg1[%get3A_7, %get3A_8, %get3A_9] : memref<2x16x10000xf32, #tpu.memory_space<vmem>>, vector<1x16x10000xf32>
    %get3A_11 = vector.shape_cast %get3A_10 : vector<1x16x10000xf32> to vector<16x10000xf32>
    %reduce_sum3A_12 = arith.constant dense<0.000000e+00> : vector<10000xf32>
    %reduce_sum3A_13 = vector.multi_reduction <add>, %get3A_11, %reduce_sum3A_12 [0] : vector<16x10000xf32> to vector<10000xf32>
    %max3A_14 = arith.constant 1.000000e+00 : f32
    %max3A_15 = vector.broadcast %max3A_14 : f32 to vector<10000xf32>
    %max3A_16 = arith.maximumf %reduce_sum3A_13, %max3A_15 : vector<10000xf32>
    %reshape3A_17 = vector.shape_cast %max3A_16 : vector<10000xf32> to vector<10000x1xf32>
    %get3A_18 = arith.constant 0 : index
    %get3A_19 = arith.constant 0 : index
    %get3A_20 = arith.constant 0 : index
    %get3A_21 = vector.load %arg0[%get3A_18, %get3A_19, %get3A_20] : memref<2x10000x128xf32, #tpu.memory_space<vmem>>, vector<1x10000x128xf32>
    %get3A_22 = vector.shape_cast %get3A_21 : vector<1x10000x128xf32> to vector<10000x128xf32>
    %div3A = vector.broadcast %reshape3A : vector<10000x1xf32> to vector<10000x128xf32>
    %div3A_23 = arith.divf %get3A_22, %div3A : vector<10000x128xf32>
    %get3A_24 = arith.constant 1 : index
    %get3A_25 = arith.constant 0 : index
    %get3A_26 = arith.constant 0 : index
    %get3A_27 = vector.load %arg0[%get3A_24, %get3A_25, %get3A_26] : memref<2x10000x128xf32, #tpu.memory_space<vmem>>, vector<1x10000x128xf32>
    %get3A_28 = vector.shape_cast %get3A_27 : vector<1x10000x128xf32> to vector<10000x128xf32>
    %div3A_29 = vector.broadcast %reshape3A_17 : vector<10000x1xf32> to vector<10000x128xf32>
    %div3A_30 = arith.divf %get3A_28, %div3A_29 : vector<10000x128xf32>
    %get3A_31 = arith.constant 0 : index
    %get3A_32 = arith.constant 0 : index
    %get3A_33 = vector.load %arg3[%get3A_31, %get3A_32] : memref<128x128xf32, #tpu.memory_space<vmem>>, vector<128x128xf32>
    %transpose3A = tpu.transpose %get3A_33, [1, 0] : vector<128x128xf32> -> vector<128x128xf32>
    %dot_general3A = arith.constant dense<0.000000e+00> : vector<10000x128xf32>
    %dot_general3A_34 = tpu.matmul %div3A_23, %transpose3A, %dot_general3A {dimension_numbers = #tpu.dot_dimension_numbers<[1], [0], [0], [1], [0, 0, 1, 1], [], []>, transpose_lhs_hint = false} : vector<10000x128xf32>, vector<128x128xf32>, vector<10000x128xf32> -> vector<10000x128xf32>
    %get3A_35 = arith.constant 0 : index
    %get3A_36 = arith.constant 0 : index
    %get3A_37 = vector.load %arg4[%get3A_35, %get3A_36] : memref<128x128xf32, #tpu.memory_space<vmem>>, vector<128x128xf32>
    %transpose3A_38 = tpu.transpose %get3A_37, [1, 0] : vector<128x128xf32> -> vector<128x128xf32>
    %dot_general3A_39 = arith.constant dense<0.000000e+00> : vector<10000x128xf32>
    %dot_general3A_40 = tpu.matmul %div3A_30, %transpose3A_38, %dot_general3A_39 {dimension_numbers = #tpu.dot_dimension_numbers<[1], [0], [0], [1], [0, 0, 1, 1], [], []>, transpose_lhs_hint = false} : vector<10000x128xf32>, vector<128x128xf32>, vector<10000x128xf32> -> vector<10000x128xf32>
    %add3A = arith.addf %dot_general3A_34, %dot_general3A_40 : vector<10000x128xf32>
    %get3A_41 = arith.constant 0 : index
    %get3A_42 = arith.constant 0 : index
    %get3A_43 = vector.load %arg2[%get3A_41, %get3A_42] : memref<10000x128xf32, #tpu.memory_space<vmem>>, vector<10000x128xf32>
    %get3A_44 = arith.constant 0 : index
    %get3A_45 = arith.constant 0 : index
    %get3A_46 = vector.load %arg5[%get3A_44, %get3A_45] : memref<128x128xf32, #tpu.memory_space<vmem>>, vector<128x128xf32>
    %transpose3A_47 = tpu.transpose %get3A_46, [1, 0] : vector<128x128xf32> -> vector<128x128xf32>
    %dot_general3A_48 = arith.constant dense<0.000000e+00> : vector<10000x128xf32>
    %dot_general3A_49 = tpu.matmul %get3A_43, %transpose3A_47, %dot_general3A_48 {dimension_numbers = #tpu.dot_dimension_numbers<[1], [0], [0], [1], [0, 0, 1, 1], [], []>, transpose_lhs_hint = false} : vector<10000x128xf32>, vector<128x128xf32>, vector<10000x128xf32> -> vector<10000x128xf32>
    %add3A_50 = arith.addf %add3A, %dot_general3A_49 : vector<10000x128xf32>
    %get3A_51 = arith.constant 0 : index
    %get3A_52 = arith.constant 0 : index
    %get3A_53 = vector.load %arg6[%get3A_51, %get3A_52] : memref<1x128xf32, #tpu.memory_space<vmem>>, vector<1x128xf32>
    %add3A_54 = vector.broadcast %get3A_53 : vector<1x128xf32> to vector<10000x128xf32>
    %add3A_55 = arith.addf %add3A_50, %add3A_54 : vector<10000x128xf32>
    %div3A_56 = arith.constant 3.000000e+00 : f32
    %div3A_57 = vector.broadcast %div3A_56 : f32 to vector<10000x128xf32>
    %div3A_58 = arith.divf %add3A_55, %div3A_57 : vector<10000x128xf32>
    %reduce_sum3A_59 = arith.constant dense<0.000000e+00> : vector<128xf32>
    %reduce_sum3A_60 = vector.multi_reduction <add>, %div3A_58, %reduce_sum3A_59 [0] : vector<10000x128xf32> to vector<128xf32>
    %broadcast_in_dim3A = vector.shape_cast %reduce_sum3A_60 : vector<128xf32> to vector<1x128xf32>
    %div3A_61 = arith.constant 1.000000e+04 : f32
    %div3A_62 = vector.broadcast %div3A_61 : f32 to vector<1x128xf32>
    %div3A_63 = arith.divf %broadcast_in_dim3A, %div3A_62 : vector<1x128xf32>
    %sub3A = vector.broadcast %div3A_63 : vector<1x128xf32> to vector<10000x128xf32>
    %sub3A_64 = arith.subf %div3A_58, %sub3A : vector<10000x128xf32>
    %mul3A = arith.mulf %sub3A_64, %sub3A_64 : vector<10000x128xf32>
    %reduce_sum3A_65 = arith.constant dense<0.000000e+00> : vector<128xf32>
    %reduce_sum3A_66 = vector.multi_reduction <add>, %mul3A, %reduce_sum3A_65 [0] : vector<10000x128xf32> to vector<128xf32>
    %broadcast_in_dim3A_67 = vector.shape_cast %reduce_sum3A_66 : vector<128xf32> to vector<1x128xf32>
    %div3A_68 = arith.constant 1.000000e+04 : f32
    %div3A_69 = vector.broadcast %div3A_68 : f32 to vector<1x128xf32>
    %div3A_70 = arith.divf %broadcast_in_dim3A_67, %div3A_69 : vector<1x128xf32>
    %add3A_71 = arith.constant 9.99999974E-6 : f32
    %add3A_72 = vector.broadcast %add3A_71 : f32 to vector<1x128xf32>
    %add3A_73 = arith.addf %div3A_70, %add3A_72 : vector<1x128xf32>
    %rsqrt3A = math.rsqrt %add3A_73 : vector<1x128xf32>
    %mul3A_74 = vector.broadcast %rsqrt3A : vector<1x128xf32> to vector<10000x128xf32>
    %mul3A_75 = arith.mulf %sub3A_64, %mul3A_74 : vector<10000x128xf32>
    %get3A_76 = arith.constant 0 : index
    %get3A_77 = arith.constant 0 : index
    %get3A_78 = vector.load %arg7[%get3A_76, %get3A_77] : memref<1x128xf32, #tpu.memory_space<vmem>>, vector<1x128xf32>
    %mul3A_79 = vector.broadcast %get3A_78 : vector<1x128xf32> to vector<10000x128xf32>
    %mul3A_80 = arith.mulf %mul3A_75, %mul3A_79 : vector<10000x128xf32>
    %get3A_81 = arith.constant 0 : index
    %get3A_82 = arith.constant 0 : index
    %get3A_83 = vector.load %arg8[%get3A_81, %get3A_82] : memref<1x128xf32, #tpu.memory_space<vmem>>, vector<1x128xf32>
    %add3A_84 = vector.broadcast %get3A_83 : vector<1x128xf32> to vector<10000x128xf32>
    %add3A_85 = arith.addf %mul3A_80, %add3A_84 : vector<10000x128xf32>
    %swap3A = arith.constant 0 : index
    %swap3A_86 = arith.constant 0 : index
    %swap3A_87 = vector.load %arg9[%swap3A, %swap3A_86] : memref<10000x128xf32, #tpu.memory_space<vmem>>, vector<10000x128xf32>
    tpu.vector_store %arg9[%swap3A, %swap3A_86], %add3A_85 {strides = array<i32>} : memref<10000x128xf32, #tpu.memory_space<vmem>>, vector<10000x128xf32>,
    return
  }
}

</mosaic_0001>

<sc_bundles>
// kernel: kernel.4.cloned.1.call-start
scs
__scs_entry_jumppad:
0x0: {  	(pc) =	sbr.rel $0x88, $3  }
0x1: {  	(tag) =	ssettag $0x0;
	lr =	simm.s32 $0x1  }
0x2: {  	[smem:$0x3F96] =	sst lr;
	_ =	strace $0xD0000000  }
0x3: {  	_ = 	snop  }
0x4: {  	_ = 	snop  }
0x5: {  	_ = 	snop  }
0x6: {  	_ = 	snop  }
0x7: {  	_ = 	snop  }
__scs_overlays_trampoline_lowered:
0x8: {  	[smem:$0x3FA5] =	sst s0  }
0x9: {  	[smem:$0x3FA6] =	sst s1  }
0xa: {  	[smem:$0x3FA7] =	sst s2  }
0xb: {  	[smem:$0x3FA8] =	sst s3  }
0xc: {  	[smem:$0x3FA9] =	sst s4  }
0xd: {  	[smem:$0x3FAA] =	sst s5  }
0xe: {  	[smem:$0x3FAB] =	sst s6  }
0xf: {  	[smem:$0x3FAC] =	sst s7  }
0x10: {  	[smem:$0x3FAD] =	sst s8  }
0x11: {  	[smem:$0x3FAE] =	sst s9;
	s0 =	simm.s32 @!p0 $0x0  }
0x12: {  	s1 =	sld [smem:$0x3F94];
	s0 =	simm.s32 @p0 $0x1  }
0x13: {  	[smem:$0x3FAF] =	sst s0;
	s0 =	simm.s32 @!p1 $0x0  }
0x14: {  	s2 =	sld [smem:$0x3F93];
	s0 =	simm.s32 @p1 $0x1  }
0x15: {  	[smem:$0x3FB0] =	sst s0;
	s0 =	simm.s32 @!p2 $0x0  }
0x16: {  	s3 =	sld [smem:$0x3FDB];
	s0 =	simm.s32 @p2 $0x1  }
0x17: {  	s4 =	simm.s32 $0x1BF5;
	[smem:$0x3FB2] =	sst s0  }
0x18: {  	s0 =	sld [smem:$0x3F95];
	_ =	swait.ge [sflag:s4], $0x0  }
0x19: {  	s7 =	sld [smem:$0x3F96]  }
0x1a: {  	s8 =	sadd.s32 $0xFFFFE003, lr  }
0x1b: {  	s9 =	sadd.s32 $0xFFFFFEF7, lr;
	s5 =	simm.s32 $0xFFFFFFFF;
	p2 =	slt.u32 s8, $0xFFFFF086  }
0x1c: {  	p1 =	slt.u32 s9, $0xF7A;
	s5 =	simm.s32 @!p2 $0x0  }
0x1d: {  	s5 =	simm.s32 @p1 $0x1;
	p0 =	seq.s32 s7, s2  }
0x1e: {  	s7 =	smul.u32 @!p0 $0xF7A, s2;
	p2 =	seq.s32 @!p0 s5, $0x0  }
0x1f: {  	s9 =	smul.u32 $0xF7A, s1;
	s8 =	simm.s32 @!p0 $0x1BF5;
	p2 =	por !p2, p0  }
0x20: {  	[sflag:s8] =	ssyncset.s32 @!p0 $0xFFFFF086;
	s6 =	sadd.s32 @!p0 s3, s7;
	s7 =	simm.s32 @!p0 $0x108  }
0x21: {  	s3 =	sadd.s32 s3, s9;
	s6 =	sadd.s32 @!p0 $0x88, s6;
	s7 =	simm.s32 @p2 $0x1082  }
0x22: {  	[simem:s7], [sflag:s8] =	dma.local @!p0 [hbm:s6], $0xF7A  }
0x23: {  	s9 =	sor.u32 $0xD0000000, s2;
	s6 =	simm.s32 $0x108;
	_ =	swait.ge @!p0 [sflag:s8], $0x0  }
0x24: {  	s3 =	sadd.s32 $0x88, s3;
	s6 =	simm.s32 @!p1 $0x1082;
	[sflag:s4] =	ssyncset.s32 $0xFFFFF086  }
0x25: {  	[simem:s6], [sflag:s4] =	dma.local [hbm:s3], $0xF7A  }
0x26: {  	[smem:$0x3F96] =	sst s1;
	(tag) =	ssettag s2;
	_ =	strace s9  }
0x27: {  	s1 =	sld [smem:$0x3FA6]  }
0x28: {  	s2 =	sld [smem:$0x3FA7]  }
0x29: {  	s4 =	sld [smem:$0x3FA9]  }
0x2a: {  	p0 =	seq.s32 s5, $0x0;
	s5 =	sld [smem:$0x3FAA]  }
0x2b: {  	s6 =	sld [smem:$0x3FAB]  }
0x2c: {  	s7 =	sld [smem:$0x3FAC]  }
0x2d: {  	s3 =	simm.s32 $0x108;
	s8 =	sld [smem:$0x3FAD]  }
0x2e: {  	s3 =	simm.s32 @!p0 $0x1082;
	s9 =	sld [smem:$0x3FAE]  }
0x2f: {  	lr =	sadd.s32 s0, s3;
	s0 =	sld [smem:$0x3FA5]  }
0x30: {  	s3 =	sld [smem:$0x3FA8]  }
0x31: {  	[smem:$0x3FB1] =	sst s10  }
0x32: {  	s10 =	sld [smem:$0x3FAF];
	_ =	sdelay $0x3  }
0x33: {  	p0 =	seq.s32 s10, $0x1;
	s10 =	sld [smem:$0x3FB1];
	_ =	sdelay $0x3  }
0x34: {  	[smem:$0x3FB1] =	sst s10  }
0x35: {  	s10 =	sld [smem:$0x3FB0];
	_ =	sdelay $0x3  }
0x36: {  	p1 =	seq.s32 s10, $0x1;
	s10 =	sld [smem:$0x3FB1];
	_ =	sdelay $0x3  }
0x37: {  	[smem:$0x3FB1] =	sst s10  }
0x38: {  	s10 =	sld [smem:$0x3FB2]  }
0x39: {  	_ = 	snop;
	(pc) =	sbr.ind lr, $3  }
0x3a: {  	_ = 	snop  }
0x3b: {  	_ = 	snop  }
0x3c: {  	p2 =	seq.s32 s10, $0x1;
	s10 =	sld [smem:$0x3FB1]  }
0x3d: {  	_ =	shalt  }
0x3e: {  	_ =	shalt  }
0x3f: {  	_ =	shalt  }
0x40: {  	_ =	shalt  }
0x41: {  	_ =	shalt  }
0x42: {  	_ =	shalt  }
0x43: {  	_ =	shalt  }
0x44: {  	_ =	shalt  }
0x45: {  	_ =	shalt  }
0x46: {  	_ =	shalt  }
0x47: {  	_ =	shalt  }
0x48: {  	_ =	shalt  }
0x49: {  	_ =	shalt  }
0x4a: {  	_ =	shalt  }
0x4b: {  	_ =	shalt  }
0x4c: {  	_ =	shalt  }
0x4d: {  	_ =	shalt  }
0x4e: {  	_ =	shalt  }
0x4f: {  	_ =	shalt  }
0x50: {  	_ =	shalt  }
0x51: {  	_ =	shalt  }
0x52: {  	_ =	shalt  }
0x53: {  	_ =	shalt  }
0x54: {  	_ =	shalt  }
0x55: {  	_ =	shalt  }
0x56: {  	_ =	shalt  }
0x57: {  	_ =	shalt  }
0x58: {  	_ =	shalt  }
0x59: {  	_ =	shalt  }
0x5a: {  	_ =	shalt  }
0x5b: {  	_ =	shalt  }
0x5c: {  	_ =	shalt  }
0x5d: {  	_ =	shalt  }
0x5e: {  	_ =	shalt  }
0x5f: {  	_ =	shalt  }
0x60: {  	_ =	shalt  }
0x61: {  	_ =	shalt  }
0x62: {  	_ =	shalt  }
0x63: {  	_ =	shalt  }
0x64: {  	_ =	shalt  }
0x65: {  	_ =	shalt  }
0x66: {  	_ =	shalt  }
0x67: {  	_ =	shalt  }
0x68: {  	_ =	shalt  }
0x69: {  	_ =	shalt  }
0x6a: {  	_ =	shalt  }
0x6b: {  	_ =	shalt  }
0x6c: {  	_ =	shalt  }
0x6d: {  	_ =	shalt  }
0x6e: {  	_ =	shalt  }
0x6f: {  	_ =	shalt  }
0x70: {  	_ =	shalt  }
0x71: {  	_ =	shalt  }
0x72: {  	_ =	shalt  }
0x73: {  	_ =	shalt  }
0x74: {  	_ =	shalt  }
0x75: {  	_ =	shalt  }
0x76: {  	_ =	shalt  }
0x77: {  	_ =	shalt  }
0x78: {  	_ =	shalt  }
0x79: {  	_ =	shalt  }
0x7a: {  	_ =	shalt  }
0x7b: {  	_ =	shalt  }
0x7c: {  	_ =	shalt  }
0x7d: {  	_ =	shalt  }
0x7e: {  	_ =	shalt  }
0x7f: {  	_ =	shalt  }
0x80: {  	_ =	shalt  }
0x81: {  	_ =	shalt  }
0x82: {  	_ =	shalt  }
0x83: {  	_ =	shalt  }
0x84: {  	_ =	shalt  }
0x85: {  	_ =	shalt  }
0x86: {  	_ =	shalt  }
0x87: {  	_ =	shalt  }
.Lfunc_end0:
.L_simem_size_0:
called_computation_lowered:
.L_overlay_start_0:
0x88: {  	s2 =	sld [smem:$0x3FD9]  }
0x89: {  	s3 =	sld [smem:$0x3FFE];
	_ =	sdelay $0x1  }
0x8a: {  	s1 =	srdreg.scid  }
0x8b: {  	s0 =	sand.u32 $0x1, s1  }
0x8c: {  	s17 =	sshll.u32 s0, $0xA;
	s2 =	sadd.s32 s3, s2  }
0x8d: {  	s2 =	sadd.s32 s2, s17  }
0x8e: {  	[smem:$0x3FBD] =	sst s2  }
0x8f: {  	_ = 	snop  }
0x90: {  	s2 =	sld [smem:$0x3FC8]  }
0x91: {  	s18 =	sld [smem:$0x3FD0];
	(tm) =	ssettm $0x1  }
0x92: {  	s4 =	sld [smem:$0x3FFB];
	_ =	sdelay $0x3  }
0x93: {  	_ =	strace s4  }
0x94: {  	s4 =	sld [smem:$0x3FFC];
	_ =	sdelay $0x3  }
0x95: {  	_ =	strace s4  }
0x96: {  	s4 =	sld [smem:$0x3FFD];
	_ =	sdelay $0x3  }
0x97: {  	_ =	strace s4  }
0x98: {  	_ =	strace $0x8FFFFFFF  }
0x99: {  	s19 =	sld [smem:$0x3FDB];
	_ =	sdelay $0x1  }
0x9a: {  	s5 =	simm.s32 $_scs_section_size  }
0x9b: {  	s6 =	simm.s32 $_size__tile_overlayer_lowered;
	s7 =	simm.s32 $_tile_overlayer_lowered  }
0x9c: {  	s22 =	simm.s32 $0x1BFF;
	s21 =	sshll.u32 s7, $0x1;
	s4 =	sadd.s32 s5, s19  }
0x9d: {  	s8 =	simm.s32 $0x0;
	s20 =	sshll.u32 s6, $0x1;
	s6 =	sadd.s32 s21, s4  }
0x9e: {  	[timem:s8], [sflag:s22] =	dma.local [hbm:s6], s20  }
0x9f: {  	_ =	swait.ge [sflag:s22], s20  }
0xa0: {  	s5 =	ssub.s32 $0x0, s20;
	[sflag:s22] =	ssyncset.done $0x0  }
0xa1: {  	[sflag:s22] =	ssyncadd.s32 s5;
	_ =	sdelay $0x1  }
0xa2: {  	s23 =	simm.s32 $0x1B8B  }
0xa3: {  	_ =	swait.ge [sflag:s23], $0x1  }
0xa4: {  	[sflag:s23] =	ssyncset.done $0x0  }
0xa5: {  	s25 =	simm.s32 $0x1B8E;
	s24 =	sld [smem:$0x3FFE];
	[sflag:s23] =	ssyncadd.s32 $0xFFFFFFFF  }
0xa6: {  	s26 =	simm.s32 $execute0_lowered;
	[smem:$0x3FD2] =	sst s25  }
0xa7: {  	s6 =	sshll.u32 s26, $0x1;
	_ =	strace $0x80000046;
	[dreg:$0x1] =	wrdreg $0xFFFFFFFF  }
0xa8: {  	s28 =	simm.s32 $_size_execute0_lowered;
	s4 =	sadd.s32 s4, s6;
	[dreg:$0x0] =	wrdreg $0x0  }
0xa9: {  	s6 =	sshll.u32 s28, $0x1;
	[dreg:$0x2] =	wrdreg s4  }
0xaa: {  	[dreg:$0x3] =	wrdreg s6  }
0xab: {  	[dreg:$0x4] =	wrdreg $0xC0  }
0xac: {  	_ =	task [dreg:s8], $0x5FFFF  }
0xad: {  	[dreg:$0x1] =	wrdreg $0xFFFFFFFF  }
0xae: {  	[dreg:$0x0] =	wrdreg $0x60  }
0xaf: {  	[dreg:$0x2] =	wrdreg s18  }
0xb0: {  	[dreg:$0x3] =	wrdreg s2  }
0xb1: {  	[dreg:$0x4] =	wrdreg s24  }
0xb2: {  	[dreg:$0x5] =	wrdreg $0xACD00  }
0xb3: {  	[dreg:$0x6] =	wrdreg $0x9  }
0xb4: {  	_ =	task.clear_ibuf [dreg:s8], $0x7FFFF;
	_ =	strace $0x90000046  }
0xb5: {  	s29 =	simm.s32 $0x9;
	_ =	strace $0x8000004B  }
0xb6: {  	_ =	swait.ge [sflag:s29], $0x1  }
0xb7: {  	[sflag:s29] =	ssyncadd.s32 $0xFFFFFFFF  }
0xb8: {  	_ =	strace $0x9000004B  }
0xb9: {  	_ =	sfence  }
0xba: {  	s30 =	sld [smem:$0x0];
	_ =	sdelay $0x2  }
0xbb: {  	s31 =	sshll.u32 s1, $0xD;
	s1 =	sshrl.u32 s1, $0x2  }
0xbc: {  	s3 =	sand.u32 $0x4000, s31;
	s1 =	sadd.s32 s1, s30  }
0xbd: {  	s0 =	sor.u32 s3, s0;
	s1 =	sshll.u32 s1, $0x11  }
0xbe: {  	s0 =	sor.u32 s1, s0  }
0xbf: {  	s0 =	sadd.s32 $0x8F2B, s0  }
0xc0: {  	[sflag:s0] =	ssyncadd.remote.s32 $0x1  }
0xc1: {  	_ =	sfence.sel $0xFFFF  }
0xc2: {  	[dreg:$0x0] =	wrdreg $0xFFFFFFFF;
	(pc) =	sbr.abs _section_cstart, $3  }
0xc3: {  	[dreg:$0x1] =	wrdreg $0xFFFFFFFF  }
0xc4: {  	_ =	task.clear_ibuf [dreg:s8], $0x2FFFF;
	_ =	strace $0x9FFFFFFF  }
0xc5: {  	(tm) =	ssettm $0x7FFFFFFF  }
tec
execute0_lowered:
.L_overlay_start_1:
0x0: {  	(tag) =	ssettag $0x1  }
0x1: {  	s14 =	stileid.u32  }
0x2: {  	s0 =	srdreg.scid;
	s3 =	smul.u32 $0x13880, s14  }
0x3: {  	s0 =	sand.u32 $0x1, s0;
	s9 =	smul.u32 $0x2710, s14  }
0x4: {  	s29 =	rddreg [dreg:$0x1];
	s7 =	smul.u32 $0x138800, s0  }
0x5: {  	s2 =	rddreg [dreg:$0x2];
	s5 =	simm.s32 $0x0;
	s8 =	smul.u32 $0x27100, s0  }
0x6: {  	[smem:$0x7FF] =	sst s5;
	s6 =	sadd.s32 $0x2200, s2  }
0x7: {  	s11 =	smul.u32 $0x4E200, s0;
	s7 =	sadd.s32 s3, s7;
	s8 =	sadd.s32 s9, s8  }
0x8: {  	s15 =	sshrl.u32 s7, $0x3;
	s8 =	sshrl.u32 s8, $0x3;
	s7 =	smul.u32 $0x4E20, s14  }
0x9: {  	s10 =	sadd.s32 s15, s2;
	s2 =	sadd.s32 s8, s2;
	s8 =	smul.u32 $0x4E200, s14  }
0xa: {  	s4 =	rddreg [dreg:$0x3];
	_ =	strace $0x80000047  }
0xb: {  	s1 =	sadd.s32 s7, s11;
	s13 =	sshrl.u32 s8, $0x2;
	s8 =	sadd.s32 s29, s8  }
0xc: {  	s11 =	sadd.s32 s13, s4;
	s13 =	sadd.s32 s3, s4;
	[smem:$0x7F5] =	sst s8  }
0xd: {  	s17 =	sadd.s32 $0xC80, s11;
	[dreg:$0x5] =	wrdreg s13  }
0xe: {  	s18 =	sadd.s32 $0x1900, s11;
	[dreg:$0x6] =	wrdreg s17  }
0xf: {  	s19 =	sadd.s32 $0x2580, s11;
	[dreg:$0x7] =	wrdreg s18  }
0x10: {  	s20 =	sadd.s32 $0x3200, s11;
	[dreg:$0x8] =	wrdreg s19  }
0x11: {  	s21 =	sadd.s32 $0x3E80, s11;
	[dreg:$0x9] =	wrdreg s20  }
0x12: {  	s22 =	sadd.s32 $0x4B00, s11;
	[dreg:$0xa] =	wrdreg s21  }
0x13: {  	s24 =	sadd.s32 $0x5780, s11;
	[dreg:$0xb] =	wrdreg s22  }
0x14: {  	s25 =	sadd.s32 $0x6400, s11;
	[dreg:$0xc] =	wrdreg s24  }
0x15: {  	s26 =	sadd.s32 $0x7080, s11;
	[dreg:$0xd] =	wrdreg s25  }
0x16: {  	s23 =	smov.u32 s4;
	s3 =	sadd.s32 $0x7D00, s11;
	[dreg:$0xe] =	wrdreg s26  }
0x17: {  	s16 =	ssub.s32 $0x2, s0;
	s4 =	sadd.s32 $0x8980, s11;
	[dreg:$0xf] =	wrdreg s3  }
0x18: {  	s12 =	sshrl.u32 s16, $0x1;
	s15 =	sadd.s32 $0x9600, s11;
	[dreg:$0x10] =	wrdreg s4  }
0x19: {  	s12 =	ssub.s32 s16, s12;
	s16 =	sadd.s32 $0xA280, s11;
	[dreg:$0x11] =	wrdreg s15  }
0x1a: {  	[dreg:$0x12] =	wrdreg s16;
	s17 =	sadd.s32 $0xAF00, s11  }
0x1b: {  	s18 =	sadd.s32 $0xBB80, s11;
	[dreg:$0x13] =	wrdreg s17  }
0x1c: {  	s19 =	sadd.s32 $0xC800, s11;
	[dreg:$0x14] =	wrdreg s18  }
0x1d: {  	s20 =	sadd.s32 $0xD480, s11;
	[dreg:$0x15] =	wrdreg s19  }
0x1e: {  	s21 =	sadd.s32 $0xE100, s11;
	[dreg:$0x16] =	wrdreg s20  }
0x1f: {  	s28 =	simm.s32 $0x50;
	s22 =	sadd.s32 $0xED80, s11;
	[dreg:$0x17] =	wrdreg s21  }
0x20: {  	s30 =	simm.s32 $0x2940;
	s24 =	sadd.s32 $0xFA00, s11;
	[dreg:$0x18] =	wrdreg s22  }
0x21: {  	s0 =	sxor.u32 $0x1, s0;
	s25 =	sadd.s32 $0x10680, s11;
	[dreg:$0x19] =	wrdreg s24  }
0x22: {  	s0 =	smul.u32 $0x4E200, s0;
	s4 =	sadd.s32 $0x11300, s11;
	[dreg:$0x1a] =	wrdreg s25  }
0x23: {  	s26 =	smul.u32 $0x271000, s14;
	s14 =	sadd.s32 $0x11F80, s11;
	[dreg:$0x1b] =	wrdreg s4  }
0x24: {  	s31 =	simm.s32 $0xF0;
	s15 =	sadd.s32 $0x12C00, s11;
	[dreg:$0x1c] =	wrdreg s14  }
0x25: {  	s9 =	sadd.s32 s7, s0;
	s16 =	sshrl.u32 s1, $0x3;
	[dreg:$0x1d] =	wrdreg s15  }
0x26: {  	s17 =	sshrl.u32 s9, $0x3;
	s3 =	sadd.s32 s6, s16;
	s19 =	sadd.s32 $0x1FA00, s10  }
0x27: {  	s20 =	sadd.s32 $0x15C00, s2;
	s21 =	smax.u32 s12, $0x1;
	s4 =	smov.u32 s1  }
0x28: {  	s12 =	simm.s32 $0x5140;
	s15 =	simm.s32 $0x9;
	[smem:$0x7F7] =	sst s19  }
0x29: {  	s16 =	simm.s32 $0x85C0;
	s14 =	simm.s32 $0x5;
	[smem:$0x7F8] =	sst s20  }
0x2a: {  	s2 =	simm.s32 $0x0;
	s0 =	sshrl.u32 s26, $0x3;
	[smem:$0x7F9] =	sst s21  }
0x2b: {  	s18 =	sadd.s32 s6, s17;
	s22 =	sadd.s32 $0xA, s3;
	[dreg:$0x1e] =	wrdreg s3  }
0x2c: {  	s25 =	sadd.s32 $0x14, s3;
	s26 =	sadd.s32 $0x140, s1;
	s3 =	simm.s32 $0x1  }
0x2d: {  	s17 =	simm.s32 $0x2;
	s19 =	simm.s32 $0x7;
	[smem:$0x7FA] =	sst s22  }
0x2e: {  	s20 =	simm.s32 $0xA;
	s21 =	simm.s32 $0x6;
	[dreg:$0x1f] =	wrdreg s18  }
0x2f: {  	s0 =	sadd.s32 s29, s0;
	s24 =	sadd.s32 $0xA, s18;
	[smem:$0x7FC] =	sst s25  }
0x30: {  	[smem:$0x7FD] =	sst s26;
	s25 =	simm.s32 $0xB;
	s26 =	simm.s32 $0xA0  }
0x31: {  	s18 =	simm.s32 $0x3;
	s0 =	sadd.s32 $0x500, s0;
	[smem:$0x7FB] =	sst s24  }
0x32: {  	v0 =	vimm.f32 $0.0e+00;
	v1 =	vimm.f32 $1.000000000e+00;
	s22 =	simm.s32 $0x8;
	[smem:$0x7F6] =	sst s0;
	s0 =	simm.s32 $0x4  }
.LBB2_1:
0x33: {  	[smem:$0x7F4] =	sst s2;
	s2 =	simm.s32 $0x0;
	s8 =	simm.s32 $0x200  }
.LBB2_2:
0x34: {  	p0 =	sne.s32 s8, $0x3000;
	[tilespmem:s2+$0x79B0] =	vst v0  }
0x35: {  	[tilespmem:s2+$0x7940] =	vst v0  }
0x36: {  	[tilespmem:s2+$0x7950] =	vst v0  }
.Ltmp0:
0x37: {  	[tilespmem:s2+$0x7960] =	vst v0;
	(pc) =	sbr.rel @p0 .LBB2_2-.Ltmp0, $4  }
0x38: {  	[tilespmem:s2+$0x7970] =	vst v0  }
0x39: {  	[tilespmem:s2+$0x7980] =	vst v0  }
0x3a: {  	[tilespmem:s2+$0x7990] =	vst v0  }
0x3b: {  	[tilespmem:s2+$0x79A0] =	vst v0;
	s2 =	sshra.s32 s8, $0x2;
	s8 =	sadd.s32 $0x200, s8  }
0x3c: {  	[tilespmem:s2+$0x79B0] =	vst v0  }
0x3d: {  	[tilespmem:s2+$0x7940] =	vst v0  }
0x3e: {  	[tilespmem:s2+$0x7950] =	vst v0  }
0x3f: {  	[tilespmem:s2+$0x7960] =	vst v0  }
0x40: {  	[tilespmem:s2+$0x7970] =	vst v0  }
0x41: {  	[tilespmem:s2+$0x7980] =	vst v0  }
0x42: {  	[tilespmem:s2+$0x7990] =	vst v0  }
0x43: {  	[tilespmem:s2+$0x79A0] =	vst v0;
	s2 =	simm.s32 $0x40;
	s8 =	simm.s32 $0x0  }
.LBB2_4:
0x44: {  	p0 =	sne.s32 s2, $0x9C00;
	[tilespmem:s8+$0x85C0] =	vst v0;
	s8 =	smov.u32 s2;
	s2 =	sadd.s32 $0x40, s2  }
.Ltmp1:
0x45: {  	(pc) =	sbr.rel @p0 .LBB2_4-.Ltmp1, $2  }
0x46: {  	_ =	sdelay $0x2  }
0x47: {  	s8 =	sshra.s32 s8, $0x2  }
0x48: {  	[tilespmem:s8+$0x85C0] =	vst v0  }
0x49: {  	s2 =	simm.s32 $0x7940;
	_ =	strace $0x80000048  }
0x4a: {  	[spmem:s13] =	stream.linear.scatter [tilespmem:s2], [sflag:$0xB], $0xC80, $0x200038;
	[tilespmem:$0x1E550] =	vst v63  }
0x4b: {  	_ =	swait.ge [sflag:s25], $0xC80  }
0x4c: {  	[sflag:s25] =	ssyncset.done $0x0  }
0x4d: {  	s1 =	rddreg [dreg:$0x6];
	[sflag:s25] =	ssyncadd.s32 $0xFFFFF380  }
0x4e: {  	[spmem:s1] =	stream.linear.scatter [tilespmem:s2], [sflag:$0xB], $0xC80, $0x200038;
	[tilespmem:$0x1E550] =	vst v63  }
0x4f: {  	_ =	swait.ge [sflag:s25], $0xC80  }
0x50: {  	[sflag:s25] =	ssyncset.done $0x0  }
0x51: {  	s11 =	rddreg [dreg:$0x7];
	[sflag:s25] =	ssyncadd.s32 $0xFFFFF380  }
0x52: {  	[spmem:s11] =	stream.linear.scatter [tilespmem:s2], [sflag:$0xB], $0xC80, $0x200038;
	[tilespmem:$0x1E550] =	vst v63  }
0x53: {  	_ =	swait.ge [sflag:s25], $0xC80  }
0x54: {  	[sflag:s25] =	ssyncset.done $0x0  }
0x55: {  	s13 =	rddreg [dreg:$0x8];
	[sflag:s25] =	ssyncadd.s32 $0xFFFFF380  }
0x56: {  	[spmem:s13] =	stream.linear.scatter [tilespmem:s2], [sflag:$0xB], $0xC80, $0x200038;
	[tilespmem:$0x1E550] =	vst v63  }
0x57: {  	_ =	swait.ge [sflag:s25], $0xC80  }
0x58: {  	[sflag:s25] =	ssyncset.done $0x0  }
0x59: {  	s24 =	rddreg [dreg:$0x9];
	[sflag:s25] =	ssyncadd.s32 $0xFFFFF380  }
0x5a: {  	[spmem:s24] =	stream.linear.scatter [tilespmem:s2], [sflag:$0xB], $0xC80, $0x200038;
	[tilespmem:$0x1E550] =	vst v63  }
0x5b: {  	_ =	swait.ge [sflag:s25], $0xC80  }
0x5c: {  	[sflag:s25] =	ssyncset.done $0x0  }
0x5d: {  	s8 =	rddreg [dreg:$0xa];
	[sflag:s25] =	ssyncadd.s32 $0xFFFFF380  }
0x5e: {  	[spmem:s8] =	stream.linear.scatter [tilespmem:s2], [sflag:$0xB], $0xC80, $0x200038;
	[tilespmem:$0x1E550] =	vst v63  }
0x5f: {  	_ =	swait.ge [sflag:s25], $0xC80  }
0x60: {  	[sflag:s25] =	ssyncset.done $0x0  }
0x61: {  	s10 =	rddreg [dreg:$0xb];
	[sflag:s25] =	ssyncadd.s32 $0xFFFFF380  }
0x62: {  	[spmem:s10] =	stream.linear.scatter [tilespmem:s2], [sflag:$0xB], $0xC80, $0x200038;
	[tilespmem:$0x1E550] =	vst v63  }
0x63: {  	_ =	swait.ge [sflag:s25], $0xC80  }
0x64: {  	[sflag:s25] =	ssyncset.done $0x0  }
0x65: {  	s11 =	rddreg [dreg:$0xc];
	[sflag:s25] =	ssyncadd.s32 $0xFFFFF380  }
0x66: {  	[spmem:s11] =	stream.linear.scatter [tilespmem:s2], [sflag:$0xB], $0xC80, $0x200038;
	[tilespmem:$0x1E550] =	vst v63  }
0x67: {  	_ =	swait.ge [sflag:s25], $0xC80  }
0x68: {  	[sflag:s25] =	ssyncset.done $0x0  }
0x69: {  	s13 =	rddreg [dreg:$0xd];
	[sflag:s25] =	ssyncadd.s32 $0xFFFFF380  }
0x6a: {  	[spmem:s13] =	stream.linear.scatter [tilespmem:s2], [sflag:$0xB], $0xC80, $0x200038;
	[tilespmem:$0x1E550] =	vst v63  }
0x6b: {  	_ =	swait.ge [sflag:s25], $0xC80  }
0x6c: {  	[sflag:s25] =	ssyncset.done $0x0  }
0x6d: {  	s24 =	rddreg [dreg:$0xe];
	[sflag:s25] =	ssyncadd.s32 $0xFFFFF380  }
0x6e: {  	[spmem:s24] =	stream.linear.scatter [tilespmem:s2], [sflag:$0xB], $0xC80, $0x200038;
	[tilespmem:$0x1E550] =	vst v63  }
0x6f: {  	_ =	swait.ge [sflag:s25], $0xC80  }
0x70: {  	[sflag:s25] =	ssyncset.done $0x0  }
0x71: {  	s8 =	rddreg [dreg:$0xf];
	[sflag:s25] =	ssyncadd.s32 $0xFFFFF380  }
0x72: {  	[spmem:s8] =	stream.linear.scatter [tilespmem:s2], [sflag:$0xB], $0xC80, $0x200038;
	[tilespmem:$0x1E550] =	vst v63  }
0x73: {  	_ =	swait.ge [sflag:s25], $0xC80  }
0x74: {  	[sflag:s25] =	ssyncset.done $0x0  }
0x75: {  	s10 =	rddreg [dreg:$0x10];
	[sflag:s25] =	ssyncadd.s32 $0xFFFFF380  }
0x76: {  	[spmem:s10] =	stream.linear.scatter [tilespmem:s2], [sflag:$0xB], $0xC80, $0x200038;
	[tilespmem:$0x1E550] =	vst v63  }
0x77: {  	_ =	swait.ge [sflag:s25], $0xC80  }
0x78: {  	[sflag:s25] =	ssyncset.done $0x0  }
0x79: {  	s11 =	rddreg [dreg:$0x11];
	[sflag:s25] =	ssyncadd.s32 $0xFFFFF380  }
0x7a: {  	[spmem:s11] =	stream.linear.scatter [tilespmem:s2], [sflag:$0xB], $0xC80, $0x200038;
	[tilespmem:$0x1E550] =	vst v63  }
0x7b: {  	_ =	swait.ge [sflag:s25], $0xC80  }
0x7c: {  	[sflag:s25] =	ssyncset.done $0x0  }
0x7d: {  	s13 =	rddreg [dreg:$0x12];
	[sflag:s25] =	ssyncadd.s32 $0xFFFFF380  }
0x7e: {  	[spmem:s13] =	stream.linear.scatter [tilespmem:s2], [sflag:$0xB], $0xC80, $0x200038;
	[tilespmem:$0x1E550] =	vst v63  }
0x7f: {  	_ =	swait.ge [sflag:s25], $0xC80  }
0x80: {  	[sflag:s25] =	ssyncset.done $0x0  }
0x81: {  	s24 =	rddreg [dreg:$0x13];
	[sflag:s25] =	ssyncadd.s32 $0xFFFFF380  }
0x82: {  	[spmem:s24] =	stream.linear.scatter [tilespmem:s2], [sflag:$0xB], $0xC80, $0x200038;
	[tilespmem:$0x1E550] =	vst v63  }
0x83: {  	_ =	swait.ge [sflag:s25], $0xC80  }
0x84: {  	[sflag:s25] =	ssyncset.done $0x0  }
0x85: {  	s8 =	rddreg [dreg:$0x14];
	[sflag:s25] =	ssyncadd.s32 $0xFFFFF380  }
0x86: {  	[spmem:s8] =	stream.linear.scatter [tilespmem:s2], [sflag:$0xB], $0xC80, $0x200038;
	[tilespmem:$0x1E550] =	vst v63  }
0x87: {  	_ =	swait.ge [sflag:s25], $0xC80  }
0x88: {  	[sflag:s25] =	ssyncset.done $0x0  }
0x89: {  	s10 =	rddreg [dreg:$0x15];
	[sflag:s25] =	ssyncadd.s32 $0xFFFFF380  }
0x8a: {  	[spmem:s10] =	stream.linear.scatter [tilespmem:s2], [sflag:$0xB], $0xC80, $0x200038;
	[tilespmem:$0x1E550] =	vst v63  }
0x8b: {  	_ =	swait.ge [sflag:s25], $0xC80  }
0x8c: {  	[sflag:s25] =	ssyncset.done $0x0  }
0x8d: {  	s11 =	rddreg [dreg:$0x16];
	[sflag:s25] =	ssyncadd.s32 $0xFFFFF380  }
0x8e: {  	[spmem:s11] =	stream.linear.scatter [tilespmem:s2], [sflag:$0xB], $0xC80, $0x200038;
	[tilespmem:$0x1E550] =	vst v63  }
0x8f: {  	_ =	swait.ge [sflag:s25], $0xC80  }
0x90: {  	[sflag:s25] =	ssyncset.done $0x0  }
0x91: {  	s13 =	rddreg [dreg:$0x17];
	[sflag:s25] =	ssyncadd.s32 $0xFFFFF380  }
0x92: {  	[spmem:s13] =	stream.linear.scatter [tilespmem:s2], [sflag:$0xB], $0xC80, $0x200038;
	[tilespmem:$0x1E550] =	vst v63  }
0x93: {  	_ =	swait.ge [sflag:s25], $0xC80  }
0x94: {  	[sflag:s25] =	ssyncset.done $0x0  }
0x95: {  	s24 =	rddreg [dreg:$0x18];
	[sflag:s25] =	ssyncadd.s32 $0xFFFFF380  }
0x96: {  	[spmem:s24] =	stream.linear.scatter [tilespmem:s2], [sflag:$0xB], $0xC80, $0x200038;
	[tilespmem:$0x1E550] =	vst v63  }
0x97: {  	_ =	swait.ge [sflag:s25], $0xC80  }
0x98: {  	[sflag:s25] =	ssyncset.done $0x0  }
0x99: {  	s8 =	rddreg [dreg:$0x19];
	[sflag:s25] =	ssyncadd.s32 $0xFFFFF380  }
0x9a: {  	[spmem:s8] =	stream.linear.scatter [tilespmem:s2], [sflag:$0xB], $0xC80, $0x200038;
	[tilespmem:$0x1E550] =	vst v63  }
0x9b: {  	_ =	swait.ge [sflag:s25], $0xC80  }
0x9c: {  	[sflag:s25] =	ssyncset.done $0x0  }
0x9d: {  	s10 =	rddreg [dreg:$0x1a];
	[sflag:s25] =	ssyncadd.s32 $0xFFFFF380  }
0x9e: {  	[spmem:s10] =	stream.linear.scatter [tilespmem:s2], [sflag:$0xB], $0xC80, $0x200038;
	[tilespmem:$0x1E550] =	vst v63  }
0x9f: {  	_ =	swait.ge [sflag:s25], $0xC80  }
0xa0: {  	[sflag:s25] =	ssyncset.done $0x0  }
0xa1: {  	s11 =	rddreg [dreg:$0x1b];
	[sflag:s25] =	ssyncadd.s32 $0xFFFFF380  }
0xa2: {  	[spmem:s11] =	stream.linear.scatter [tilespmem:s2], [sflag:$0xB], $0xC80, $0x200038;
	[tilespmem:$0x1E550] =	vst v63  }
0xa3: {  	_ =	swait.ge [sflag:s25], $0xC80  }
0xa4: {  	[sflag:s25] =	ssyncset.done $0x0  }
0xa5: {  	s13 =	rddreg [dreg:$0x1c];
	[sflag:s25] =	ssyncadd.s32 $0xFFFFF380  }
0xa6: {  	[spmem:s13] =	stream.linear.scatter [tilespmem:s2], [sflag:$0xB], $0xC80, $0x200038;
	[tilespmem:$0x1E550] =	vst v63  }
0xa7: {  	_ =	swait.ge [sflag:s25], $0xC80  }
0xa8: {  	[sflag:s25] =	ssyncset.done $0x0  }
0xa9: {  	s24 =	rddreg [dreg:$0x1d];
	[sflag:s25] =	ssyncadd.s32 $0xFFFFF380  }
0xaa: {  	[spmem:s24] =	stream.linear.scatter [tilespmem:s2], [sflag:$0xB], $0xC80, $0x200038;
	[tilespmem:$0x1E550] =	vst v63  }
0xab: {  	_ =	swait.ge [sflag:s25], $0xC80  }
0xac: {  	[sflag:s25] =	ssyncset.done $0x0  }
0xad: {  	[sflag:s25] =	ssyncadd.s32 $0xFFFFF380  }
0xae: {  	[bflag:$0x0] =	sbarrier.arrive $0xFFFF  }
0xaf: {  	_ =	strace $0x90000048  }
0xb0: {  	s8 =	rddreg [dreg:$0x1e]  }
0xb1: {  	[tilespmem:s5], [sflag:$0xB] =	stream.linear.gather [hbm4b:s8+s5], $0x50, $0x38;
	[tilespmem:$0x1E550] =	vst v63  }
0xb2: {  	_ =	swait.ge [sflag:s25], $0x50  }
0xb3: {  	[sflag:s25] =	ssyncset.done $0x0  }
0xb4: {  	s10 =	rddreg [dreg:$0x1f];
	[sflag:s25] =	ssyncadd.s32 $0xFFFFFFB0  }
0xb5: {  	[tilespmem:s26], [sflag:$0xB] =	stream.linear.gather [hbm4b:s10+s5], $0x50, $0x38;
	[tilespmem:$0x1E550] =	vst v63  }
0xb6: {  	_ =	swait.ge [sflag:s25], $0x50  }
0xb7: {  	[sflag:s25] =	ssyncset.done $0x0  }
0xb8: {  	s13 =	sld [smem:$0x7F5];
	[sflag:s25] =	ssyncadd.s32 $0xFFFFFFB0  }
0xb9: {  	s11 =	simm.s32 $0x140;
	s1 =	rddreg [dreg:$0x0]  }
0xba: {  	[tilespmem:s11], [sflag:$0x1] =	stream.indirect.gather [hbm4b:s1+s28], $0x40, s5, s28, $0xb8;
	[tilespmem:$0x1E550] =	vst v63  }
0xbb: {  	s24 =	sld [smem:$0x7FA]  }
0xbc: {  	[tilespmem:s30], [sflag:$0x9] =	stream.linear.gather [hbm4b:s13+s5], $0x2800, $0x38;
	[tilespmem:$0x1E550] =	vst v63  }
0xbd: {  	s8 =	sld [smem:$0x7FB]  }
0xbe: {  	[tilespmem:s28], [sflag:$0x4] =	stream.linear.gather [hbm4b:s24+s5], $0x50, $0x38;
	[tilespmem:$0x1E550] =	vst v63  }
0xbf: {  	_ = 	snop  }
0xc0: {  	[tilespmem:s31], [sflag:$0x6] =	stream.linear.gather [hbm4b:s8+s5], $0x50, $0x38;
	[tilespmem:$0x1E550] =	vst v63  }
0xc1: {  	_ =	swait.ge [sflag:s3], $0x1400  }
0xc2: {  	[sflag:s3] =	ssyncset.done $0x0  }
0xc3: {  	[sflag:s3] =	ssyncadd.s32 $0xFFFFEC00  }
0xc4: {  	_ =	swait.ge [sflag:s0], $0x50  }
0xc5: {  	[sflag:s0] =	ssyncset.done $0x0  }
0xc6: {  	s10 =	simm.s32 $0x1540;
	s11 =	sld [smem:$0x7FC];
	[sflag:s0] =	ssyncadd.s32 $0xFFFFFFB0  }
0xc7: {  	[tilespmem:s10], [sflag:$0x2] =	stream.indirect.gather [hbm4b:s1+s28], $0x40, s28, s28, $0xb8;
	[tilespmem:$0x1E550] =	vst v63  }
0xc8: {  	s13 =	sld [smem:$0x7F6]  }
0xc9: {  	[tilespmem:s5], [sflag:$0x3] =	stream.linear.gather [hbm4b:s11+s5], $0x50, $0x38;
	[tilespmem:$0x1E550] =	vst v63  }
0xca: {  	_ = 	snop  }
0xcb: {  	[tilespmem:s12], [sflag:$0xA] =	stream.linear.gather [hbm4b:s13+s5], $0x2800, $0x38;
	[tilespmem:$0x1E550] =	vst v63  }
0xcc: {  	_ =	swait.ge [sflag:s15], $0x2800  }
0xcd: {  	[sflag:s15] =	ssyncset.done $0x0  }
0xce: {  	s24 =	simm.s32 $0x1C0;
	[sflag:s15] =	ssyncadd.s32 $0xFFFFD800  }
0xcf: {  	s10 =	simm.s32 $0x2A40;
	v2 =	vld [tilespmem:s24+$0x40]  }
0xd0: {  	v3 =	vld [tilespmem:s10+$0x80]  }
0xd1: {  	v4 =	vld [tilespmem:s10+$0xC0]  }
0xd2: {  	v5 =	vld [tilespmem:s24+$0xFFFFFFC0]  }
0xd3: {  	v6 =	vld [tilespmem:s24+$0x0]  }
0xd4: {  	v7 =	vld [tilespmem:s24+$0xFFFFFF80];
	v8 =	vshll.u32 v2, $0x10  }
0xd5: {  	v9 =	vld [tilespmem:s10+$0xFFFFFF00];
	v2 =	vand.u32 $0xFFFF0000, v2;
	v3 =	vsub.f32 v8, v3  }
0xd6: {  	v8 =	vld [tilespmem:s10+$0xFFFFFF40];
	v2 =	vsub.f32 v2, v4  }
0xd7: {  	v4 =	vld [tilespmem:s10+$0xFFFFFF80];
	[tilespmem:s10+$0x80] =	vst v3  }
0xd8: {  	v3 =	vld [tilespmem:s10+$0xFFFFFFC0];
	[tilespmem:s10+$0xC0] =	vst v2  }
0xd9: {  	v2 =	vshll.u32 v7, $0x10;
	v10 =	vld [tilespmem:s24+$0x50]  }
0xda: {  	v7 =	vand.u32 $0xFFFF0000, v7;
	v2 =	vsub.f32 v2, v9;
	v9 =	vld [tilespmem:s10+$0x90]  }
0xdb: {  	v11 =	vshll.u32 v5, $0x10;
	v7 =	vsub.f32 v7, v8;
	v8 =	vld [tilespmem:s10+$0xD0]  }
0xdc: {  	v5 =	vand.u32 $0xFFFF0000, v5;
	[tilespmem:s10+$0xFFFFFF00] =	vst v2;
	v2 =	vsub.f32 v11, v4;
	v4 =	vld [tilespmem:s10+$0x0]  }
0xdd: {  	v11 =	vld [tilespmem:s10+$0xFFFFFF10];
	[tilespmem:s10+$0xFFFFFF40] =	vst v7;
	v3 =	vsub.f32 v5, v3  }
0xde: {  	v5 =	vld [tilespmem:s10+$0x40];
	[tilespmem:s10+$0xFFFFFF80] =	vst v2;
	v2 =	vshll.u32 v10, $0x10  }
0xdf: {  	v7 =	vld [tilespmem:s24+$0xFFFFFF90];
	[tilespmem:s10+$0xFFFFFFC0] =	vst v3;
	v3 =	vand.u32 $0xFFFF0000, v10;
	v2 =	vsub.f32 v2, v9  }
0xe0: {  	v10 =	vld [tilespmem:s10+$0xFFFFFF50];
	v3 =	vsub.f32 v3, v8  }
0xe1: {  	v9 =	vld [tilespmem:s24+$0xFFFFFFD0];
	v8 =	vshll.u32 v6, $0x10;
	[tilespmem:s10+$0x90] =	vst v2  }
0xe2: {  	v2 =	vand.u32 $0xFFFF0000, v6;
	v4 =	vsub.f32 v8, v4;
	v6 =	vld [tilespmem:s10+$0xFFFFFF90];
	[tilespmem:s10+$0xD0] =	vst v3  }
0xe3: {  	v2 =	vsub.f32 v2, v5;
	v3 =	vld [tilespmem:s24+$0x60]  }
0xe4: {  	[tilespmem:s10+$0x0] =	vst v4;
	v4 =	vld [tilespmem:s10+$0xA0]  }
0xe5: {  	v5 =	vshll.u32 v7, $0x10;
	v7 =	vand.u32 $0xFFFF0000, v7;
	[tilespmem:s10+$0x40] =	vst v2;
	v2 =	vld [tilespmem:s10+$0xE0]  }
0xe6: {  	v5 =	vsub.f32 v5, v11;
	v7 =	vsub.f32 v7, v10;
	v10 =	vld [tilespmem:s10+$0xFFFFFFD0]  }
0xe7: {  	v8 =	vld [tilespmem:s24+$0x10]  }
0xe8: {  	[tilespmem:s10+$0xFFFFFF10] =	vst v5;
	v5 =	vld [tilespmem:s10+$0x10];
	v11 =	vshll.u32 v3, $0x10  }
0xe9: {  	[tilespmem:s10+$0xFFFFFF50] =	vst v7;
	v7 =	vld [tilespmem:s10+$0x50];
	v3 =	vand.u32 $0xFFFF0000, v3;
	v4 =	vsub.f32 v11, v4  }
0xea: {  	v12 =	vld [tilespmem:s24+$0xFFFFFFA0];
	v11 =	vshll.u32 v9, $0x10;
	v2 =	vsub.f32 v3, v2  }
0xeb: {  	v3 =	vand.u32 $0xFFFF0000, v9;
	v9 =	vld [tilespmem:s10+$0xFFFFFF20];
	v6 =	vsub.f32 v11, v6;
	[tilespmem:s10+$0xA0] =	vst v4  }
0xec: {  	v11 =	vld [tilespmem:s10+$0xFFFFFF60];
	v3 =	vsub.f32 v3, v10;
	[tilespmem:s10+$0xE0] =	vst v2  }
0xed: {  	v4 =	vshll.u32 v8, $0x10;
	v2 =	vand.u32 $0xFFFF0000, v8;
	v8 =	vld [tilespmem:s10+$0xFFFFFFE0];
	[tilespmem:s10+$0xFFFFFF90] =	vst v6  }
0xee: {  	v4 =	vsub.f32 v4, v5;
	v10 =	vld [tilespmem:s24+$0x70];
	[tilespmem:s10+$0xFFFFFFD0] =	vst v3  }
0xef: {  	v2 =	vsub.f32 v2, v7;
	v3 =	vld [tilespmem:s24+$0xFFFFFFE0]  }
0xf0: {  	v6 =	vld [tilespmem:s10+$0xFFFFFFA0];
	[tilespmem:s10+$0x10] =	vst v4;
	v4 =	vshll.u32 v12, $0x10  }
0xf1: {  	v5 =	vld [tilespmem:s10+$0xF0];
	[tilespmem:s10+$0x50] =	vst v2;
	v2 =	vand.u32 $0xFFFF0000, v12;
	v4 =	vsub.f32 v4, v9  }
0xf2: {  	v7 =	vld [tilespmem:s24+$0x20];
	v2 =	vsub.f32 v2, v11  }
0xf3: {  	v9 =	vld [tilespmem:s10+$0x60];
	[tilespmem:s10+$0xFFFFFF20] =	vst v4  }
0xf4: {  	v4 =	vld [tilespmem:s10+$0x20];
	[tilespmem:s10+$0xFFFFFF60] =	vst v2;
	v2 =	vshll.u32 v3, $0x10  }
0xf5: {  	v11 =	vld [tilespmem:s24+$0xFFFFFFB0];
	v2 =	vsub.f32 v2, v6  }
0xf6: {  	v3 =	vand.u32 $0xFFFF0000, v3;
	v6 =	vld [tilespmem:s10+$0xFFFFFF30]  }
0xf7: {  	v8 =	vsub.f32 v3, v8;
	v63 =	vshll.u32 v7, $0x10;
	v7 =	vand.u32 $0xFFFF0000, v7;
	[tilespmem:s10+$0xFFFFFFA0] =	vst v2;
	v2 =	vld [tilespmem:s10+$0xFFFFFF70]  }
0xf8: {  	v3 =	vld [tilespmem:s10+$0xFFFFFFB0];
	v7 =	vsub.f32 v7, v9  }
0xf9: {  	[tilespmem:s10+$0xFFFFFFE0] =	vst v8;
	v8 =	vand.u32 $0xFFFF0000, v10;
	v12 =	vsub.f32 v63, v4;
	v4 =	vld [tilespmem:s10+$0xFFFFFFF0]  }
0xfa: {  	v9 =	vsub.f32 v8, v5;
	v8 =	vld [tilespmem:s24+$0xFFFFFFF0];
	v5 =	vshll.u32 v11, $0x10;
	[tilespmem:s10+$0x60] =	vst v7  }
0xfb: {  	v7 =	vand.u32 $0xFFFF0000, v11;
	[tilespmem:s10+$0x20] =	vst v12;
	v6 =	vsub.f32 v5, v6;
	v5 =	vld [tilespmem:s10+$0x30]  }
0xfc: {  	[tilespmem:s10+$0xF0] =	vst v9;
	v9 =	vld [tilespmem:s24+$0x30];
	v7 =	vsub.f32 v7, v2  }
0xfd: {  	[tilespmem:s10+$0xFFFFFF30] =	vst v6;
	v6 =	vld [tilespmem:s10+$0x70]  }
0xfe: {  	s2 =	simm.s32 $0x2C0;
	s11 =	simm.s32 $0x0;
	s13 =	simm.s32 $0x2A40;
	v2 =	vshll.u32 v10, $0x10;
	[tilespmem:s10+$0xFFFFFF70] =	vst v7;
	v7 =	vld [tilespmem:s10+$0xB0]  }
.LBB2_6:
0xff: {  	v10 =	vld [tilespmem:s2+$0x40];
	v11 =	vshll.u32 v8, $0x10;
	v8 =	vand.u32 $0xFFFF0000, v8;
	s10 =	sadd.s32 $0x200, s10  }
0x100: {  	v12 =	vld [tilespmem:s10+$0x80];
	v3 =	vsub.f32 v11, v3;
	v4 =	vsub.f32 v8, v4  }
0x101: {  	v8 =	vld [tilespmem:s10+$0xC0];
	v11 =	vshll.u32 v9, $0x10;
	v9 =	vand.u32 $0xFFFF0000, v9  }
0x102: {  	s11 =	sadd.s32 $0x4, s11;
	v13 =	vld [tilespmem:s2+$0xFFFFFFC0];
	[tilespmem:s13+$0xFFFFFFB0] =	vst v3;
	v3 =	vsub.f32 v11, v5;
	v5 =	vsub.f32 v9, v6  }
0x103: {  	p0 =	slt.u32 s11, $0x4C;
	v6 =	vld [tilespmem:s2+$0x0];
	[tilespmem:s13+$0xFFFFFFF0] =	vst v4;
	v2 =	vsub.f32 v2, v7  }
0x104: {  	v4 =	vld [tilespmem:s2+$0xFFFFFF80];
	v7 =	vshll.u32 v10, $0x10;
	[tilespmem:s13+$0x30] =	vst v3  }
0x105: {  	v9 =	vand.u32 $0xFFFF0000, v10;
	v3 =	vld [tilespmem:s10+$0xFFFFFF00];
	v7 =	vsub.f32 v7, v12;
	[tilespmem:s13+$0x70] =	vst v5  }
0x106: {  	v5 =	vld [tilespmem:s10+$0xFFFFFF40];
	v8 =	vsub.f32 v9, v8;
	[tilespmem:s13+$0xB0] =	vst v2;
	s13 =	smov.u32 s10  }
0x107: {  	v2 =	vshll.u32 v13, $0x10;
	v9 =	vand.u32 $0xFFFF0000, v13;
	v10 =	vld [tilespmem:s10+$0xFFFFFF80];
	[tilespmem:s10+$0x80] =	vst v7  }
0x108: {  	v7 =	vld [tilespmem:s10+$0xFFFFFFC0];
	v11 =	vshll.u32 v6, $0x10;
	v6 =	vand.u32 $0xFFFF0000, v6;
	[tilespmem:s10+$0xC0] =	vst v8  }
0x109: {  	v8 =	vshll.u32 v4, $0x10;
	v4 =	vand.u32 $0xFFFF0000, v4;
	v12 =	vld [tilespmem:s2+$0x50]  }
0x10a: {  	v3 =	vsub.f32 v8, v3;
	v8 =	vld [tilespmem:s10+$0x90]  }
0x10b: {  	v4 =	vsub.f32 v4, v5;
	v5 =	vld [tilespmem:s10+$0xD0]  }
0x10c: {  	[tilespmem:s10+$0xFFFFFF00] =	vst v3;
	v2 =	vsub.f32 v2, v10;
	v3 =	vld [tilespmem:s10+$0x0]  }
0x10d: {  	[tilespmem:s10+$0xFFFFFF40] =	vst v4;
	v4 =	vsub.f32 v9, v7;
	v7 =	vld [tilespmem:s10+$0x40]  }
0x10e: {  	v9 =	vld [tilespmem:s2+$0xFFFFFF90];
	[tilespmem:s10+$0xFFFFFF80] =	vst v2;
	v2 =	vshll.u32 v12, $0x10  }
0x10f: {  	v10 =	vld [tilespmem:s10+$0xFFFFFF10];
	[tilespmem:s10+$0xFFFFFFC0] =	vst v4;
	v4 =	vand.u32 $0xFFFF0000, v12;
	v2 =	vsub.f32 v2, v8  }
0x110: {  	v8 =	vld [tilespmem:s2+$0xFFFFFFD0];
	v4 =	vsub.f32 v4, v5  }
0x111: {  	v5 =	vld [tilespmem:s10+$0xFFFFFF50];
	v3 =	vsub.f32 v11, v3;
	[tilespmem:s10+$0x90] =	vst v2  }
0x112: {  	v2 =	vld [tilespmem:s10+$0xFFFFFF90];
	v6 =	vsub.f32 v6, v7;
	[tilespmem:s10+$0xD0] =	vst v4  }
0x113: {  	v4 =	vshll.u32 v9, $0x10;
	v7 =	vand.u32 $0xFFFF0000, v9;
	[tilespmem:s10+$0x0] =	vst v3;
	v3 =	vld [tilespmem:s2+$0x60]  }
0x114: {  	v4 =	vsub.f32 v4, v10;
	[tilespmem:s10+$0x40] =	vst v6;
	v6 =	vld [tilespmem:s10+$0xA0]  }
0x115: {  	v9 =	vshll.u32 v8, $0x10;
	v8 =	vand.u32 $0xFFFF0000, v8;
	v10 =	vld [tilespmem:s10+$0xE0]  }
0x116: {  	[tilespmem:s10+$0xFFFFFF10] =	vst v4;
	v4 =	vsub.f32 v7, v5;
	v5 =	vld [tilespmem:s2+$0x10]  }
0x117: {  	v2 =	vsub.f32 v9, v2;
	v7 =	vld [tilespmem:s10+$0xFFFFFFD0]  }
0x118: {  	[tilespmem:s10+$0xFFFFFF50] =	vst v4;
	v4 =	vld [tilespmem:s10+$0x10];
	v9 =	vshll.u32 v3, $0x10  }
0x119: {  	v3 =	vand.u32 $0xFFFF0000, v3;
	[tilespmem:s10+$0xFFFFFF90] =	vst v2;
	v2 =	vld [tilespmem:s10+$0x50];
	v6 =	vsub.f32 v9, v6  }
0x11a: {  	v9 =	vld [tilespmem:s2+$0xFFFFFFA0];
	v3 =	vsub.f32 v3, v10  }
0x11b: {  	v10 =	vld [tilespmem:s10+$0xFFFFFF20];
	v11 =	vshll.u32 v5, $0x10;
	v5 =	vand.u32 $0xFFFF0000, v5;
	[tilespmem:s10+$0xA0] =	vst v6  }
0x11c: {  	v6 =	vld [tilespmem:s10+$0xFFFFFF60];
	v7 =	vsub.f32 v8, v7;
	[tilespmem:s10+$0xE0] =	vst v3  }
0x11d: {  	v3 =	vsub.f32 v11, v4;
	v4 =	vld [tilespmem:s2+$0x70]  }
0x11e: {  	[tilespmem:s10+$0xFFFFFFD0] =	vst v7;
	v2 =	vsub.f32 v5, v2;
	v5 =	vld [tilespmem:s10+$0xF0]  }
0x11f: {  	v7 =	vshll.u32 v9, $0x10;
	v8 =	vand.u32 $0xFFFF0000, v9;
	v9 =	vld [tilespmem:s2+$0xFFFFFFE0];
	[tilespmem:s10+$0x10] =	vst v3  }
0x120: {  	v3 =	vsub.f32 v7, v10;
	v7 =	vld [tilespmem:s10+$0xFFFFFFA0];
	[tilespmem:s10+$0x50] =	vst v2  }
0x121: {  	v6 =	vsub.f32 v8, v6;
	v8 =	vld [tilespmem:s2+$0x20]  }
0x122: {  	[tilespmem:s10+$0xFFFFFF20] =	vst v3;
	v3 =	vld [tilespmem:s10+$0xFFFFFFE0];
	v2 =	vshll.u32 v4, $0x10;
	v4 =	vand.u32 $0xFFFF0000, v4  }
0x123: {  	[tilespmem:s10+$0xFFFFFF60] =	vst v6;
	v6 =	vld [tilespmem:s10+$0x20];
	v4 =	vsub.f32 v4, v5  }
0x124: {  	v5 =	vshll.u32 v9, $0x10;
	v9 =	vand.u32 $0xFFFF0000, v9;
	v10 =	vld [tilespmem:s10+$0x60]  }
0x125: {  	v11 =	vld [tilespmem:s2+$0xFFFFFFB0];
	v5 =	vsub.f32 v5, v7;
	[tilespmem:s10+$0xF0] =	vst v4  }
0x126: {  	v7 =	vld [tilespmem:s10+$0xFFFFFF30];
	v4 =	vshll.u32 v8, $0x10;
	v8 =	vand.u32 $0xFFFF0000, v8  }
0x127: {  	v12 =	vld [tilespmem:s10+$0xFFFFFF70];
	[tilespmem:s10+$0xFFFFFFA0] =	vst v5;
	v5 =	vsub.f32 v9, v3  }
0x128: {  	v3 =	vld [tilespmem:s10+$0xFFFFFFB0];
	v6 =	vsub.f32 v4, v6  }
0x129: {  	[tilespmem:s10+$0xFFFFFFE0] =	vst v5;
	v4 =	vld [tilespmem:s10+$0xFFFFFFF0];
	v5 =	vsub.f32 v8, v10  }
.Ltmp2:
0x12a: {  	v9 =	vshll.u32 v11, $0x10;
	v10 =	vand.u32 $0xFFFF0000, v11;
	v8 =	vld [tilespmem:s2+$0xFFFFFFF0];
	[tilespmem:s10+$0x20] =	vst v6;
	(pc) =	sbr.rel @p0 .LBB2_6-.Ltmp2, $4  }
0x12b: {  	v6 =	vsub.f32 v9, v7;
	[tilespmem:s10+$0x60] =	vst v5;
	v5 =	vld [tilespmem:s10+$0x30]  }
0x12c: {  	v7 =	vsub.f32 v10, v12;
	v9 =	vld [tilespmem:s2+$0x30]  }
0x12d: {  	[tilespmem:s10+$0xFFFFFF30] =	vst v6;
	v6 =	vld [tilespmem:s10+$0x70]  }
0x12e: {  	s2 =	sadd.s32 $0x100, s2;
	[tilespmem:s10+$0xFFFFFF70] =	vst v7;
	v7 =	vld [tilespmem:s10+$0xB0]  }
0x12f: {  	v10 =	vshll.u32 v8, $0x10  }
0x130: {  	v60 =	vand.u32 $0xFFFF0000, v8;
	v3 =	vsub.f32 v10, v3  }
0x131: {  	v4 =	vsub.f32 v60, v4;
	v61 =	vshll.u32 v9, $0x10  }
0x132: {  	v62 =	vand.u32 $0xFFFF0000, v9;
	[tilespmem:s13+$0xFFFFFFB0] =	vst v3;
	v3 =	vsub.f32 v61, v5  }
0x133: {  	v63 =	vsub.f32 v62, v6;
	[tilespmem:s13+$0xFFFFFFF0] =	vst v4  }
0x134: {  	v2 =	vsub.f32 v2, v7;
	[tilespmem:s13+$0x30] =	vst v3  }
0x135: {  	[tilespmem:s13+$0x70] =	vst v63  }
0x136: {  	[tilespmem:s13+$0xB0] =	vst v2  }
0x137: {  	[spmem:s23] =	stream.indirect.scatter.add.f32 [tilespmem:s30], [sflag:$0x7], $0x80, s26, s28, $0xb8;
	[tilespmem:$0x1E550] =	vst v63  }
0x138: {  	v2 =	vld [tilespmem:$0xA0];
	_ =	sdelay $0x7  }
0x139: {  	[tilespmem:v2+s16+$0x0] =	vst.idx.add.f32.msk $0xffff, v1  }
0x13a: {  	v2 =	vld [tilespmem:$0xB0];
	_ =	sdelay $0x7  }
0x13b: {  	[tilespmem:v2+s16+$0x0] =	vst.idx.add.f32.msk $0xffff, v1  }
0x13c: {  	v2 =	vld [tilespmem:$0xC0];
	_ =	sdelay $0x7  }
0x13d: {  	[tilespmem:v2+s16+$0x0] =	vst.idx.add.f32.msk $0xffff, v1  }
0x13e: {  	v2 =	vld [tilespmem:$0xD0];
	_ =	sdelay $0x7  }
0x13f: {  	[tilespmem:v2+s16+$0x0] =	vst.idx.add.f32.msk $0xffff, v1  }
0x140: {  	v2 =	vld [tilespmem:$0xE0];
	_ =	sdelay $0x7  }
0x141: {  	[tilespmem:v2+s16+$0x0] =	vst.idx.add.f32.msk $0xffff, v1  }
0x142: {  	s10 =	simm.s32 $0x0;
	_ =	strace $0x80000049  }
.LBB2_8:
0x143: {  	_ =	swait.ge [sflag:s17], $0x1400  }
0x144: {  	[sflag:s17] =	ssyncset.done $0x0  }
0x145: {  	[sflag:s17] =	ssyncadd.s32 $0xFFFFEC00  }
0x146: {  	s24 =	smul.u32 $0xA0, s10;
	_ =	swait.ge [sflag:s18], $0x50  }
0x147: {  	[sflag:s18] =	ssyncset.done $0x0  }
0x148: {  	s13 =	sadd.s32 $0xF0, s24;
	[sflag:s18] =	ssyncadd.s32 $0xFFFFFFB0  }
0x149: {  	s2 =	simm.s32 $0x140;
	s8 =	sadd.s32 s4, s13;
	s1 =	rddreg [dreg:$0x0]  }
0x14a: {  	[tilespmem:s2], [sflag:$0x1] =	stream.indirect.gather [hbm4b:s1+s28], $0x40, s5, s28, $0x2000b8;
	[tilespmem:$0x1E550] =	vst v63  }
0x14b: {  	s2 =	sshrl.u32 s8, $0x3  }
0x14c: {  	s11 =	sadd.s32 $0xA0, s24;
	s2 =	sadd.s32 s6, s2  }
0x14d: {  	[tilespmem:s28], [sflag:$0x4] =	stream.linear.gather [hbm4b:s2+s5], $0x50, $0x200038;
	[tilespmem:$0x1E550] =	vst v63  }
0x14e: {  	s8 =	sadd.s32 s7, s11;
	_ =	swait.ge [sflag:s19], $0x2800  }
0x14f: {  	s8 =	sshll.u32 s8, $0x4;
	s2 =	sadd.s32 s9, s11;
	[sflag:s19] =	ssyncset.done $0x0  }
0x150: {  	s8 =	sadd.s32 s29, s8;
	s2 =	sshrl.u32 s2, $0x3;
	[sflag:s19] =	ssyncadd.s32 $0xFFFFD800  }
0x151: {  	[tilespmem:s30], [sflag:$0x9] =	stream.linear.gather [hbm4b:s8+s5], $0x2800, $0x200038;
	[tilespmem:$0x1E550] =	vst v63  }
0x152: {  	s2 =	sadd.s32 s6, s2  }
0x153: {  	[tilespmem:s26], [sflag:$0x5] =	stream.linear.gather [hbm4b:s2+s5], $0x50, $0x200038;
	[tilespmem:$0x1E550] =	vst v63  }
0x154: {  	_ =	swait.ge [sflag:s20], $0x2800  }
0x155: {  	[sflag:s20] =	ssyncset.done $0x0  }
0x156: {  	s11 =	simm.s32 $0x1630;
	[sflag:s20] =	ssyncadd.s32 $0xFFFFD800  }
0x157: {  	s1 =	smov.u32 s29;
	s29 =	simm.s32 $0x5330;
	v2 =	vld [tilespmem:s11+$0xFFFFFFD0]  }
0x158: {  	v3 =	vld [tilespmem:s29+$0xFFFFFF90]  }
0x159: {  	v4 =	vld [tilespmem:s29+$0xFFFFFFD0]  }
0x15a: {  	v5 =	vld [tilespmem:s11+$0xFFFFFF50]  }
0x15b: {  	v6 =	vld [tilespmem:s11+$0xFFFFFF90]  }
0x15c: {  	v7 =	vld [tilespmem:s11+$0xFFFFFF10];
	v8 =	vshll.u32 v2, $0x10  }
0x15d: {  	v9 =	vld [tilespmem:s29+$0xFFFFFE10];
	v2 =	vand.u32 $0xFFFF0000, v2;
	v3 =	vsub.f32 v8, v3  }
0x15e: {  	v8 =	vld [tilespmem:s29+$0xFFFFFE50];
	v2 =	vsub.f32 v2, v4  }
0x15f: {  	v4 =	vld [tilespmem:s29+$0xFFFFFE90];
	[tilespmem:s29+$0xFFFFFF90] =	vst v3  }
0x160: {  	v3 =	vld [tilespmem:s29+$0xFFFFFED0];
	[tilespmem:s29+$0xFFFFFFD0] =	vst v2  }
0x161: {  	v2 =	vshll.u32 v7, $0x10;
	v10 =	vld [tilespmem:s11+$0xFFFFFFE0]  }
0x162: {  	v7 =	vand.u32 $0xFFFF0000, v7;
	v2 =	vsub.f32 v2, v9;
	v9 =	vld [tilespmem:s29+$0xFFFFFFA0]  }
0x163: {  	v11 =	vshll.u32 v5, $0x10;
	v7 =	vsub.f32 v7, v8;
	v8 =	vld [tilespmem:s29+$0xFFFFFFE0]  }
0x164: {  	v5 =	vand.u32 $0xFFFF0000, v5;
	[tilespmem:s29+$0xFFFFFE10] =	vst v2;
	v2 =	vsub.f32 v11, v4;
	v4 =	vld [tilespmem:s29+$0xFFFFFF10]  }
0x165: {  	v11 =	vld [tilespmem:s29+$0xFFFFFE20];
	[tilespmem:s29+$0xFFFFFE50] =	vst v7;
	v3 =	vsub.f32 v5, v3  }
0x166: {  	v5 =	vld [tilespmem:s29+$0xFFFFFF50];
	[tilespmem:s29+$0xFFFFFE90] =	vst v2;
	v2 =	vshll.u32 v10, $0x10  }
0x167: {  	v7 =	vld [tilespmem:s11+$0xFFFFFF20];
	[tilespmem:s29+$0xFFFFFED0] =	vst v3;
	v3 =	vand.u32 $0xFFFF0000, v10;
	v2 =	vsub.f32 v2, v9  }
0x168: {  	v10 =	vld [tilespmem:s29+$0xFFFFFE60];
	v3 =	vsub.f32 v3, v8  }
0x169: {  	v9 =	vld [tilespmem:s11+$0xFFFFFF60];
	v8 =	vshll.u32 v6, $0x10;
	[tilespmem:s29+$0xFFFFFFA0] =	vst v2  }
0x16a: {  	v2 =	vand.u32 $0xFFFF0000, v6;
	v4 =	vsub.f32 v8, v4;
	v6 =	vld [tilespmem:s29+$0xFFFFFEA0];
	[tilespmem:s29+$0xFFFFFFE0] =	vst v3  }
0x16b: {  	v2 =	vsub.f32 v2, v5;
	v3 =	vld [tilespmem:s11+$0xFFFFFFF0]  }
0x16c: {  	[tilespmem:s29+$0xFFFFFF10] =	vst v4;
	v4 =	vld [tilespmem:s29+$0xFFFFFFB0]  }
0x16d: {  	v5 =	vshll.u32 v7, $0x10;
	v7 =	vand.u32 $0xFFFF0000, v7;
	[tilespmem:s29+$0xFFFFFF50] =	vst v2;
	v2 =	vld [tilespmem:s29+$0xFFFFFFF0]  }
0x16e: {  	v5 =	vsub.f32 v5, v11;
	v7 =	vsub.f32 v7, v10;
	v10 =	vld [tilespmem:s29+$0xFFFFFEE0]  }
0x16f: {  	v8 =	vld [tilespmem:s11+$0xFFFFFFA0]  }
0x170: {  	[tilespmem:s29+$0xFFFFFE20] =	vst v5;
	v5 =	vld [tilespmem:s29+$0xFFFFFF20];
	v11 =	vshll.u32 v3, $0x10  }
0x171: {  	[tilespmem:s29+$0xFFFFFE60] =	vst v7;
	v7 =	vld [tilespmem:s29+$0xFFFFFF60];
	v3 =	vand.u32 $0xFFFF0000, v3;
	v4 =	vsub.f32 v11, v4  }
0x172: {  	v12 =	vld [tilespmem:s11+$0xFFFFFF30];
	v11 =	vshll.u32 v9, $0x10;
	v2 =	vsub.f32 v3, v2  }
0x173: {  	v3 =	vand.u32 $0xFFFF0000, v9;
	v9 =	vld [tilespmem:s29+$0xFFFFFE30];
	v6 =	vsub.f32 v11, v6;
	[tilespmem:s29+$0xFFFFFFB0] =	vst v4  }
0x174: {  	v11 =	vld [tilespmem:s29+$0xFFFFFE70];
	v3 =	vsub.f32 v3, v10;
	[tilespmem:s29+$0xFFFFFFF0] =	vst v2  }
0x175: {  	v4 =	vshll.u32 v8, $0x10;
	v2 =	vand.u32 $0xFFFF0000, v8;
	v8 =	vld [tilespmem:s29+$0xFFFFFEF0];
	[tilespmem:s29+$0xFFFFFEA0] =	vst v6  }
0x176: {  	v4 =	vsub.f32 v4, v5;
	v10 =	vld [tilespmem:s11+$0x0];
	[tilespmem:s29+$0xFFFFFEE0] =	vst v3  }
0x177: {  	v2 =	vsub.f32 v2, v7;
	v3 =	vld [tilespmem:s11+$0xFFFFFF70]  }
0x178: {  	v6 =	vld [tilespmem:s29+$0xFFFFFEB0];
	[tilespmem:s29+$0xFFFFFF20] =	vst v4;
	v4 =	vshll.u32 v12, $0x10  }
0x179: {  	v5 =	vld [tilespmem:s29+$0x0];
	[tilespmem:s29+$0xFFFFFF60] =	vst v2;
	v2 =	vand.u32 $0xFFFF0000, v12;
	v4 =	vsub.f32 v4, v9  }
0x17a: {  	v7 =	vld [tilespmem:s11+$0xFFFFFFB0];
	v2 =	vsub.f32 v2, v11  }
0x17b: {  	v9 =	vld [tilespmem:s29+$0xFFFFFF70];
	[tilespmem:s29+$0xFFFFFE30] =	vst v4  }
0x17c: {  	v4 =	vld [tilespmem:s29+$0xFFFFFF30];
	[tilespmem:s29+$0xFFFFFE70] =	vst v2;
	v2 =	vshll.u32 v3, $0x10  }
0x17d: {  	v11 =	vld [tilespmem:s11+$0xFFFFFF40];
	v2 =	vsub.f32 v2, v6  }
0x17e: {  	v3 =	vand.u32 $0xFFFF0000, v3;
	v6 =	vld [tilespmem:s29+$0xFFFFFE40]  }
0x17f: {  	v8 =	vsub.f32 v3, v8;
	v63 =	vshll.u32 v7, $0x10;
	v7 =	vand.u32 $0xFFFF0000, v7;
	[tilespmem:s29+$0xFFFFFEB0] =	vst v2;
	v2 =	vld [tilespmem:s29+$0xFFFFFE80]  }
0x180: {  	v3 =	vld [tilespmem:s29+$0xFFFFFEC0];
	v7 =	vsub.f32 v7, v9  }
0x181: {  	[tilespmem:s29+$0xFFFFFEF0] =	vst v8;
	v8 =	vand.u32 $0xFFFF0000, v10;
	v12 =	vsub.f32 v63, v4;
	v4 =	vld [tilespmem:s29+$0xFFFFFF00]  }
0x182: {  	v9 =	vsub.f32 v8, v5;
	v8 =	vld [tilespmem:s11+$0xFFFFFF80];
	v5 =	vshll.u32 v11, $0x10;
	[tilespmem:s29+$0xFFFFFF70] =	vst v7  }
0x183: {  	v7 =	vand.u32 $0xFFFF0000, v11;
	[tilespmem:s29+$0xFFFFFF30] =	vst v12;
	v6 =	vsub.f32 v5, v6;
	v5 =	vld [tilespmem:s29+$0xFFFFFF40]  }
0x184: {  	[tilespmem:s29+$0x0] =	vst v9;
	v9 =	vld [tilespmem:s11+$0xFFFFFFC0];
	v7 =	vsub.f32 v7, v2  }
0x185: {  	[tilespmem:s29+$0xFFFFFE40] =	vst v6;
	v6 =	vld [tilespmem:s29+$0xFFFFFF80]  }
0x186: {  	s8 =	simm.s32 $0x1730;
	s2 =	simm.s32 $0x0;
	s11 =	simm.s32 $0x5330;
	v2 =	vshll.u32 v10, $0x10;
	[tilespmem:s29+$0xFFFFFE80] =	vst v7;
	v7 =	vld [tilespmem:s29+$0xFFFFFFC0]  }
.LBB2_9:
0x187: {  	v10 =	vld [tilespmem:s8+$0xFFFFFFD0];
	v11 =	vshll.u32 v8, $0x10;
	v8 =	vand.u32 $0xFFFF0000, v8;
	s29 =	sadd.s32 $0x200, s29  }
0x188: {  	v12 =	vld [tilespmem:s29+$0xFFFFFF90];
	v3 =	vsub.f32 v11, v3;
	v4 =	vsub.f32 v8, v4  }
0x189: {  	v8 =	vld [tilespmem:s29+$0xFFFFFFD0];
	v11 =	vshll.u32 v9, $0x10;
	v9 =	vand.u32 $0xFFFF0000, v9  }
0x18a: {  	s2 =	sadd.s32 $0x4, s2;
	v13 =	vld [tilespmem:s8+$0xFFFFFF50];
	[tilespmem:s11+$0xFFFFFEC0] =	vst v3;
	v3 =	vsub.f32 v11, v5;
	v5 =	vsub.f32 v9, v6  }
0x18b: {  	p0 =	slt.u32 s2, $0x4C;
	v6 =	vld [tilespmem:s8+$0xFFFFFF90];
	[tilespmem:s11+$0xFFFFFF00] =	vst v4;
	v2 =	vsub.f32 v2, v7  }
0x18c: {  	v4 =	vld [tilespmem:s8+$0xFFFFFF10];
	v7 =	vshll.u32 v10, $0x10;
	[tilespmem:s11+$0xFFFFFF40] =	vst v3  }
0x18d: {  	v9 =	vand.u32 $0xFFFF0000, v10;
	v3 =	vld [tilespmem:s29+$0xFFFFFE10];
	v7 =	vsub.f32 v7, v12;
	[tilespmem:s11+$0xFFFFFF80] =	vst v5  }
0x18e: {  	v5 =	vld [tilespmem:s29+$0xFFFFFE50];
	v8 =	vsub.f32 v9, v8;
	[tilespmem:s11+$0xFFFFFFC0] =	vst v2;
	s11 =	smov.u32 s29  }
0x18f: {  	v2 =	vshll.u32 v13, $0x10;
	v9 =	vand.u32 $0xFFFF0000, v13;
	v10 =	vld [tilespmem:s29+$0xFFFFFE90];
	[tilespmem:s29+$0xFFFFFF90] =	vst v7  }
0x190: {  	v7 =	vld [tilespmem:s29+$0xFFFFFED0];
	v11 =	vshll.u32 v6, $0x10;
	v6 =	vand.u32 $0xFFFF0000, v6;
	[tilespmem:s29+$0xFFFFFFD0] =	vst v8  }
0x191: {  	v8 =	vshll.u32 v4, $0x10;
	v4 =	vand.u32 $0xFFFF0000, v4;
	v12 =	vld [tilespmem:s8+$0xFFFFFFE0]  }
0x192: {  	v3 =	vsub.f32 v8, v3;
	v8 =	vld [tilespmem:s29+$0xFFFFFFA0]  }
0x193: {  	v4 =	vsub.f32 v4, v5;
	v5 =	vld [tilespmem:s29+$0xFFFFFFE0]  }
0x194: {  	[tilespmem:s29+$0xFFFFFE10] =	vst v3;
	v2 =	vsub.f32 v2, v10;
	v3 =	vld [tilespmem:s29+$0xFFFFFF10]  }
0x195: {  	[tilespmem:s29+$0xFFFFFE50] =	vst v4;
	v4 =	vsub.f32 v9, v7;
	v7 =	vld [tilespmem:s29+$0xFFFFFF50]  }
0x196: {  	v9 =	vld [tilespmem:s8+$0xFFFFFF20];
	[tilespmem:s29+$0xFFFFFE90] =	vst v2;
	v2 =	vshll.u32 v12, $0x10  }
0x197: {  	v10 =	vld [tilespmem:s29+$0xFFFFFE20];
	[tilespmem:s29+$0xFFFFFED0] =	vst v4;
	v4 =	vand.u32 $0xFFFF0000, v12;
	v2 =	vsub.f32 v2, v8  }
0x198: {  	v8 =	vld [tilespmem:s8+$0xFFFFFF60];
	v4 =	vsub.f32 v4, v5  }
0x199: {  	v5 =	vld [tilespmem:s29+$0xFFFFFE60];
	v3 =	vsub.f32 v11, v3;
	[tilespmem:s29+$0xFFFFFFA0] =	vst v2  }
0x19a: {  	v2 =	vld [tilespmem:s29+$0xFFFFFEA0];
	v6 =	vsub.f32 v6, v7;
	[tilespmem:s29+$0xFFFFFFE0] =	vst v4  }
0x19b: {  	v4 =	vshll.u32 v9, $0x10;
	v7 =	vand.u32 $0xFFFF0000, v9;
	[tilespmem:s29+$0xFFFFFF10] =	vst v3;
	v3 =	vld [tilespmem:s8+$0xFFFFFFF0]  }
0x19c: {  	v4 =	vsub.f32 v4, v10;
	[tilespmem:s29+$0xFFFFFF50] =	vst v6;
	v6 =	vld [tilespmem:s29+$0xFFFFFFB0]  }
0x19d: {  	v9 =	vshll.u32 v8, $0x10;
	v8 =	vand.u32 $0xFFFF0000, v8;
	v10 =	vld [tilespmem:s29+$0xFFFFFFF0]  }
0x19e: {  	[tilespmem:s29+$0xFFFFFE20] =	vst v4;
	v4 =	vsub.f32 v7, v5;
	v5 =	vld [tilespmem:s8+$0xFFFFFFA0]  }
0x19f: {  	v2 =	vsub.f32 v9, v2;
	v7 =	vld [tilespmem:s29+$0xFFFFFEE0]  }
0x1a0: {  	[tilespmem:s29+$0xFFFFFE60] =	vst v4;
	v4 =	vld [tilespmem:s29+$0xFFFFFF20];
	v9 =	vshll.u32 v3, $0x10  }
0x1a1: {  	v3 =	vand.u32 $0xFFFF0000, v3;
	[tilespmem:s29+$0xFFFFFEA0] =	vst v2;
	v2 =	vld [tilespmem:s29+$0xFFFFFF60];
	v6 =	vsub.f32 v9, v6  }
0x1a2: {  	v9 =	vld [tilespmem:s8+$0xFFFFFF30];
	v3 =	vsub.f32 v3, v10  }
0x1a3: {  	v10 =	vld [tilespmem:s29+$0xFFFFFE30];
	v11 =	vshll.u32 v5, $0x10;
	v5 =	vand.u32 $0xFFFF0000, v5;
	[tilespmem:s29+$0xFFFFFFB0] =	vst v6  }
0x1a4: {  	v6 =	vld [tilespmem:s29+$0xFFFFFE70];
	v7 =	vsub.f32 v8, v7;
	[tilespmem:s29+$0xFFFFFFF0] =	vst v3  }
0x1a5: {  	v3 =	vsub.f32 v11, v4;
	v4 =	vld [tilespmem:s8+$0x0]  }
0x1a6: {  	[tilespmem:s29+$0xFFFFFEE0] =	vst v7;
	v2 =	vsub.f32 v5, v2;
	v5 =	vld [tilespmem:s29+$0x0]  }
0x1a7: {  	v7 =	vshll.u32 v9, $0x10;
	v8 =	vand.u32 $0xFFFF0000, v9;
	v9 =	vld [tilespmem:s8+$0xFFFFFF70];
	[tilespmem:s29+$0xFFFFFF20] =	vst v3  }
0x1a8: {  	v3 =	vsub.f32 v7, v10;
	v7 =	vld [tilespmem:s29+$0xFFFFFEB0];
	[tilespmem:s29+$0xFFFFFF60] =	vst v2  }
0x1a9: {  	v6 =	vsub.f32 v8, v6;
	v8 =	vld [tilespmem:s8+$0xFFFFFFB0]  }
0x1aa: {  	[tilespmem:s29+$0xFFFFFE30] =	vst v3;
	v3 =	vld [tilespmem:s29+$0xFFFFFEF0];
	v2 =	vshll.u32 v4, $0x10;
	v4 =	vand.u32 $0xFFFF0000, v4  }
0x1ab: {  	[tilespmem:s29+$0xFFFFFE70] =	vst v6;
	v6 =	vld [tilespmem:s29+$0xFFFFFF30];
	v4 =	vsub.f32 v4, v5  }
0x1ac: {  	v5 =	vshll.u32 v9, $0x10;
	v9 =	vand.u32 $0xFFFF0000, v9;
	v10 =	vld [tilespmem:s29+$0xFFFFFF70]  }
0x1ad: {  	v11 =	vld [tilespmem:s8+$0xFFFFFF40];
	v5 =	vsub.f32 v5, v7;
	[tilespmem:s29+$0x0] =	vst v4  }
0x1ae: {  	v7 =	vld [tilespmem:s29+$0xFFFFFE40];
	v4 =	vshll.u32 v8, $0x10;
	v8 =	vand.u32 $0xFFFF0000, v8  }
0x1af: {  	v12 =	vld [tilespmem:s29+$0xFFFFFE80];
	[tilespmem:s29+$0xFFFFFEB0] =	vst v5;
	v5 =	vsub.f32 v9, v3  }
0x1b0: {  	v3 =	vld [tilespmem:s29+$0xFFFFFEC0];
	v6 =	vsub.f32 v4, v6  }
0x1b1: {  	[tilespmem:s29+$0xFFFFFEF0] =	vst v5;
	v4 =	vld [tilespmem:s29+$0xFFFFFF00];
	v5 =	vsub.f32 v8, v10  }
.Ltmp3:
0x1b2: {  	v9 =	vshll.u32 v11, $0x10;
	v10 =	vand.u32 $0xFFFF0000, v11;
	v8 =	vld [tilespmem:s8+$0xFFFFFF80];
	[tilespmem:s29+$0xFFFFFF30] =	vst v6;
	(pc) =	sbr.rel @p0 .LBB2_9-.Ltmp3, $4  }
0x1b3: {  	v6 =	vsub.f32 v9, v7;
	[tilespmem:s29+$0xFFFFFF70] =	vst v5;
	v5 =	vld [tilespmem:s29+$0xFFFFFF40]  }
0x1b4: {  	v7 =	vsub.f32 v10, v12;
	v9 =	vld [tilespmem:s8+$0xFFFFFFC0]  }
0x1b5: {  	[tilespmem:s29+$0xFFFFFE40] =	vst v6;
	v6 =	vld [tilespmem:s29+$0xFFFFFF80]  }
0x1b6: {  	s8 =	sadd.s32 $0x100, s8;
	[tilespmem:s29+$0xFFFFFE80] =	vst v7;
	v7 =	vld [tilespmem:s29+$0xFFFFFFC0]  }
0x1b7: {  	v10 =	vshll.u32 v8, $0x10  }
0x1b8: {  	v8 =	vand.u32 $0xFFFF0000, v8;
	v3 =	vsub.f32 v10, v3  }
0x1b9: {  	v4 =	vsub.f32 v8, v4;
	v8 =	vshll.u32 v9, $0x10  }
0x1ba: {  	v9 =	vand.u32 $0xFFFF0000, v9;
	[tilespmem:s11+$0xFFFFFEC0] =	vst v3;
	v3 =	vsub.f32 v8, v5  }
0x1bb: {  	v5 =	vsub.f32 v9, v6;
	[tilespmem:s11+$0xFFFFFF00] =	vst v4  }
0x1bc: {  	v2 =	vsub.f32 v2, v7;
	[tilespmem:s11+$0xFFFFFF40] =	vst v3  }
0x1bd: {  	[tilespmem:s11+$0xFFFFFF80] =	vst v5  }
0x1be: {  	[tilespmem:s11+$0xFFFFFFC0] =	vst v2  }
0x1bf: {  	_ =	swait.ge [sflag:s21], $0x50  }
0x1c0: {  	[sflag:s21] =	ssyncset.done $0x0  }
0x1c1: {  	[sflag:s21] =	ssyncadd.s32 $0xFFFFFFB0  }
0x1c2: {  	[spmem:s23] =	stream.indirect.scatter.add.f32 [tilespmem:s12], [sflag:$0x8], $0x80, s31, s28, $0x2000b8;
	[tilespmem:$0x1E550] =	vst v63  }
0x1c3: {  	v2 =	vld [tilespmem:$0xF0];
	_ =	sdelay $0x7  }
0x1c4: {  	[tilespmem:v2+s16+$0x0] =	vst.idx.add.f32.msk $0xffff, v1  }
0x1c5: {  	v2 =	vld [tilespmem:$0x100];
	_ =	sdelay $0x7  }
0x1c6: {  	[tilespmem:v2+s16+$0x0] =	vst.idx.add.f32.msk $0xffff, v1  }
0x1c7: {  	v2 =	vld [tilespmem:$0x110];
	_ =	sdelay $0x7  }
0x1c8: {  	[tilespmem:v2+s16+$0x0] =	vst.idx.add.f32.msk $0xffff, v1  }
0x1c9: {  	v2 =	vld [tilespmem:$0x120];
	_ =	sdelay $0x7  }
0x1ca: {  	[tilespmem:v2+s16+$0x0] =	vst.idx.add.f32.msk $0xffff, v1  }
0x1cb: {  	v2 =	vld [tilespmem:$0x130];
	_ =	sdelay $0x7  }
0x1cc: {  	[tilespmem:v2+s16+$0x0] =	vst.idx.add.f32.msk $0xffff, v1  }
0x1cd: {  	_ =	swait.ge [sflag:s3], $0x1400  }
0x1ce: {  	[sflag:s3] =	ssyncset.done $0x0  }
0x1cf: {  	[sflag:s3] =	ssyncadd.s32 $0xFFFFEC00  }
0x1d0: {  	_ =	swait.ge [sflag:s0], $0x50  }
0x1d1: {  	[sflag:s0] =	ssyncset.done $0x0  }
0x1d2: {  	[sflag:s0] =	ssyncadd.s32 $0xFFFFFFB0  }
0x1d3: {  	s8 =	simm.s32 $0x1540;
	s2 =	rddreg [dreg:$0x0]  }
0x1d4: {  	[tilespmem:s8], [sflag:$0x2] =	stream.indirect.gather [hbm4b:s2+s28], $0x40, s28, s28, $0x2000b8;
	[tilespmem:$0x1E550] =	vst v63  }
0x1d5: {  	s2 =	sld [smem:$0x7FD];
	_ =	sdelay $0x1  }
0x1d6: {  	p0 =	seq.s32 s10, $0x7B  }
0x1d7: {  	s2 =	sadd.s32 @!p0 s24, s2  }
0x1d8: {  	s2 =	sshrl.u32 @!p0 s2, $0x3  }
0x1d9: {  	s8 =	simm.s32 @!p0 $0x0;
	s2 =	sadd.s32 @!p0 s6, s2  }
0x1da: {  	[tilespmem:s8], [sflag:$0x3] =	stream.linear.gather @!p0 [hbm4b:s2+s8], $0x50, $0x200038;
	[tilespmem:$0x1E550] =	vst v63  }
0x1db: {  	s11 =	sadd.s32 s7, s13;
	_ =	swait.ge [sflag:s22], $0x2800  }
0x1dc: {  	s2 =	sshll.u32 s11, $0x4;
	[sflag:s22] =	ssyncset.done $0x0  }
0x1dd: {  	s13 =	sadd.s32 s9, s13;
	s2 =	sadd.s32 s1, s2;
	[sflag:s22] =	ssyncadd.s32 $0xFFFFD800  }
0x1de: {  	[tilespmem:s12], [sflag:$0xA] =	stream.linear.gather [hbm4b:s2+s5], $0x2800, $0x200038;
	[tilespmem:$0x1E550] =	vst v63  }
0x1df: {  	s2 =	sshrl.u32 s13, $0x3  }
0x1e0: {  	s2 =	sadd.s32 s6, s2  }
0x1e1: {  	[tilespmem:s31], [sflag:$0x6] =	stream.linear.gather [hbm4b:s2+s5], $0x50, $0x200038;
	[tilespmem:$0x1E550] =	vst v63  }
0x1e2: {  	_ =	swait.ge [sflag:s15], $0x2800  }
0x1e3: {  	[sflag:s15] =	ssyncset.done $0x0  }
0x1e4: {  	s24 =	simm.s32 $0x1C0;
	[sflag:s15] =	ssyncadd.s32 $0xFFFFD800  }
0x1e5: {  	s13 =	simm.s32 $0x2A40;
	v2 =	vld [tilespmem:s24+$0x40]  }
0x1e6: {  	v3 =	vld [tilespmem:s13+$0x80]  }
0x1e7: {  	v4 =	vld [tilespmem:s13+$0xC0]  }
0x1e8: {  	v5 =	vld [tilespmem:s24+$0xFFFFFFC0]  }
0x1e9: {  	v6 =	vld [tilespmem:s24+$0x0]  }
0x1ea: {  	v7 =	vld [tilespmem:s24+$0xFFFFFF80];
	v8 =	vshll.u32 v2, $0x10  }
0x1eb: {  	v9 =	vld [tilespmem:s13+$0xFFFFFF00];
	v2 =	vand.u32 $0xFFFF0000, v2;
	v3 =	vsub.f32 v8, v3  }
0x1ec: {  	v8 =	vld [tilespmem:s13+$0xFFFFFF40];
	v2 =	vsub.f32 v2, v4  }
0x1ed: {  	v4 =	vld [tilespmem:s13+$0xFFFFFF80];
	[tilespmem:s13+$0x80] =	vst v3  }
0x1ee: {  	v3 =	vld [tilespmem:s13+$0xFFFFFFC0];
	[tilespmem:s13+$0xC0] =	vst v2  }
0x1ef: {  	v2 =	vshll.u32 v7, $0x10;
	v10 =	vld [tilespmem:s24+$0x50]  }
0x1f0: {  	v7 =	vand.u32 $0xFFFF0000, v7;
	v2 =	vsub.f32 v2, v9;
	v9 =	vld [tilespmem:s13+$0x90]  }
0x1f1: {  	v11 =	vshll.u32 v5, $0x10;
	v7 =	vsub.f32 v7, v8;
	v8 =	vld [tilespmem:s13+$0xD0]  }
0x1f2: {  	v5 =	vand.u32 $0xFFFF0000, v5;
	[tilespmem:s13+$0xFFFFFF00] =	vst v2;
	v2 =	vsub.f32 v11, v4;
	v4 =	vld [tilespmem:s13+$0x0]  }
0x1f3: {  	v11 =	vld [tilespmem:s13+$0xFFFFFF10];
	[tilespmem:s13+$0xFFFFFF40] =	vst v7;
	v3 =	vsub.f32 v5, v3  }
0x1f4: {  	v5 =	vld [tilespmem:s13+$0x40];
	[tilespmem:s13+$0xFFFFFF80] =	vst v2;
	v2 =	vshll.u32 v10, $0x10  }
0x1f5: {  	v7 =	vld [tilespmem:s24+$0xFFFFFF90];
	[tilespmem:s13+$0xFFFFFFC0] =	vst v3;
	v3 =	vand.u32 $0xFFFF0000, v10;
	v2 =	vsub.f32 v2, v9  }
0x1f6: {  	v10 =	vld [tilespmem:s13+$0xFFFFFF50];
	v3 =	vsub.f32 v3, v8  }
0x1f7: {  	v9 =	vld [tilespmem:s24+$0xFFFFFFD0];
	v8 =	vshll.u32 v6, $0x10;
	[tilespmem:s13+$0x90] =	vst v2  }
0x1f8: {  	v2 =	vand.u32 $0xFFFF0000, v6;
	v4 =	vsub.f32 v8, v4;
	v6 =	vld [tilespmem:s13+$0xFFFFFF90];
	[tilespmem:s13+$0xD0] =	vst v3  }
0x1f9: {  	v2 =	vsub.f32 v2, v5;
	v3 =	vld [tilespmem:s24+$0x60]  }
0x1fa: {  	[tilespmem:s13+$0x0] =	vst v4;
	v4 =	vld [tilespmem:s13+$0xA0]  }
0x1fb: {  	v5 =	vshll.u32 v7, $0x10;
	v7 =	vand.u32 $0xFFFF0000, v7;
	[tilespmem:s13+$0x40] =	vst v2;
	v2 =	vld [tilespmem:s13+$0xE0]  }
0x1fc: {  	v5 =	vsub.f32 v5, v11;
	v7 =	vsub.f32 v7, v10;
	v10 =	vld [tilespmem:s13+$0xFFFFFFD0]  }
0x1fd: {  	v8 =	vld [tilespmem:s24+$0x10]  }
0x1fe: {  	[tilespmem:s13+$0xFFFFFF10] =	vst v5;
	v5 =	vld [tilespmem:s13+$0x10];
	v11 =	vshll.u32 v3, $0x10  }
0x1ff: {  	[tilespmem:s13+$0xFFFFFF50] =	vst v7;
	v7 =	vld [tilespmem:s13+$0x50];
	v3 =	vand.u32 $0xFFFF0000, v3;
	v4 =	vsub.f32 v11, v4  }
0x200: {  	v12 =	vld [tilespmem:s24+$0xFFFFFFA0];
	v11 =	vshll.u32 v9, $0x10;
	v2 =	vsub.f32 v3, v2  }
0x201: {  	v3 =	vand.u32 $0xFFFF0000, v9;
	v9 =	vld [tilespmem:s13+$0xFFFFFF20];
	v6 =	vsub.f32 v11, v6;
	[tilespmem:s13+$0xA0] =	vst v4  }
0x202: {  	v11 =	vld [tilespmem:s13+$0xFFFFFF60];
	v3 =	vsub.f32 v3, v10;
	[tilespmem:s13+$0xE0] =	vst v2  }
0x203: {  	v4 =	vshll.u32 v8, $0x10;
	v2 =	vand.u32 $0xFFFF0000, v8;
	v8 =	vld [tilespmem:s13+$0xFFFFFFE0];
	[tilespmem:s13+$0xFFFFFF90] =	vst v6  }
0x204: {  	v4 =	vsub.f32 v4, v5;
	v10 =	vld [tilespmem:s24+$0x70];
	[tilespmem:s13+$0xFFFFFFD0] =	vst v3  }
0x205: {  	v2 =	vsub.f32 v2, v7;
	v3 =	vld [tilespmem:s24+$0xFFFFFFE0]  }
0x206: {  	v6 =	vld [tilespmem:s13+$0xFFFFFFA0];
	[tilespmem:s13+$0x10] =	vst v4;
	v4 =	vshll.u32 v12, $0x10  }
0x207: {  	v5 =	vld [tilespmem:s13+$0xF0];
	[tilespmem:s13+$0x50] =	vst v2;
	v2 =	vand.u32 $0xFFFF0000, v12;
	v4 =	vsub.f32 v4, v9  }
0x208: {  	v7 =	vld [tilespmem:s24+$0x20];
	v2 =	vsub.f32 v2, v11  }
0x209: {  	v9 =	vld [tilespmem:s13+$0x60];
	[tilespmem:s13+$0xFFFFFF20] =	vst v4  }
0x20a: {  	v4 =	vld [tilespmem:s13+$0x20];
	[tilespmem:s13+$0xFFFFFF60] =	vst v2;
	v2 =	vshll.u32 v3, $0x10  }
0x20b: {  	v11 =	vld [tilespmem:s24+$0xFFFFFFB0];
	v2 =	vsub.f32 v2, v6  }
0x20c: {  	v3 =	vand.u32 $0xFFFF0000, v3;
	v6 =	vld [tilespmem:s13+$0xFFFFFF30]  }
0x20d: {  	v8 =	vsub.f32 v3, v8;
	v63 =	vshll.u32 v7, $0x10;
	v7 =	vand.u32 $0xFFFF0000, v7;
	[tilespmem:s13+$0xFFFFFFA0] =	vst v2;
	v2 =	vld [tilespmem:s13+$0xFFFFFF70]  }
0x20e: {  	v3 =	vld [tilespmem:s13+$0xFFFFFFB0];
	v7 =	vsub.f32 v7, v9  }
0x20f: {  	[tilespmem:s13+$0xFFFFFFE0] =	vst v8;
	v8 =	vand.u32 $0xFFFF0000, v10;
	v12 =	vsub.f32 v63, v4;
	v4 =	vld [tilespmem:s13+$0xFFFFFFF0]  }
0x210: {  	v9 =	vsub.f32 v8, v5;
	v8 =	vld [tilespmem:s24+$0xFFFFFFF0];
	v5 =	vshll.u32 v11, $0x10;
	[tilespmem:s13+$0x60] =	vst v7  }
0x211: {  	v7 =	vand.u32 $0xFFFF0000, v11;
	[tilespmem:s13+$0x20] =	vst v12;
	v6 =	vsub.f32 v5, v6;
	v5 =	vld [tilespmem:s13+$0x30]  }
0x212: {  	[tilespmem:s13+$0xF0] =	vst v9;
	v9 =	vld [tilespmem:s24+$0x30];
	v7 =	vsub.f32 v7, v2  }
0x213: {  	s29 =	smov.u32 s1;
	[tilespmem:s13+$0xFFFFFF30] =	vst v6;
	v6 =	vld [tilespmem:s13+$0x70]  }
0x214: {  	s8 =	simm.s32 $0x2C0;
	s11 =	simm.s32 $0x2A40;
	s2 =	simm.s32 $0x0;
	v2 =	vshll.u32 v10, $0x10;
	[tilespmem:s13+$0xFFFFFF70] =	vst v7;
	v7 =	vld [tilespmem:s13+$0xB0]  }
.LBB2_11:
0x215: {  	v10 =	vld [tilespmem:s8+$0x40];
	v11 =	vshll.u32 v8, $0x10;
	v8 =	vand.u32 $0xFFFF0000, v8;
	s13 =	sadd.s32 $0x200, s13  }
0x216: {  	v12 =	vld [tilespmem:s13+$0x80];
	v3 =	vsub.f32 v11, v3;
	v4 =	vsub.f32 v8, v4  }
0x217: {  	v8 =	vld [tilespmem:s13+$0xC0];
	v11 =	vshll.u32 v9, $0x10;
	v9 =	vand.u32 $0xFFFF0000, v9  }
0x218: {  	s2 =	sadd.s32 $0x4, s2;
	v13 =	vld [tilespmem:s8+$0xFFFFFFC0];
	[tilespmem:s11+$0xFFFFFFB0] =	vst v3;
	v3 =	vsub.f32 v11, v5;
	v5 =	vsub.f32 v9, v6  }
0x219: {  	p0 =	slt.u32 s2, $0x4C;
	v6 =	vld [tilespmem:s8+$0x0];
	[tilespmem:s11+$0xFFFFFFF0] =	vst v4;
	v2 =	vsub.f32 v2, v7  }
0x21a: {  	v4 =	vld [tilespmem:s8+$0xFFFFFF80];
	v7 =	vshll.u32 v10, $0x10;
	[tilespmem:s11+$0x30] =	vst v3  }
0x21b: {  	v9 =	vand.u32 $0xFFFF0000, v10;
	v3 =	vld [tilespmem:s13+$0xFFFFFF00];
	v7 =	vsub.f32 v7, v12;
	[tilespmem:s11+$0x70] =	vst v5  }
0x21c: {  	v5 =	vld [tilespmem:s13+$0xFFFFFF40];
	v8 =	vsub.f32 v9, v8;
	[tilespmem:s11+$0xB0] =	vst v2;
	s11 =	smov.u32 s13  }
0x21d: {  	v2 =	vshll.u32 v13, $0x10;
	v9 =	vand.u32 $0xFFFF0000, v13;
	v10 =	vld [tilespmem:s13+$0xFFFFFF80];
	[tilespmem:s13+$0x80] =	vst v7  }
0x21e: {  	v7 =	vld [tilespmem:s13+$0xFFFFFFC0];
	v11 =	vshll.u32 v6, $0x10;
	v6 =	vand.u32 $0xFFFF0000, v6;
	[tilespmem:s13+$0xC0] =	vst v8  }
0x21f: {  	v8 =	vshll.u32 v4, $0x10;
	v4 =	vand.u32 $0xFFFF0000, v4;
	v12 =	vld [tilespmem:s8+$0x50]  }
0x220: {  	v3 =	vsub.f32 v8, v3;
	v8 =	vld [tilespmem:s13+$0x90]  }
0x221: {  	v4 =	vsub.f32 v4, v5;
	v5 =	vld [tilespmem:s13+$0xD0]  }
0x222: {  	[tilespmem:s13+$0xFFFFFF00] =	vst v3;
	v2 =	vsub.f32 v2, v10;
	v3 =	vld [tilespmem:s13+$0x0]  }
0x223: {  	[tilespmem:s13+$0xFFFFFF40] =	vst v4;
	v4 =	vsub.f32 v9, v7;
	v7 =	vld [tilespmem:s13+$0x40]  }
0x224: {  	v9 =	vld [tilespmem:s8+$0xFFFFFF90];
	[tilespmem:s13+$0xFFFFFF80] =	vst v2;
	v2 =	vshll.u32 v12, $0x10  }
0x225: {  	v10 =	vld [tilespmem:s13+$0xFFFFFF10];
	[tilespmem:s13+$0xFFFFFFC0] =	vst v4;
	v4 =	vand.u32 $0xFFFF0000, v12;
	v2 =	vsub.f32 v2, v8  }
0x226: {  	v8 =	vld [tilespmem:s8+$0xFFFFFFD0];
	v4 =	vsub.f32 v4, v5  }
0x227: {  	v5 =	vld [tilespmem:s13+$0xFFFFFF50];
	v3 =	vsub.f32 v11, v3;
	[tilespmem:s13+$0x90] =	vst v2  }
0x228: {  	v2 =	vld [tilespmem:s13+$0xFFFFFF90];
	v6 =	vsub.f32 v6, v7;
	[tilespmem:s13+$0xD0] =	vst v4  }
0x229: {  	v4 =	vshll.u32 v9, $0x10;
	v7 =	vand.u32 $0xFFFF0000, v9;
	[tilespmem:s13+$0x0] =	vst v3;
	v3 =	vld [tilespmem:s8+$0x60]  }
0x22a: {  	v4 =	vsub.f32 v4, v10;
	[tilespmem:s13+$0x40] =	vst v6;
	v6 =	vld [tilespmem:s13+$0xA0]  }
0x22b: {  	v9 =	vshll.u32 v8, $0x10;
	v8 =	vand.u32 $0xFFFF0000, v8;
	v10 =	vld [tilespmem:s13+$0xE0]  }
0x22c: {  	[tilespmem:s13+$0xFFFFFF10] =	vst v4;
	v4 =	vsub.f32 v7, v5;
	v5 =	vld [tilespmem:s8+$0x10]  }
0x22d: {  	v2 =	vsub.f32 v9, v2;
	v7 =	vld [tilespmem:s13+$0xFFFFFFD0]  }
0x22e: {  	[tilespmem:s13+$0xFFFFFF50] =	vst v4;
	v4 =	vld [tilespmem:s13+$0x10];
	v9 =	vshll.u32 v3, $0x10  }
0x22f: {  	v3 =	vand.u32 $0xFFFF0000, v3;
	[tilespmem:s13+$0xFFFFFF90] =	vst v2;
	v2 =	vld [tilespmem:s13+$0x50];
	v6 =	vsub.f32 v9, v6  }
0x230: {  	v9 =	vld [tilespmem:s8+$0xFFFFFFA0];
	v3 =	vsub.f32 v3, v10  }
0x231: {  	v10 =	vld [tilespmem:s13+$0xFFFFFF20];
	v11 =	vshll.u32 v5, $0x10;
	v5 =	vand.u32 $0xFFFF0000, v5;
	[tilespmem:s13+$0xA0] =	vst v6  }
0x232: {  	v6 =	vld [tilespmem:s13+$0xFFFFFF60];
	v7 =	vsub.f32 v8, v7;
	[tilespmem:s13+$0xE0] =	vst v3  }
0x233: {  	v3 =	vsub.f32 v11, v4;
	v4 =	vld [tilespmem:s8+$0x70]  }
0x234: {  	[tilespmem:s13+$0xFFFFFFD0] =	vst v7;
	v2 =	vsub.f32 v5, v2;
	v5 =	vld [tilespmem:s13+$0xF0]  }
0x235: {  	v7 =	vshll.u32 v9, $0x10;
	v8 =	vand.u32 $0xFFFF0000, v9;
	v9 =	vld [tilespmem:s8+$0xFFFFFFE0];
	[tilespmem:s13+$0x10] =	vst v3  }
0x236: {  	v3 =	vsub.f32 v7, v10;
	v7 =	vld [tilespmem:s13+$0xFFFFFFA0];
	[tilespmem:s13+$0x50] =	vst v2  }
0x237: {  	v6 =	vsub.f32 v8, v6;
	v8 =	vld [tilespmem:s8+$0x20]  }
0x238: {  	[tilespmem:s13+$0xFFFFFF20] =	vst v3;
	v3 =	vld [tilespmem:s13+$0xFFFFFFE0];
	v2 =	vshll.u32 v4, $0x10;
	v4 =	vand.u32 $0xFFFF0000, v4  }
0x239: {  	[tilespmem:s13+$0xFFFFFF60] =	vst v6;
	v6 =	vld [tilespmem:s13+$0x20];
	v4 =	vsub.f32 v4, v5  }
0x23a: {  	v5 =	vshll.u32 v9, $0x10;
	v9 =	vand.u32 $0xFFFF0000, v9;
	v10 =	vld [tilespmem:s13+$0x60]  }
0x23b: {  	v11 =	vld [tilespmem:s8+$0xFFFFFFB0];
	v5 =	vsub.f32 v5, v7;
	[tilespmem:s13+$0xF0] =	vst v4  }
0x23c: {  	v7 =	vld [tilespmem:s13+$0xFFFFFF30];
	v4 =	vshll.u32 v8, $0x10;
	v8 =	vand.u32 $0xFFFF0000, v8  }
0x23d: {  	v12 =	vld [tilespmem:s13+$0xFFFFFF70];
	[tilespmem:s13+$0xFFFFFFA0] =	vst v5;
	v5 =	vsub.f32 v9, v3  }
0x23e: {  	v3 =	vld [tilespmem:s13+$0xFFFFFFB0];
	v6 =	vsub.f32 v4, v6  }
0x23f: {  	[tilespmem:s13+$0xFFFFFFE0] =	vst v5;
	v4 =	vld [tilespmem:s13+$0xFFFFFFF0];
	v5 =	vsub.f32 v8, v10  }
.Ltmp4:
0x240: {  	v9 =	vshll.u32 v11, $0x10;
	v10 =	vand.u32 $0xFFFF0000, v11;
	v8 =	vld [tilespmem:s8+$0xFFFFFFF0];
	[tilespmem:s13+$0x20] =	vst v6;
	(pc) =	sbr.rel @p0 .LBB2_11-.Ltmp4, $4  }
0x241: {  	v6 =	vsub.f32 v9, v7;
	[tilespmem:s13+$0x60] =	vst v5;
	v5 =	vld [tilespmem:s13+$0x30]  }
0x242: {  	v7 =	vsub.f32 v10, v12;
	v9 =	vld [tilespmem:s8+$0x30]  }
0x243: {  	[tilespmem:s13+$0xFFFFFF30] =	vst v6;
	v6 =	vld [tilespmem:s13+$0x70]  }
0x244: {  	s8 =	sadd.s32 $0x100, s8;
	[tilespmem:s13+$0xFFFFFF70] =	vst v7;
	v7 =	vld [tilespmem:s13+$0xB0]  }
0x245: {  	v10 =	vshll.u32 v8, $0x10  }
0x246: {  	v60 =	vand.u32 $0xFFFF0000, v8;
	v3 =	vsub.f32 v10, v3  }
0x247: {  	v4 =	vsub.f32 v60, v4;
	v61 =	vshll.u32 v9, $0x10  }
0x248: {  	v62 =	vand.u32 $0xFFFF0000, v9;
	[tilespmem:s11+$0xFFFFFFB0] =	vst v3;
	v3 =	vsub.f32 v61, v5  }
0x249: {  	v63 =	vsub.f32 v62, v6;
	[tilespmem:s11+$0xFFFFFFF0] =	vst v4  }
0x24a: {  	v2 =	vsub.f32 v2, v7;
	[tilespmem:s11+$0x30] =	vst v3  }
0x24b: {  	[tilespmem:s11+$0x70] =	vst v63  }
0x24c: {  	[tilespmem:s11+$0xB0] =	vst v2  }
0x24d: {  	_ =	swait.ge [sflag:s14], $0x50  }
0x24e: {  	[sflag:s14] =	ssyncset.done $0x0  }
0x24f: {  	[sflag:s14] =	ssyncadd.s32 $0xFFFFFFB0  }
0x250: {  	[spmem:s23] =	stream.indirect.scatter.add.f32 [tilespmem:s30], [sflag:$0x7], $0x80, s26, s28, $0x2000b8;
	[tilespmem:$0x1E550] =	vst v63  }
0x251: {  	v2 =	vld [tilespmem:$0xA0];
	_ =	sdelay $0x7  }
0x252: {  	[tilespmem:v2+s16+$0x0] =	vst.idx.add.f32.msk $0xffff, v1  }
0x253: {  	v2 =	vld [tilespmem:$0xB0];
	_ =	sdelay $0x7  }
0x254: {  	[tilespmem:v2+s16+$0x0] =	vst.idx.add.f32.msk $0xffff, v1  }
0x255: {  	v2 =	vld [tilespmem:$0xC0];
	_ =	sdelay $0x7  }
0x256: {  	[tilespmem:v2+s16+$0x0] =	vst.idx.add.f32.msk $0xffff, v1  }
0x257: {  	v2 =	vld [tilespmem:$0xD0];
	_ =	sdelay $0x7  }
0x258: {  	[tilespmem:v2+s16+$0x0] =	vst.idx.add.f32.msk $0xffff, v1  }
0x259: {  	v2 =	vld [tilespmem:$0xE0];
	_ =	sdelay $0x1  }
0x25a: {  	s10 =	sadd.s32 $0x1, s10  }
0x25b: {  	p0 =	sne.s32 s10, $0x7C  }
.Ltmp5:
0x25c: {  	_ = 	snop;
	(pc) =	sbr.rel @p0 .LBB2_8-.Ltmp5, $2  }
0x25d: {  	_ =	sdelay $0x2  }
0x25e: {  	[tilespmem:v2+s16+$0x0] =	vst.idx.add.f32.msk $0xffff, v1  }
0x25f: {  	_ =	strace $0x90000049  }
0x260: {  	_ =	swait.ge [sflag:s17], $0x1400  }
0x261: {  	[sflag:s17] =	ssyncset.done $0x0  }
0x262: {  	[sflag:s17] =	ssyncadd.s32 $0xFFFFEC00  }
0x263: {  	_ =	swait.ge [sflag:s19], $0x2800  }
0x264: {  	[sflag:s19] =	ssyncset.done $0x0  }
0x265: {  	[sflag:s19] =	ssyncadd.s32 $0xFFFFD800  }
0x266: {  	_ =	swait.ge [sflag:s20], $0x2800  }
0x267: {  	[sflag:s20] =	ssyncset.done $0x0  }
0x268: {  	s2 =	simm.s32 $0x1630;
	[sflag:s20] =	ssyncadd.s32 $0xFFFFD800  }
0x269: {  	s10 =	simm.s32 $0x5330;
	v2 =	vld [tilespmem:s2+$0xFFFFFFD0]  }
0x26a: {  	v3 =	vld [tilespmem:s10+$0xFFFFFF90]  }
0x26b: {  	v4 =	vld [tilespmem:s10+$0xFFFFFFD0]  }
0x26c: {  	v5 =	vld [tilespmem:s2+$0xFFFFFF50]  }
0x26d: {  	v6 =	vld [tilespmem:s2+$0xFFFFFF90]  }
0x26e: {  	v7 =	vld [tilespmem:s2+$0xFFFFFF10];
	v8 =	vshll.u32 v2, $0x10  }
0x26f: {  	v9 =	vld [tilespmem:s10+$0xFFFFFE10];
	v2 =	vand.u32 $0xFFFF0000, v2;
	v3 =	vsub.f32 v8, v3  }
0x270: {  	v8 =	vld [tilespmem:s10+$0xFFFFFE50];
	v2 =	vsub.f32 v2, v4  }
0x271: {  	v4 =	vld [tilespmem:s10+$0xFFFFFE90];
	[tilespmem:s10+$0xFFFFFF90] =	vst v3  }
0x272: {  	v3 =	vld [tilespmem:s10+$0xFFFFFED0];
	[tilespmem:s10+$0xFFFFFFD0] =	vst v2  }
0x273: {  	v2 =	vshll.u32 v7, $0x10;
	v10 =	vld [tilespmem:s2+$0xFFFFFFE0]  }
0x274: {  	v7 =	vand.u32 $0xFFFF0000, v7;
	v2 =	vsub.f32 v2, v9;
	v9 =	vld [tilespmem:s10+$0xFFFFFFA0]  }
0x275: {  	v11 =	vshll.u32 v5, $0x10;
	v7 =	vsub.f32 v7, v8;
	v8 =	vld [tilespmem:s10+$0xFFFFFFE0]  }
0x276: {  	v5 =	vand.u32 $0xFFFF0000, v5;
	[tilespmem:s10+$0xFFFFFE10] =	vst v2;
	v2 =	vsub.f32 v11, v4;
	v4 =	vld [tilespmem:s10+$0xFFFFFF10]  }
0x277: {  	v11 =	vld [tilespmem:s10+$0xFFFFFE20];
	[tilespmem:s10+$0xFFFFFE50] =	vst v7;
	v3 =	vsub.f32 v5, v3  }
0x278: {  	v5 =	vld [tilespmem:s10+$0xFFFFFF50];
	[tilespmem:s10+$0xFFFFFE90] =	vst v2;
	v2 =	vshll.u32 v10, $0x10  }
0x279: {  	v7 =	vld [tilespmem:s2+$0xFFFFFF20];
	[tilespmem:s10+$0xFFFFFED0] =	vst v3;
	v3 =	vand.u32 $0xFFFF0000, v10;
	v2 =	vsub.f32 v2, v9  }
0x27a: {  	v10 =	vld [tilespmem:s10+$0xFFFFFE60];
	v3 =	vsub.f32 v3, v8  }
0x27b: {  	v9 =	vld [tilespmem:s2+$0xFFFFFF60];
	v8 =	vshll.u32 v6, $0x10;
	[tilespmem:s10+$0xFFFFFFA0] =	vst v2  }
0x27c: {  	v2 =	vand.u32 $0xFFFF0000, v6;
	v4 =	vsub.f32 v8, v4;
	v6 =	vld [tilespmem:s10+$0xFFFFFEA0];
	[tilespmem:s10+$0xFFFFFFE0] =	vst v3  }
0x27d: {  	v2 =	vsub.f32 v2, v5;
	v3 =	vld [tilespmem:s2+$0xFFFFFFF0]  }
0x27e: {  	[tilespmem:s10+$0xFFFFFF10] =	vst v4;
	v4 =	vld [tilespmem:s10+$0xFFFFFFB0]  }
0x27f: {  	v5 =	vshll.u32 v7, $0x10;
	v7 =	vand.u32 $0xFFFF0000, v7;
	[tilespmem:s10+$0xFFFFFF50] =	vst v2;
	v2 =	vld [tilespmem:s10+$0xFFFFFFF0]  }
0x280: {  	v5 =	vsub.f32 v5, v11;
	v7 =	vsub.f32 v7, v10;
	v10 =	vld [tilespmem:s10+$0xFFFFFEE0]  }
0x281: {  	v8 =	vld [tilespmem:s2+$0xFFFFFFA0]  }
0x282: {  	[tilespmem:s10+$0xFFFFFE20] =	vst v5;
	v5 =	vld [tilespmem:s10+$0xFFFFFF20];
	v11 =	vshll.u32 v3, $0x10  }
0x283: {  	[tilespmem:s10+$0xFFFFFE60] =	vst v7;
	v7 =	vld [tilespmem:s10+$0xFFFFFF60];
	v3 =	vand.u32 $0xFFFF0000, v3;
	v4 =	vsub.f32 v11, v4  }
0x284: {  	v12 =	vld [tilespmem:s2+$0xFFFFFF30];
	v11 =	vshll.u32 v9, $0x10;
	v2 =	vsub.f32 v3, v2  }
0x285: {  	v3 =	vand.u32 $0xFFFF0000, v9;
	v9 =	vld [tilespmem:s10+$0xFFFFFE30];
	v6 =	vsub.f32 v11, v6;
	[tilespmem:s10+$0xFFFFFFB0] =	vst v4  }
0x286: {  	v11 =	vld [tilespmem:s10+$0xFFFFFE70];
	v3 =	vsub.f32 v3, v10;
	[tilespmem:s10+$0xFFFFFFF0] =	vst v2  }
0x287: {  	v4 =	vshll.u32 v8, $0x10;
	v2 =	vand.u32 $0xFFFF0000, v8;
	v8 =	vld [tilespmem:s10+$0xFFFFFEF0];
	[tilespmem:s10+$0xFFFFFEA0] =	vst v6  }
0x288: {  	v4 =	vsub.f32 v4, v5;
	v10 =	vld [tilespmem:s2+$0x0];
	[tilespmem:s10+$0xFFFFFEE0] =	vst v3  }
0x289: {  	v2 =	vsub.f32 v2, v7;
	v3 =	vld [tilespmem:s2+$0xFFFFFF70]  }
0x28a: {  	v6 =	vld [tilespmem:s10+$0xFFFFFEB0];
	[tilespmem:s10+$0xFFFFFF20] =	vst v4;
	v4 =	vshll.u32 v12, $0x10  }
0x28b: {  	v5 =	vld [tilespmem:s10+$0x0];
	[tilespmem:s10+$0xFFFFFF60] =	vst v2;
	v2 =	vand.u32 $0xFFFF0000, v12;
	v4 =	vsub.f32 v4, v9  }
0x28c: {  	v7 =	vld [tilespmem:s2+$0xFFFFFFB0];
	v2 =	vsub.f32 v2, v11  }
0x28d: {  	v9 =	vld [tilespmem:s10+$0xFFFFFF70];
	[tilespmem:s10+$0xFFFFFE30] =	vst v4  }
0x28e: {  	v4 =	vld [tilespmem:s10+$0xFFFFFF30];
	[tilespmem:s10+$0xFFFFFE70] =	vst v2;
	v2 =	vshll.u32 v3, $0x10  }
0x28f: {  	v11 =	vld [tilespmem:s2+$0xFFFFFF40];
	v2 =	vsub.f32 v2, v6  }
0x290: {  	v3 =	vand.u32 $0xFFFF0000, v3;
	v6 =	vld [tilespmem:s10+$0xFFFFFE40]  }
0x291: {  	v8 =	vsub.f32 v3, v8;
	v63 =	vshll.u32 v7, $0x10;
	v7 =	vand.u32 $0xFFFF0000, v7;
	[tilespmem:s10+$0xFFFFFEB0] =	vst v2;
	v2 =	vld [tilespmem:s10+$0xFFFFFE80]  }
0x292: {  	v7 =	vsub.f32 v7, v9  }
0x293: {  	v3 =	vld [tilespmem:s10+$0xFFFFFEC0];
	[tilespmem:s10+$0xFFFFFEF0] =	vst v8;
	v8 =	vand.u32 $0xFFFF0000, v10;
	v12 =	vsub.f32 v63, v4  }
0x294: {  	v4 =	vld [tilespmem:s10+$0xFFFFFF00];
	v9 =	vsub.f32 v8, v5;
	v5 =	vshll.u32 v11, $0x10;
	[tilespmem:s10+$0xFFFFFF70] =	vst v7  }
0x295: {  	v8 =	vld [tilespmem:s2+$0xFFFFFF80];
	v7 =	vand.u32 $0xFFFF0000, v11;
	[tilespmem:s10+$0xFFFFFF30] =	vst v12;
	v6 =	vsub.f32 v5, v6  }
0x296: {  	v5 =	vld [tilespmem:s10+$0xFFFFFF40];
	[tilespmem:s10+$0x0] =	vst v9;
	v7 =	vsub.f32 v7, v2  }
0x297: {  	v9 =	vld [tilespmem:s2+$0xFFFFFFC0];
	[tilespmem:s10+$0xFFFFFE40] =	vst v6  }
0x298: {  	s8 =	simm.s32 $0x1730;
	v6 =	vld [tilespmem:s10+$0xFFFFFF80];
	[tilespmem:s10+$0xFFFFFE80] =	vst v7  }
0x299: {  	s11 =	simm.s32 $0x5330;
	s2 =	simm.s32 $0x0;
	v2 =	vshll.u32 v10, $0x10;
	v7 =	vld [tilespmem:s10+$0xFFFFFFC0];
	s13 =	rddreg [dreg:$0x5]  }
.LBB2_14:
0x29a: {  	v10 =	vld [tilespmem:s8+$0xFFFFFFD0];
	v11 =	vshll.u32 v8, $0x10;
	v8 =	vand.u32 $0xFFFF0000, v8;
	s10 =	sadd.s32 $0x200, s10  }
0x29b: {  	v12 =	vld [tilespmem:s10+$0xFFFFFF90];
	v3 =	vsub.f32 v11, v3;
	v4 =	vsub.f32 v8, v4  }
0x29c: {  	v8 =	vld [tilespmem:s10+$0xFFFFFFD0];
	v11 =	vshll.u32 v9, $0x10;
	v9 =	vand.u32 $0xFFFF0000, v9  }
0x29d: {  	s2 =	sadd.s32 $0x4, s2;
	v13 =	vld [tilespmem:s8+$0xFFFFFF50];
	[tilespmem:s11+$0xFFFFFEC0] =	vst v3;
	v3 =	vsub.f32 v11, v5;
	v5 =	vsub.f32 v9, v6  }
0x29e: {  	p0 =	slt.u32 s2, $0x4C;
	v6 =	vld [tilespmem:s8+$0xFFFFFF90];
	[tilespmem:s11+$0xFFFFFF00] =	vst v4;
	v2 =	vsub.f32 v2, v7  }
0x29f: {  	v4 =	vld [tilespmem:s8+$0xFFFFFF10];
	v7 =	vshll.u32 v10, $0x10;
	[tilespmem:s11+$0xFFFFFF40] =	vst v3  }
0x2a0: {  	v9 =	vand.u32 $0xFFFF0000, v10;
	v3 =	vld [tilespmem:s10+$0xFFFFFE10];
	v7 =	vsub.f32 v7, v12;
	[tilespmem:s11+$0xFFFFFF80] =	vst v5  }
0x2a1: {  	v5 =	vld [tilespmem:s10+$0xFFFFFE50];
	v8 =	vsub.f32 v9, v8;
	[tilespmem:s11+$0xFFFFFFC0] =	vst v2;
	s11 =	smov.u32 s10  }
0x2a2: {  	v2 =	vshll.u32 v13, $0x10;
	v9 =	vand.u32 $0xFFFF0000, v13;
	v10 =	vld [tilespmem:s10+$0xFFFFFE90];
	[tilespmem:s10+$0xFFFFFF90] =	vst v7  }
0x2a3: {  	v7 =	vld [tilespmem:s10+$0xFFFFFED0];
	v11 =	vshll.u32 v6, $0x10;
	v6 =	vand.u32 $0xFFFF0000, v6;
	[tilespmem:s10+$0xFFFFFFD0] =	vst v8  }
0x2a4: {  	v8 =	vshll.u32 v4, $0x10;
	v4 =	vand.u32 $0xFFFF0000, v4;
	v12 =	vld [tilespmem:s8+$0xFFFFFFE0]  }
0x2a5: {  	v3 =	vsub.f32 v8, v3;
	v8 =	vld [tilespmem:s10+$0xFFFFFFA0]  }
0x2a6: {  	v4 =	vsub.f32 v4, v5;
	v5 =	vld [tilespmem:s10+$0xFFFFFFE0]  }
0x2a7: {  	[tilespmem:s10+$0xFFFFFE10] =	vst v3;
	v2 =	vsub.f32 v2, v10;
	v3 =	vld [tilespmem:s10+$0xFFFFFF10]  }
0x2a8: {  	[tilespmem:s10+$0xFFFFFE50] =	vst v4;
	v4 =	vsub.f32 v9, v7;
	v7 =	vld [tilespmem:s10+$0xFFFFFF50]  }
0x2a9: {  	v9 =	vld [tilespmem:s8+$0xFFFFFF20];
	[tilespmem:s10+$0xFFFFFE90] =	vst v2;
	v2 =	vshll.u32 v12, $0x10  }
0x2aa: {  	v10 =	vld [tilespmem:s10+$0xFFFFFE20];
	[tilespmem:s10+$0xFFFFFED0] =	vst v4;
	v4 =	vand.u32 $0xFFFF0000, v12;
	v2 =	vsub.f32 v2, v8  }
0x2ab: {  	v8 =	vld [tilespmem:s8+$0xFFFFFF60];
	v4 =	vsub.f32 v4, v5  }
0x2ac: {  	v5 =	vld [tilespmem:s10+$0xFFFFFE60];
	v3 =	vsub.f32 v11, v3;
	[tilespmem:s10+$0xFFFFFFA0] =	vst v2  }
0x2ad: {  	v2 =	vld [tilespmem:s10+$0xFFFFFEA0];
	v6 =	vsub.f32 v6, v7;
	[tilespmem:s10+$0xFFFFFFE0] =	vst v4  }
0x2ae: {  	v4 =	vshll.u32 v9, $0x10;
	v7 =	vand.u32 $0xFFFF0000, v9;
	[tilespmem:s10+$0xFFFFFF10] =	vst v3;
	v3 =	vld [tilespmem:s8+$0xFFFFFFF0]  }
0x2af: {  	v4 =	vsub.f32 v4, v10;
	[tilespmem:s10+$0xFFFFFF50] =	vst v6;
	v6 =	vld [tilespmem:s10+$0xFFFFFFB0]  }
0x2b0: {  	v9 =	vshll.u32 v8, $0x10;
	v8 =	vand.u32 $0xFFFF0000, v8;
	v10 =	vld [tilespmem:s10+$0xFFFFFFF0]  }
0x2b1: {  	[tilespmem:s10+$0xFFFFFE20] =	vst v4;
	v4 =	vsub.f32 v7, v5;
	v5 =	vld [tilespmem:s8+$0xFFFFFFA0]  }
0x2b2: {  	v2 =	vsub.f32 v9, v2;
	v7 =	vld [tilespmem:s10+$0xFFFFFEE0]  }
0x2b3: {  	[tilespmem:s10+$0xFFFFFE60] =	vst v4;
	v4 =	vld [tilespmem:s10+$0xFFFFFF20];
	v9 =	vshll.u32 v3, $0x10  }
0x2b4: {  	v3 =	vand.u32 $0xFFFF0000, v3;
	[tilespmem:s10+$0xFFFFFEA0] =	vst v2;
	v2 =	vld [tilespmem:s10+$0xFFFFFF60];
	v6 =	vsub.f32 v9, v6  }
0x2b5: {  	v9 =	vld [tilespmem:s8+$0xFFFFFF30];
	v3 =	vsub.f32 v3, v10  }
0x2b6: {  	v10 =	vld [tilespmem:s10+$0xFFFFFE30];
	v11 =	vshll.u32 v5, $0x10;
	v5 =	vand.u32 $0xFFFF0000, v5;
	[tilespmem:s10+$0xFFFFFFB0] =	vst v6  }
0x2b7: {  	v6 =	vld [tilespmem:s10+$0xFFFFFE70];
	v7 =	vsub.f32 v8, v7;
	[tilespmem:s10+$0xFFFFFFF0] =	vst v3  }
0x2b8: {  	v3 =	vsub.f32 v11, v4;
	v4 =	vld [tilespmem:s8+$0x0]  }
0x2b9: {  	[tilespmem:s10+$0xFFFFFEE0] =	vst v7;
	v2 =	vsub.f32 v5, v2;
	v5 =	vld [tilespmem:s10+$0x0]  }
0x2ba: {  	v7 =	vshll.u32 v9, $0x10;
	v8 =	vand.u32 $0xFFFF0000, v9;
	v9 =	vld [tilespmem:s8+$0xFFFFFF70];
	[tilespmem:s10+$0xFFFFFF20] =	vst v3  }
0x2bb: {  	v3 =	vsub.f32 v7, v10;
	v7 =	vld [tilespmem:s10+$0xFFFFFEB0];
	[tilespmem:s10+$0xFFFFFF60] =	vst v2  }
0x2bc: {  	v6 =	vsub.f32 v8, v6;
	v8 =	vld [tilespmem:s8+$0xFFFFFFB0]  }
0x2bd: {  	[tilespmem:s10+$0xFFFFFE30] =	vst v3;
	v3 =	vld [tilespmem:s10+$0xFFFFFEF0];
	v2 =	vshll.u32 v4, $0x10;
	v4 =	vand.u32 $0xFFFF0000, v4  }
0x2be: {  	[tilespmem:s10+$0xFFFFFE70] =	vst v6;
	v6 =	vld [tilespmem:s10+$0xFFFFFF30];
	v4 =	vsub.f32 v4, v5  }
0x2bf: {  	v5 =	vshll.u32 v9, $0x10;
	v9 =	vand.u32 $0xFFFF0000, v9;
	v10 =	vld [tilespmem:s10+$0xFFFFFF70]  }
0x2c0: {  	v11 =	vld [tilespmem:s8+$0xFFFFFF40];
	v5 =	vsub.f32 v5, v7;
	[tilespmem:s10+$0x0] =	vst v4  }
0x2c1: {  	v7 =	vld [tilespmem:s10+$0xFFFFFE40];
	v4 =	vshll.u32 v8, $0x10;
	v8 =	vand.u32 $0xFFFF0000, v8  }
0x2c2: {  	v12 =	vld [tilespmem:s10+$0xFFFFFE80];
	[tilespmem:s10+$0xFFFFFEB0] =	vst v5;
	v5 =	vsub.f32 v9, v3  }
0x2c3: {  	v3 =	vld [tilespmem:s10+$0xFFFFFEC0];
	v6 =	vsub.f32 v4, v6  }
0x2c4: {  	[tilespmem:s10+$0xFFFFFEF0] =	vst v5;
	v4 =	vld [tilespmem:s10+$0xFFFFFF00];
	v5 =	vsub.f32 v8, v10  }
.Ltmp6:
0x2c5: {  	v9 =	vshll.u32 v11, $0x10;
	v10 =	vand.u32 $0xFFFF0000, v11;
	v8 =	vld [tilespmem:s8+$0xFFFFFF80];
	[tilespmem:s10+$0xFFFFFF30] =	vst v6;
	(pc) =	sbr.rel @p0 .LBB2_14-.Ltmp6, $4  }
0x2c6: {  	v6 =	vsub.f32 v9, v7;
	[tilespmem:s10+$0xFFFFFF70] =	vst v5;
	v5 =	vld [tilespmem:s10+$0xFFFFFF40]  }
0x2c7: {  	v7 =	vsub.f32 v10, v12;
	v9 =	vld [tilespmem:s8+$0xFFFFFFC0]  }
0x2c8: {  	[tilespmem:s10+$0xFFFFFE40] =	vst v6;
	v6 =	vld [tilespmem:s10+$0xFFFFFF80]  }
0x2c9: {  	s8 =	sadd.s32 $0x100, s8;
	[tilespmem:s10+$0xFFFFFE80] =	vst v7;
	v7 =	vld [tilespmem:s10+$0xFFFFFFC0]  }
0x2ca: {  	v10 =	vshll.u32 v8, $0x10  }
0x2cb: {  	v60 =	vand.u32 $0xFFFF0000, v8;
	v3 =	vsub.f32 v10, v3  }
0x2cc: {  	v4 =	vsub.f32 v60, v4;
	v61 =	vshll.u32 v9, $0x10  }
0x2cd: {  	v62 =	vand.u32 $0xFFFF0000, v9;
	[tilespmem:s11+$0xFFFFFEC0] =	vst v3;
	v3 =	vsub.f32 v61, v5  }
0x2ce: {  	v63 =	vsub.f32 v62, v6;
	[tilespmem:s11+$0xFFFFFF00] =	vst v4  }
0x2cf: {  	v2 =	vsub.f32 v2, v7;
	[tilespmem:s11+$0xFFFFFF40] =	vst v3  }
0x2d0: {  	[tilespmem:s11+$0xFFFFFF80] =	vst v63  }
0x2d1: {  	[tilespmem:s11+$0xFFFFFFC0] =	vst v2  }
0x2d2: {  	_ =	swait.ge [sflag:s21], $0x50  }
0x2d3: {  	[sflag:s21] =	ssyncset.done $0x0  }
0x2d4: {  	[sflag:s21] =	ssyncadd.s32 $0xFFFFFFB0  }
0x2d5: {  	[spmem:s23] =	stream.indirect.scatter.add.f32 [tilespmem:s12], [sflag:$0x8], $0x80, s31, s28, $0xb8;
	[tilespmem:$0x1E550] =	vst v63  }
0x2d6: {  	v2 =	vld [tilespmem:$0xF0];
	_ =	sdelay $0x7  }
0x2d7: {  	[tilespmem:v2+s16+$0x0] =	vst.idx.add.f32.msk $0xffff, v1  }
0x2d8: {  	v2 =	vld [tilespmem:$0x100];
	_ =	sdelay $0x7  }
0x2d9: {  	[tilespmem:v2+s16+$0x0] =	vst.idx.add.f32.msk $0xffff, v1  }
0x2da: {  	v2 =	vld [tilespmem:$0x110];
	_ =	sdelay $0x7  }
0x2db: {  	[tilespmem:v2+s16+$0x0] =	vst.idx.add.f32.msk $0xffff, v1  }
0x2dc: {  	v2 =	vld [tilespmem:$0x120];
	_ =	sdelay $0x7  }
0x2dd: {  	[tilespmem:v2+s16+$0x0] =	vst.idx.add.f32.msk $0xffff, v1  }
0x2de: {  	v2 =	vld [tilespmem:$0x130];
	_ =	sdelay $0x7  }
0x2df: {  	[tilespmem:v2+s16+$0x0] =	vst.idx.add.f32.msk $0xffff, v1  }
0x2e0: {  	_ =	swait.ge [sflag:s22], $0x2800  }
0x2e1: {  	[sflag:s22] =	ssyncset.done $0x0  }
0x2e2: {  	[sflag:s22] =	ssyncadd.s32 $0xFFFFD800  }
0x2e3: {  	[bflag:$0x0] =	sbarrier.arrive $0xFFFF  }
0x2e4: {  	_ =	strace $0x8000004A  }
0x2e5: {  	s2 =	stileid.u32;
	s1 =	sld [smem:$0x7F7]  }
0x2e6: {  	s2 =	sshll.u32 s2, $0x6  }
0x2e7: {  	s8 =	sshrl.u32 s13, $0x3;
	s2 =	sor.u32 $0x1C0B, s2  }
0x2e8: {  	[hbm:s1], [sflag:s2] =	dma.local [spmem:s8], $0x2710  }
0x2e9: {  	_ =	swait.ge [sflag:s25], $0x2710  }
0x2ea: {  	s10 =	sld [smem:$0x7F8]  }
0x2eb: {  	[sflag:s25] =	ssyncset.done $0x0  }
0x2ec: {  	[sflag:s25] =	ssyncadd.s32 $0xFFFFD8F0  }
0x2ed: {  	[hbm4b:s10+s5] =	stream.linear.scatter [tilespmem:s16], [sflag:$0xB], $0x2710, $0x200038;
	[tilespmem:$0x1E550] =	vst v63  }
0x2ee: {  	_ =	swait.ge [sflag:s25], $0x2710  }
0x2ef: {  	s11 =	sld [smem:$0x7F4]  }
0x2f0: {  	s24 =	sld [smem:$0x7F9];
	_ =	sdelay $0x1  }
0x2f1: {  	s2 =	sadd.s32 $0x1, s11  }
0x2f2: {  	p0 =	sne.s32 s2, s24  }
.Ltmp7:
0x2f3: {  	_ = 	snop;
	(pc) =	sbr.rel @p0 .LBB2_1-.Ltmp7, $4  }
0x2f4: {  	_ = 	snop  }
0x2f5: {  	[sflag:s25] =	ssyncset.done $0x0  }
0x2f6: {  	[sflag:s25] =	ssyncadd.s32 $0xFFFFD8F0  }
0x2f7: {  	_ =	strace $0x9000004A  }
0x2f8: {  	_ =	sfence.sel $0x180000  }
0x2f9: {  	[bflag:$0x0] =	sbarrier.arrive $0xFFFF  }
0x2fa: {  	_ =	strace $0x90000047  }
0x2fb: {  	s0 =	stileid.u32;
	[bflag:$0x2] =	sbarrier.arrive $0xFFFF  }
0x2fc: {  	p0 =	sne.s32 s0, $0x0;
	s0 =	rddreg [dreg:$0x4]  }
0x2fd: {  	s0 =	sadd.s32 @!p0 $0x100000, s0  }
0x2fe: {  	[sflag:s0] =	ssyncadd.tile.s32 @!p0 $0x1;
	_ =	shalt  }
.Lfunc_end2:
_tile_overlayer_lowered:
.L_overlay_start_2:
0x2ff: {  	(tag) =	ssettag $0x2  }
0x300: {  	s0 =	rddreg [dreg:$0x0];
	s2 =	stileid.u32  }
0x301: {  	s1 =	rddreg [dreg:$0x1];
	p0 =	sne.s32 s2, $0x0  }
0x302: {  	s3 =	rddreg [dreg:$0x2];
	[bflag:$0x3] =	sbarrier.arrive $0xFFFF;
	s2 =	simm.s32 @!p0 $0x1C0B  }
0x303: {  	[timem:s3], [sflag:s2] =	dma.local @!p0 [hbm:s0], s1  }
0x304: {  	s0 =	simm.s32 @!p0 $0xB  }
0x305: {  	_ =	swait.ge @!p0 [sflag:s0], s1  }
0x306: {  	s1 =	ssub.s32 @!p0 $0x0, s1;
	[sflag:s0] =	ssyncset.done @!p0 $0x0  }
0x307: {  	[sflag:s0] =	ssyncadd.s32 @!p0 s1  }
0x308: {  	[bflag:$0x3] =	sbarrier.arrive $0xFFFF  }
0x309: {  	_ =	shalt  }

</sc_bundles>
